<compile_context>
chip_gen: v7x
topology: tpu7x:2x2x1
jax: 0.10.2.dev20260603
libtpu: 0.0.44.dev20260713+nightly
codegen_flags: <defaults>
</compile_context>

<pallas_src>
import functools
import math

import jax
import jax.numpy as jnp
from jax import lax
from jax.experimental import pallas as pl
from jax.experimental.pallas import tpu as pltpu
from jax.experimental.pallas import tpu_sc as plsc

N_HEADS = 12
FACTOR = 5
NEG_INF = float("-inf")


def _qkv_body(x_ref, wq_ref, wk_ref, wv_ref, bq_ref, bk_ref, bv_ref,
              q_ref, k_ref, v_ref):
    xb = x_ref[0]
    cn = (((1,), (0,)), ((), ()))
    f32 = jnp.float32
    q_ref[0, 0] = jax.lax.dot_general(xb, wq_ref[0], cn,
                                      preferred_element_type=f32) + bq_ref[0]
    k_ref[0, 0] = jax.lax.dot_general(xb, wk_ref[0], cn,
                                      preferred_element_type=f32) + bk_ref[0]
    v_ref[0, 0] = jax.lax.dot_general(xb, wv_ref[0], cn,
                                      preferred_element_type=f32) + bv_ref[0]


def _make_wbuild_sc(L, u_part):
    info = plsc.get_sparse_core_info()
    nw = info.num_cores * info.num_subcores
    rows_w = L // nw
    half = 16
    nchunks = rows_w // half
    mesh = plsc.VectorSubcoreMesh(core_axis_name="c", subcore_axis_name="s")

    upad = ((u_part + 15) // 16) * 16
    ngrp = upad // 16
    rem = u_part - (ngrp - 1) * 16

    @functools.partial(
        pl.kernel, mesh=mesh,
        out_type=jax.ShapeDtypeStruct((L * L,), jnp.float32),
        compiler_params=pltpu.CompilerParams(needs_layout_passes=False),
        scratch_types=[
            pltpu.VMEM((half * upad,), jnp.int32),
            pltpu.VMEM((half * L,), jnp.float32),
        ],
    )
    def wbuild(idx_hbm, zero_hbm, wcnt_hbm, idx_v, cnt_v):
        wid = lax.axis_index("s") * info.num_cores + lax.axis_index("c")
        base = wid * rows_w
        lane = lax.iota(jnp.int32, 16)
        ones = jnp.ones((16,), jnp.float32)
        zeros = jnp.zeros((16,), jnp.float32)
        tailmask = lane < rem
        for c in range(nchunks):
            r0 = base + c * half
            pltpu.sync_copy(idx_hbm.at[pl.ds(r0 * upad, half * upad)], idx_v)
            pltpu.sync_copy(zero_hbm, cnt_v)
            for r in range(half):
                rowbase = r * L
                for g in range(ngrp):
                    vals = idx_v[pl.ds(r * upad + g * 16, 16)]
                    tgt = rowbase + vals
                    if g < ngrp - 1 or rem == 16:
                        plsc.addupdate_scatter(cnt_v, [tgt], ones)
                    else:
                        plsc.addupdate_scatter(cnt_v, [tgt], ones,
                                               mask=tailmask)
            pltpu.sync_copy(cnt_v, wcnt_hbm.at[pl.ds(r0 * L, half * L)])

    return wbuild


def _m_body(q_ref, k_ref, wcnt_ref, m_ref, *, blk):
    L = q_ref.shape[2]
    nblk = L // blk
    cn_t = (((1,), (1,)), ((), ()))
    f32 = jnp.float32
    kv = k_ref[0, 0]

    def m_block(i, _):
        qb = q_ref[0, 0, pl.ds(i * blk, blk), :]
        s = jax.lax.dot_general(qb, kv, cn_t, preferred_element_type=f32)
        cnt = wcnt_ref[pl.ds(i * blk, blk), :]
        smax = jnp.max(jnp.where(cnt > 0, s, NEG_INF), axis=1)
        ssum = jnp.sum(s * cnt, axis=1)
        mb = smax - ssum * (1.0 / L)
        m_ref[0, :, pl.ds(i * blk, blk)] = mb.reshape(1, blk)
        return 0

    jax.lax.fori_loop(0, nblk, m_block, 0)


def _topk_body(m_ref, t_ref, *, u, upad):
    G, L = m_ref.shape[0], m_ref.shape[2]
    f32 = jnp.float32
    m = m_ref[...].reshape(G, L)
    pos = jax.lax.broadcasted_iota(jnp.int32, (G, L), 1)
    lane = jax.lax.broadcasted_iota(jnp.int32, (G, upad), 1)

    def topk_body(j, carry):
        m_cur, tops = carry
        rmax = jnp.max(m_cur, axis=1, keepdims=True)
        sel = jnp.min(jnp.where(m_cur == rmax, pos, 2 * L), axis=1,
                      keepdims=True)
        tops = jnp.where(lane == j, sel, tops)
        m_cur = jnp.where(pos == sel, NEG_INF, m_cur)
        return m_cur, tops

    tops0 = jnp.full((G, upad), 2 * L, jnp.int32)
    _, tops = jax.lax.fori_loop(0, u, topk_body, (m, tops0))
    t_ref[...] = tops.reshape(G, 1, upad)


def _finish_body(q_ref, k_ref, v_ref, t_ref, wo_ref, bo_ref, out_ref, *, blk):
    L, dh = q_ref.shape[2], q_ref.shape[3]
    D = out_ref.shape[2]
    nblk = L // blk
    upad = t_ref.shape[2]
    cn_t = (((1,), (1,)), ((), ()))
    cn_m = (((1,), (0,)), ((), ()))
    hp = jax.lax.Precision.HIGHEST
    f32 = jnp.float32
    h = pl.program_id(1)

    kv = k_ref[0, 0]
    vv = v_ref[0, 0]
    wo = wo_ref[0]
    tops = t_ref[0]
    tops_col = tops.reshape(upad, 1)

    k_iota = jax.lax.broadcasted_iota(jnp.int32, (upad, L), 1)
    onehot = (k_iota == tops_col).astype(f32)
    q_sel = jax.lax.dot_general(onehot, q_ref[0, 0], cn_m, precision=hp,
                                preferred_element_type=f32)
    scores = jax.lax.dot_general(q_sel, kv, cn_t, preferred_element_type=f32)
    scores = scores * (1.0 / math.sqrt(dh))
    scores = jnp.where(k_iota > tops_col, NEG_INF, scores)
    scores = scores - jnp.max(scores, axis=1, keepdims=True)
    p = jnp.exp(scores)
    attn = p / jnp.sum(p, axis=1, keepdims=True)
    update = jax.lax.dot_general(attn, vv, cn_m,
                                 preferred_element_type=f32)

    tri = (jax.lax.broadcasted_iota(jnp.int32, (blk, blk), 0)
           >= jax.lax.broadcasted_iota(jnp.int32, (blk, blk), 1)).astype(f32)
    row_iota = jax.lax.broadcasted_iota(jnp.int32, (blk, 1), 0)

    def ctx_block(i, carry):
        vb = v_ref[0, 0, pl.ds(i * blk, blk), :]
        csum = jax.lax.dot_general(tri, vb, cn_m, precision=hp,
                                   preferred_element_type=f32) + carry
        offs = row_iota + i * blk
        selmat = (offs == tops).astype(f32)
        repl = jax.lax.dot_general(selmat, update, cn_m, precision=hp,
                                   preferred_element_type=f32)
        issel = jnp.sum(selmat, axis=1, keepdims=True) > 0
        ctx_blk = jnp.where(issel, repl, csum)
        part = jax.lax.dot_general(ctx_blk, wo, cn_m,
                                   preferred_element_type=f32)

        @pl.when(h == 0)
        def _():
            out_ref[0, pl.ds(i * blk, blk), :] = part + bo_ref[0]

        @pl.when(h != 0)
        def _():
            out_ref[0, pl.ds(i * blk, blk), :] = (
                out_ref[0, pl.ds(i * blk, blk), :] + part)

        return jax.lax.slice(csum, (blk - 1, 0), (blk, dh))

    jax.lax.fori_loop(0, nblk, ctx_block, jnp.zeros((1, dh), f32))


def kernel(x, Wq, bq, Wk, bk, Wv, bv, Wo, bo, index_sample):
    B, L, D = x.shape
    H = N_HEADS
    dh = D // H
    u = min(FACTOR * int(math.ceil(math.log(L))), L)
    u_part = index_sample.shape[1]
    blk = 128
    f32 = jnp.float32

    idx = index_sample.astype(jnp.int32)
    wq_r = Wq.reshape(D, H, dh).transpose(1, 0, 2)
    wk_r = Wk.reshape(D, H, dh).transpose(1, 0, 2)
    wv_r = Wv.reshape(D, H, dh).transpose(1, 0, 2)
    wo_r = Wo.reshape(H, dh, D)
    bq_r = bq.reshape(H, 1, dh)
    bk_r = bk.reshape(H, 1, dh)
    bv_r = bv.reshape(H, 1, dh)
    bo_r = bo.reshape(1, 1, D)

    qkv_shape = jax.ShapeDtypeStruct((B, H, L, dh), f32)
    q, k, v = pl.pallas_call(
        _qkv_body,
        grid=(B, H),
        in_specs=[
            pl.BlockSpec((1, L, D), lambda b, h: (b, 0, 0)),
            pl.BlockSpec((1, D, dh), lambda b, h: (h, 0, 0)),
            pl.BlockSpec((1, D, dh), lambda b, h: (h, 0, 0)),
            pl.BlockSpec((1, D, dh), lambda b, h: (h, 0, 0)),
            pl.BlockSpec((1, 1, dh), lambda b, h: (h, 0, 0)),
            pl.BlockSpec((1, 1, dh), lambda b, h: (h, 0, 0)),
            pl.BlockSpec((1, 1, dh), lambda b, h: (h, 0, 0)),
        ],
        out_specs=[
            pl.BlockSpec((1, 1, L, dh), lambda b, h: (b, h, 0, 0)),
            pl.BlockSpec((1, 1, L, dh), lambda b, h: (b, h, 0, 0)),
            pl.BlockSpec((1, 1, L, dh), lambda b, h: (b, h, 0, 0)),
        ],
        out_shape=[qkv_shape, qkv_shape, qkv_shape],
    )(x, wq_r, wk_r, wv_r, bq_r, bk_r, bv_r)

    upad_s = ((u_part + 15) // 16) * 16
    idx_pad = jnp.pad(idx, ((0, 0), (0, upad_s - u_part)))
    wcnt = _make_wbuild_sc(L, u_part)(
        idx_pad.reshape(L * upad_s), jnp.zeros((16 * L,), f32)).reshape(L, L)

    m = pl.pallas_call(
        functools.partial(_m_body, blk=blk),
        grid=(B * H,),
        in_specs=[
            pl.BlockSpec((1, 1, L, dh), lambda g: (g // H, g % H, 0, 0)),
            pl.BlockSpec((1, 1, L, dh), lambda g: (g // H, g % H, 0, 0)),
            pl.BlockSpec((L, L), lambda g: (0, 0)),
        ],
        out_specs=pl.BlockSpec((1, 1, L), lambda g: (g, 0, 0)),
        out_shape=jax.ShapeDtypeStruct((B * H, 1, L), f32),
    )(q, k, wcnt)

    upad = 64
    tops = pl.pallas_call(
        functools.partial(_topk_body, u=u, upad=upad),
        in_specs=[pl.BlockSpec((B * H, 1, L), lambda: (0, 0, 0))],
        out_specs=pl.BlockSpec((B * H, 1, upad), lambda: (0, 0, 0)),
        out_shape=jax.ShapeDtypeStruct((B * H, 1, upad), jnp.int32),
    )(m)

    out = pl.pallas_call(
        functools.partial(_finish_body, blk=blk),
        grid=(B, H),
        in_specs=[
            pl.BlockSpec((1, 1, L, dh), lambda b, h: (b, h, 0, 0)),
            pl.BlockSpec((1, 1, L, dh), lambda b, h: (b, h, 0, 0)),
            pl.BlockSpec((1, 1, L, dh), lambda b, h: (b, h, 0, 0)),
            pl.BlockSpec((1, 1, upad), lambda b, h: (b * H + h, 0, 0)),
            pl.BlockSpec((1, dh, D), lambda b, h: (h, 0, 0)),
            pl.BlockSpec((1, 1, D), lambda b, h: (0, 0, 0)),
        ],
        out_specs=pl.BlockSpec((1, L, D), lambda b, h: (b, 0, 0)),
        out_shape=jax.ShapeDtypeStruct((B, L, D), f32),
    )(q, k, v, tops, wo_r, bo_r)
    return out

# --- scband reference (transcript-rebuilt; emitter-appended) ---
"""Pipeline reference for scband-multi-head-prob-attention-39144331936381 (READ-ONLY COPY).

The authoritative reference and input builder live on the scoring server;
editing this copy changes nothing except your own understanding.
"""

import jax, jax.numpy as jnp
import numpy as np
from math import sqrt

B, L, D_MODEL, N_HEADS, FACTOR = 2, 2048, 768, 12, 5


def setup_inputs(seed: int = 0) -> dict:
    key = jax.random.key(seed)
    ks = jax.random.split(key, 6)
    x = jax.random.normal(ks[0], (B, L, D_MODEL), dtype=jnp.float32)
    s = 1.0 / np.sqrt(D_MODEL)
    Wq = jax.random.normal(ks[1], (D_MODEL, D_MODEL), dtype=jnp.float32) * s
    bq = jnp.zeros((D_MODEL,), jnp.float32)
    Wk = jax.random.normal(ks[2], (D_MODEL, D_MODEL), dtype=jnp.float32) * s
    bk = jnp.zeros((D_MODEL,), jnp.float32)
    Wv = jax.random.normal(ks[3], (D_MODEL, D_MODEL), dtype=jnp.float32) * s
    bv = jnp.zeros((D_MODEL,), jnp.float32)
    Wo = jax.random.normal(ks[4], (D_MODEL, D_MODEL), dtype=jnp.float32) * s
    bo = jnp.zeros((D_MODEL,), jnp.float32)
    U_part = min(FACTOR * int(np.ceil(np.log(L))), L)
    index_sample = jax.random.randint(ks[5], (L, U_part), 0, L)
    return dict(x=x, Wq=Wq, bq=bq, Wk=Wk, bk=bk, Wv=Wv, bv=bv, Wo=Wo, bo=bo,
                index_sample=index_sample)


def _prob_attention(Q, K, V, index_sample):
    # Q, K, V: [B, H, L, dh]; ProbAttention with mask_flag=True (causal ProbMask)
    Bq, H, L_Q, dh = Q.shape
    L_K = K.shape[2]
    u = min(FACTOR * int(np.ceil(np.log(L_Q))), L_Q)
    # _prob_QK: sample keys, score queries by sparsity measure M
    K_sample = K[:, :, index_sample, :]                              # [B,H,L_Q,U_part,dh]
    Q_K_sample = jnp.einsum('bhld,bhlsd->bhls', Q, K_sample)         # [B,H,L_Q,U_part]
    M = Q_K_sample.max(axis=-1) - Q_K_sample.sum(axis=-1) / L_K      # [B,H,L_Q]
    M_top = jax.lax.top_k(M, u)[1]                                   # [B,H,u]
    Q_reduce = jnp.take_along_axis(Q, M_top[..., None], axis=2)      # [B,H,u,dh]
    scores = jnp.einsum('bhud,bhkd->bhuk', Q_reduce, K)              # [B,H,u,L_K]
    # scale = 1/sqrt(d_head)
    scores = scores * (1.0 / sqrt(dh))
    # ProbMask: gather rows of the causal triu mask at the selected query indices
    causal = jnp.triu(jnp.ones((L_Q, L_K), dtype=bool), 1)
    mask = causal[M_top]                                             # [B,H,u,L_K]
    scores = jnp.where(mask, -jnp.inf, scores)
    attn = jax.nn.softmax(scores, axis=-1)
    # initial context for mask_flag=True: cumulative sum of V
    context = jnp.cumsum(V, axis=2)                                  # [B,H,L,dh]
    update = jnp.einsum('bhuk,bhkd->bhud', attn, V)                  # [B,H,u,dh]
    b_idx = jnp.arange(Bq)[:, None, None]
    h_idx = jnp.arange(H)[None, :, None]
    context = context.at[b_idx, h_idx, M_top].set(update)
    return context


def reference(x, Wq, bq, Wk, bk, Wv, bv, Wo, bo, index_sample):
    Bx, Lx, D = x.shape
    H = N_HEADS
    dh = D // H
    Q = (x @ Wq + bq).reshape(Bx, Lx, H, dh).transpose(0, 2, 1, 3)
    K = (x @ Wk + bk).reshape(Bx, Lx, H, dh).transpose(0, 2, 1, 3)
    V = (x @ Wv + bv).reshape(Bx, Lx, H, dh).transpose(0, 2, 1, 3)
    context = _prob_attention(Q, K, V, index_sample)
    context = context.transpose(0, 2, 1, 3).reshape(Bx, Lx, D)
    out = context @ Wo + bo  # dropout in eval mode -> identity
    return out

if __name__ == "__main__":
    import jax
    _d = setup_inputs()
    print(jax.jit(kernel)(*tuple(_d.values())))

</pallas_src>

<mosaic_0001>
#map = affine_map<(d0, d1) -> (0)>
module attributes {stable_mosaic.version = 14 : i64} {
  func.func @wbuild(%arg0: i32, %arg1: i32, %arg2: memref<98304xi32, #tpu.memory_space<hbm>>, %arg3: memref<32768xf32, #tpu.memory_space<hbm>>, %arg4: memref<4194304xf32, #tpu.memory_space<hbm>>, %arg5: memref<768xi32, #tpu.memory_space<vmem>>, %arg6: memref<32768xf32, #tpu.memory_space<vmem>>) attributes {dimension_semantics = [#tpu.dimension_semantics<core_parallel>, #tpu.dimension_semantics<subcore_parallel>], iteration_bounds = array<i64: 2, 16>, scalar_prefetch = 0 : i64, scratch_operands = 2 : i64, tpu.core_type = #tpu.core_type<sc_vector_subcore>, window_params = [{transform_indices = #map}, {transform_indices = #map}, {transform_indices = #map}]} {
    %mul3A = arith.constant 2 : i32
    %mul3A_0 = arith.muli %arg1, %mul3A : i32
    %add3A = arith.addi %mul3A_0, %arg0 : i32
    %mul3A_1 = arith.constant 64 : i32
    %mul3A_2 = arith.muli %add3A, %mul3A_1 : i32
    %iota3A = tpu.iota {dimensions = array<i32: 0>} : vector<16xi32>
    %broadcast_in_dim3A = arith.constant 1.000000e+00 : f32
    %broadcast_in_dim3A_3 = vector.broadcast %broadcast_in_dim3A : f32 to vector<16xf32>
    %broadcast_in_dim3A_4 = arith.constant 0.000000e+00 : f32
    %broadcast_in_dim3A_5 = vector.broadcast %broadcast_in_dim3A_4 : f32 to vector<16xf32>
    %lt3A = arith.constant 8 : i32
    %lt3A_6 = vector.broadcast %lt3A : i32 to vector<16xi32>
    %lt3A_7 = arith.cmpi slt, %iota3A, %lt3A_6 : vector<16xi32>
    %add3A_8 = arith.constant 0 : i32
    %add3A_9 = arith.addi %mul3A_2, %add3A_8 : i32
    %mul3A_10 = arith.constant 48 : i32
    %mul3A_11 = arith.muli %add3A_9, %mul3A_10 : i32
    "tpu.region"() ({
      %run_scoped3A = tpu.sem_alloc : memref<!tpu.dma_semaphore, #tpu.memory_space<semaphore_mem>>
      %dma_start3A = tpu.memref_slice %arg2[%mul3A_11] : memref<98304xi32, #tpu.memory_space<hbm>> -> memref<768xi32, #tpu.memory_space<hbm>>
      %dma_start3A_991 = tpu.memref_slice %arg2[%mul3A_11] : memref<98304xi32, #tpu.memory_space<hbm>> -> memref<768xi32, #tpu.memory_space<hbm>>
      tpu.enqueue_dma source(%dma_start3A_991 : memref<768xi32, #tpu.memory_space<hbm>>) target(%arg5 : memref<768xi32, #tpu.memory_space<vmem>>) target_semaphore(%run_scoped3A : memref<!tpu.dma_semaphore, #tpu.memory_space<semaphore_mem>>)
      %dma_wait3A = tpu.memref_slice %arg2[%mul3A_11] : memref<98304xi32, #tpu.memory_space<hbm>> -> memref<768xi32, #tpu.memory_space<hbm>>
      %dma_wait3A_992 = tpu.memref_slice %arg2[%mul3A_11] : memref<98304xi32, #tpu.memory_space<hbm>> -> memref<768xi32, #tpu.memory_space<hbm>>
      tpu.wait_dma2 semaphore(%run_scoped3A : memref<!tpu.dma_semaphore, #tpu.memory_space<semaphore_mem>>) src(%dma_wait3A_992 : memref<768xi32, #tpu.memory_space<hbm>>) dst(%arg5 : memref<768xi32, #tpu.memory_space<vmem>>)
      tpu.yield
    }) : () -> ()
    "tpu.region"() ({
      %run_scoped3A = tpu.sem_alloc : memref<!tpu.dma_semaphore, #tpu.memory_space<semaphore_mem>>
      tpu.enqueue_dma source(%arg3 : memref<32768xf32, #tpu.memory_space<hbm>>) target(%arg6 : memref<32768xf32, #tpu.memory_space<vmem>>) target_semaphore(%run_scoped3A : memref<!tpu.dma_semaphore, #tpu.memory_space<semaphore_mem>>)
      tpu.wait_dma2 semaphore(%run_scoped3A : memref<!tpu.dma_semaphore, #tpu.memory_space<semaphore_mem>>) src(%arg3 : memref<32768xf32, #tpu.memory_space<hbm>>) dst(%arg6 : memref<32768xf32, #tpu.memory_space<vmem>>)
      tpu.yield
    }) : () -> ()
    %get3A = arith.constant 0 : index
    %get3A_12 = tpu.vector_load %arg5[%get3A] {strides = array<i32>} : memref<768xi32, #tpu.memory_space<vmem>>, vector<16xi32>,
    %add3A_13 = arith.constant 0 : i32
    %add3A_14 = vector.broadcast %add3A_13 : i32 to vector<16xi32>
    %add3A_15 = arith.addi %add3A_14, %get3A_12 : vector<16xi32>
    tpu.vector_store_idx %arg6[%add3A_15], %broadcast_in_dim3A_3 {add = true} : memref<32768xf32, #tpu.memory_space<vmem>>[vector<16xi32>], vector<16xf32>,
    %get3A_16 = arith.constant 16 : index
    %get3A_17 = tpu.vector_load %arg5[%get3A_16] {strides = array<i32>} : memref<768xi32, #tpu.memory_space<vmem>>, vector<16xi32>,
    %add3A_18 = arith.constant 0 : i32
    %add3A_19 = vector.broadcast %add3A_18 : i32 to vector<16xi32>
    %add3A_20 = arith.addi %add3A_19, %get3A_17 : vector<16xi32>
    tpu.vector_store_idx %arg6[%add3A_20], %broadcast_in_dim3A_3 {add = true} : memref<32768xf32, #tpu.memory_space<vmem>>[vector<16xi32>], vector<16xf32>,
    %get3A_21 = arith.constant 32 : index
    %get3A_22 = tpu.vector_load %arg5[%get3A_21] {strides = array<i32>} : memref<768xi32, #tpu.memory_space<vmem>>, vector<16xi32>,
    %add3A_23 = arith.constant 0 : i32
    %add3A_24 = vector.broadcast %add3A_23 : i32 to vector<16xi32>
    %add3A_25 = arith.addi %add3A_24, %get3A_22 : vector<16xi32>
    tpu.vector_store_idx %arg6[%add3A_25], %broadcast_in_dim3A_3 masked %lt3A_7 {add = true} : memref<32768xf32, #tpu.memory_space<vmem>>[vector<16xi32>], vector<16xf32>, vector<16xi1>
    %get3A_26 = arith.constant 48 : index
    %get3A_27 = tpu.vector_load %arg5[%get3A_26] {strides = array<i32>} : memref<768xi32, #tpu.memory_space<vmem>>, vector<16xi32>,
    %add3A_28 = arith.constant 2048 : i32
    %add3A_29 = vector.broadcast %add3A_28 : i32 to vector<16xi32>
    %add3A_30 = arith.addi %add3A_29, %get3A_27 : vector<16xi32>
    tpu.vector_store_idx %arg6[%add3A_30], %broadcast_in_dim3A_3 {add = true} : memref<32768xf32, #tpu.memory_space<vmem>>[vector<16xi32>], vector<16xf32>,
    %get3A_31 = arith.constant 64 : index
    %get3A_32 = tpu.vector_load %arg5[%get3A_31] {strides = array<i32>} : memref<768xi32, #tpu.memory_space<vmem>>, vector<16xi32>,
    %add3A_33 = arith.constant 2048 : i32
    %add3A_34 = vector.broadcast %add3A_33 : i32 to vector<16xi32>
    %add3A_35 = arith.addi %add3A_34, %get3A_32 : vector<16xi32>
    tpu.vector_store_idx %arg6[%add3A_35], %broadcast_in_dim3A_3 {add = true} : memref<32768xf32, #tpu.memory_space<vmem>>[vector<16xi32>], vector<16xf32>,
    %get3A_36 = arith.constant 80 : index
    %get3A_37 = tpu.vector_load %arg5[%get3A_36] {strides = array<i32>} : memref<768xi32, #tpu.memory_space<vmem>>, vector<16xi32>,
    %add3A_38 = arith.constant 2048 : i32
    %add3A_39 = vector.broadcast %add3A_38 : i32 to vector<16xi32>
    %add3A_40 = arith.addi %add3A_39, %get3A_37 : vector<16xi32>
    tpu.vector_store_idx %arg6[%add3A_40], %broadcast_in_dim3A_3 masked %lt3A_7 {add = true} : memref<32768xf32, #tpu.memory_space<vmem>>[vector<16xi32>], vector<16xf32>, vector<16xi1>
    %get3A_41 = arith.constant 96 : index
    %get3A_42 = tpu.vector_load %arg5[%get3A_41] {strides = array<i32>} : memref<768xi32, #tpu.memory_space<vmem>>, vector<16xi32>,
    %add3A_43 = arith.constant 4096 : i32
    %add3A_44 = vector.broadcast %add3A_43 : i32 to vector<16xi32>
    %add3A_45 = arith.addi %add3A_44, %get3A_42 : vector<16xi32>
    tpu.vector_store_idx %arg6[%add3A_45], %broadcast_in_dim3A_3 {add = true} : memref<32768xf32, #tpu.memory_space<vmem>>[vector<16xi32>], vector<16xf32>,
    %get3A_46 = arith.constant 112 : index
    %get3A_47 = tpu.vector_load %arg5[%get3A_46] {strides = array<i32>} : memref<768xi32, #tpu.memory_space<vmem>>, vector<16xi32>,
    %add3A_48 = arith.constant 4096 : i32
    %add3A_49 = vector.broadcast %add3A_48 : i32 to vector<16xi32>
    %add3A_50 = arith.addi %add3A_49, %get3A_47 : vector<16xi32>
    tpu.vector_store_idx %arg6[%add3A_50], %broadcast_in_dim3A_3 {add = true} : memref<32768xf32, #tpu.memory_space<vmem>>[vector<16xi32>], vector<16xf32>,
    %get3A_51 = arith.constant 128 : index
    %get3A_52 = tpu.vector_load %arg5[%get3A_51] {strides = array<i32>} : memref<768xi32, #tpu.memory_space<vmem>>, vector<16xi32>,
    %add3A_53 = arith.constant 4096 : i32
    %add3A_54 = vector.broadcast %add3A_53 : i32 to vector<16xi32>
    %add3A_55 = arith.addi %add3A_54, %get3A_52 : vector<16xi32>
    tpu.vector_store_idx %arg6[%add3A_55], %broadcast_in_dim3A_3 masked %lt3A_7 {add = true} : memref<32768xf32, #tpu.memory_space<vmem>>[vector<16xi32>], vector<16xf32>, vector<16xi1>
    %get3A_56 = arith.constant 144 : index
    %get3A_57 = tpu.vector_load %arg5[%get3A_56] {strides = array<i32>} : memref<768xi32, #tpu.memory_space<vmem>>, vector<16xi32>,
    %add3A_58 = arith.constant 6144 : i32
    %add3A_59 = vector.broadcast %add3A_58 : i32 to vector<16xi32>
    %add3A_60 = arith.addi %add3A_59, %get3A_57 : vector<16xi32>
    tpu.vector_store_idx %arg6[%add3A_60], %broadcast_in_dim3A_3 {add = true} : memref<32768xf32, #tpu.memory_space<vmem>>[vector<16xi32>], vector<16xf32>,
    %get3A_61 = arith.constant 160 : index
    %get3A_62 = tpu.vector_load %arg5[%get3A_61] {strides = array<i32>} : memref<768xi32, #tpu.memory_space<vmem>>, vector<16xi32>,
    %add3A_63 = arith.constant 6144 : i32
    %add3A_64 = vector.broadcast %add3A_63 : i32 to vector<16xi32>
    %add3A_65 = arith.addi %add3A_64, %get3A_62 : vector<16xi32>
    tpu.vector_store_idx %arg6[%add3A_65], %broadcast_in_dim3A_3 {add = true} : memref<32768xf32, #tpu.memory_space<vmem>>[vector<16xi32>], vector<16xf32>,
    %get3A_66 = arith.constant 176 : index
    %get3A_67 = tpu.vector_load %arg5[%get3A_66] {strides = array<i32>} : memref<768xi32, #tpu.memory_space<vmem>>, vector<16xi32>,
    %add3A_68 = arith.constant 6144 : i32
    %add3A_69 = vector.broadcast %add3A_68 : i32 to vector<16xi32>
    %add3A_70 = arith.addi %add3A_69, %get3A_67 : vector<16xi32>
    tpu.vector_store_idx %arg6[%add3A_70], %broadcast_in_dim3A_3 masked %lt3A_7 {add = true} : memref<32768xf32, #tpu.memory_space<vmem>>[vector<16xi32>], vector<16xf32>, vector<16xi1>
    %get3A_71 = arith.constant 192 : index
    %get3A_72 = tpu.vector_load %arg5[%get3A_71] {strides = array<i32>} : memref<768xi32, #tpu.memory_space<vmem>>, vector<16xi32>,
    %add3A_73 = arith.constant 8192 : i32
    %add3A_74 = vector.broadcast %add3A_73 : i32 to vector<16xi32>
    %add3A_75 = arith.addi %add3A_74, %get3A_72 : vector<16xi32>
    tpu.vector_store_idx %arg6[%add3A_75], %broadcast_in_dim3A_3 {add = true} : memref<32768xf32, #tpu.memory_space<vmem>>[vector<16xi32>], vector<16xf32>,
    %get3A_76 = arith.constant 208 : index
    %get3A_77 = tpu.vector_load %arg5[%get3A_76] {strides = array<i32>} : memref<768xi32, #tpu.memory_space<vmem>>, vector<16xi32>,
    %add3A_78 = arith.constant 8192 : i32
    %add3A_79 = vector.broadcast %add3A_78 : i32 to vector<16xi32>
    %add3A_80 = arith.addi %add3A_79, %get3A_77 : vector<16xi32>
    tpu.vector_store_idx %arg6[%add3A_80], %broadcast_in_dim3A_3 {add = true} : memref<32768xf32, #tpu.memory_space<vmem>>[vector<16xi32>], vector<16xf32>,
    %get3A_81 = arith.constant 224 : index
    %get3A_82 = tpu.vector_load %arg5[%get3A_81] {strides = array<i32>} : memref<768xi32, #tpu.memory_space<vmem>>, vector<16xi32>,
    %add3A_83 = arith.constant 8192 : i32
    %add3A_84 = vector.broadcast %add3A_83 : i32 to vector<16xi32>
    %add3A_85 = arith.addi %add3A_84, %get3A_82 : vector<16xi32>
    tpu.vector_store_idx %arg6[%add3A_85], %broadcast_in_dim3A_3 masked %lt3A_7 {add = true} : memref<32768xf32, #tpu.memory_space<vmem>>[vector<16xi32>], vector<16xf32>, vector<16xi1>
    %get3A_86 = arith.constant 240 : index
    %get3A_87 = tpu.vector_load %arg5[%get3A_86] {strides = array<i32>} : memref<768xi32, #tpu.memory_space<vmem>>, vector<16xi32>,
    %add3A_88 = arith.constant 10240 : i32
    %add3A_89 = vector.broadcast %add3A_88 : i32 to vector<16xi32>
    %add3A_90 = arith.addi %add3A_89, %get3A_87 : vector<16xi32>
    tpu.vector_store_idx %arg6[%add3A_90], %broadcast_in_dim3A_3 {add = true} : memref<32768xf32, #tpu.memory_space<vmem>>[vector<16xi32>], vector<16xf32>,
    %get3A_91 = arith.constant 256 : index
    %get3A_92 = tpu.vector_load %arg5[%get3A_91] {strides = array<i32>} : memref<768xi32, #tpu.memory_space<vmem>>, vector<16xi32>,
    %add3A_93 = arith.constant 10240 : i32
    %add3A_94 = vector.broadcast %add3A_93 : i32 to vector<16xi32>
    %add3A_95 = arith.addi %add3A_94, %get3A_92 : vector<16xi32>
    tpu.vector_store_idx %arg6[%add3A_95], %broadcast_in_dim3A_3 {add = true} : memref<32768xf32, #tpu.memory_space<vmem>>[vector<16xi32>], vector<16xf32>,
    %get3A_96 = arith.constant 272 : index
    %get3A_97 = tpu.vector_load %arg5[%get3A_96] {strides = array<i32>} : memref<768xi32, #tpu.memory_space<vmem>>, vector<16xi32>,
    %add3A_98 = arith.constant 10240 : i32
    %add3A_99 = vector.broadcast %add3A_98 : i32 to vector<16xi32>
    %add3A_100 = arith.addi %add3A_99, %get3A_97 : vector<16xi32>
    tpu.vector_store_idx %arg6[%add3A_100], %broadcast_in_dim3A_3 masked %lt3A_7 {add = true} : memref<32768xf32, #tpu.memory_space<vmem>>[vector<16xi32>], vector<16xf32>, vector<16xi1>
    %get3A_101 = arith.constant 288 : index
    %get3A_102 = tpu.vector_load %arg5[%get3A_101] {strides = array<i32>} : memref<768xi32, #tpu.memory_space<vmem>>, vector<16xi32>,
    %add3A_103 = arith.constant 12288 : i32
    %add3A_104 = vector.broadcast %add3A_103 : i32 to vector<16xi32>
    %add3A_105 = arith.addi %add3A_104, %get3A_102 : vector<16xi32>
    tpu.vector_store_idx %arg6[%add3A_105], %broadcast_in_dim3A_3 {add = true} : memref<32768xf32, #tpu.memory_space<vmem>>[vector<16xi32>], vector<16xf32>,
    %get3A_106 = arith.constant 304 : index
    %get3A_107 = tpu.vector_load %arg5[%get3A_106] {strides = array<i32>} : memref<768xi32, #tpu.memory_space<vmem>>, vector<16xi32>,
    %add3A_108 = arith.constant 12288 : i32
    %add3A_109 = vector.broadcast %add3A_108 : i32 to vector<16xi32>
    %add3A_110 = arith.addi %add3A_109, %get3A_107 : vector<16xi32>
    tpu.vector_store_idx %arg6[%add3A_110], %broadcast_in_dim3A_3 {add = true} : memref<32768xf32, #tpu.memory_space<vmem>>[vector<16xi32>], vector<16xf32>,
    %get3A_111 = arith.constant 320 : index
    %get3A_112 = tpu.vector_load %arg5[%get3A_111] {strides = array<i32>} : memref<768xi32, #tpu.memory_space<vmem>>, vector<16xi32>,
    %add3A_113 = arith.constant 12288 : i32
    %add3A_114 = vector.broadcast %add3A_113 : i32 to vector<16xi32>
    %add3A_115 = arith.addi %add3A_114, %get3A_112 : vector<16xi32>
    tpu.vector_store_idx %arg6[%add3A_115], %broadcast_in_dim3A_3 masked %lt3A_7 {add = true} : memref<32768xf32, #tpu.memory_space<vmem>>[vector<16xi32>], vector<16xf32>, vector<16xi1>
    %get3A_116 = arith.constant 336 : index
    %get3A_117 = tpu.vector_load %arg5[%get3A_116] {strides = array<i32>} : memref<768xi32, #tpu.memory_space<vmem>>, vector<16xi32>,
    %add3A_118 = arith.constant 14336 : i32
    %add3A_119 = vector.broadcast %add3A_118 : i32 to vector<16xi32>
    %add3A_120 = arith.addi %add3A_119, %get3A_117 : vector<16xi32>
    tpu.vector_store_idx %arg6[%add3A_120], %broadcast_in_dim3A_3 {add = true} : memref<32768xf32, #tpu.memory_space<vmem>>[vector<16xi32>], vector<16xf32>,
    %get3A_121 = arith.constant 352 : index
    %get3A_122 = tpu.vector_load %arg5[%get3A_121] {strides = array<i32>} : memref<768xi32, #tpu.memory_space<vmem>>, vector<16xi32>,
    %add3A_123 = arith.constant 14336 : i32
    %add3A_124 = vector.broadcast %add3A_123 : i32 to vector<16xi32>
    %add3A_125 = arith.addi %add3A_124, %get3A_122 : vector<16xi32>
    tpu.vector_store_idx %arg6[%add3A_125], %broadcast_in_dim3A_3 {add = true} : memref<32768xf32, #tpu.memory_space<vmem>>[vector<16xi32>], vector<16xf32>,
    %get3A_126 = arith.constant 368 : index
    %get3A_127 = tpu.vector_load %arg5[%get3A_126] {strides = array<i32>} : memref<768xi32, #tpu.memory_space<vmem>>, vector<16xi32>,
    %add3A_128 = arith.constant 14336 : i32
    %add3A_129 = vector.broadcast %add3A_128 : i32 to vector<16xi32>
    %add3A_130 = arith.addi %add3A_129, %get3A_127 : vector<16xi32>
    tpu.vector_store_idx %arg6[%add3A_130], %broadcast_in_dim3A_3 masked %lt3A_7 {add = true} : memref<32768xf32, #tpu.memory_space<vmem>>[vector<16xi32>], vector<16xf32>, vector<16xi1>
    %get3A_131 = arith.constant 384 : index
    %get3A_132 = tpu.vector_load %arg5[%get3A_131] {strides = array<i32>} : memref<768xi32, #tpu.memory_space<vmem>>, vector<16xi32>,
    %add3A_133 = arith.constant 16384 : i32
    %add3A_134 = vector.broadcast %add3A_133 : i32 to vector<16xi32>
    %add3A_135 = arith.addi %add3A_134, %get3A_132 : vector<16xi32>
    tpu.vector_store_idx %arg6[%add3A_135], %broadcast_in_dim3A_3 {add = true} : memref<32768xf32, #tpu.memory_space<vmem>>[vector<16xi32>], vector<16xf32>,
    %get3A_136 = arith.constant 400 : index
    %get3A_137 = tpu.vector_load %arg5[%get3A_136] {strides = array<i32>} : memref<768xi32, #tpu.memory_space<vmem>>, vector<16xi32>,
    %add3A_138 = arith.constant 16384 : i32
    %add3A_139 = vector.broadcast %add3A_138 : i32 to vector<16xi32>
    %add3A_140 = arith.addi %add3A_139, %get3A_137 : vector<16xi32>
    tpu.vector_store_idx %arg6[%add3A_140], %broadcast_in_dim3A_3 {add = true} : memref<32768xf32, #tpu.memory_space<vmem>>[vector<16xi32>], vector<16xf32>,
    %get3A_141 = arith.constant 416 : index
    %get3A_142 = tpu.vector_load %arg5[%get3A_141] {strides = array<i32>} : memref<768xi32, #tpu.memory_space<vmem>>, vector<16xi32>,
    %add3A_143 = arith.constant 16384 : i32
    %add3A_144 = vector.broadcast %add3A_143 : i32 to vector<16xi32>
    %add3A_145 = arith.addi %add3A_144, %get3A_142 : vector<16xi32>
    tpu.vector_store_idx %arg6[%add3A_145], %broadcast_in_dim3A_3 masked %lt3A_7 {add = true} : memref<32768xf32, #tpu.memory_space<vmem>>[vector<16xi32>], vector<16xf32>, vector<16xi1>
    %get3A_146 = arith.constant 432 : index
    %get3A_147 = tpu.vector_load %arg5[%get3A_146] {strides = array<i32>} : memref<768xi32, #tpu.memory_space<vmem>>, vector<16xi32>,
    %add3A_148 = arith.constant 18432 : i32
    %add3A_149 = vector.broadcast %add3A_148 : i32 to vector<16xi32>
    %add3A_150 = arith.addi %add3A_149, %get3A_147 : vector<16xi32>
    tpu.vector_store_idx %arg6[%add3A_150], %broadcast_in_dim3A_3 {add = true} : memref<32768xf32, #tpu.memory_space<vmem>>[vector<16xi32>], vector<16xf32>,
    %get3A_151 = arith.constant 448 : index
    %get3A_152 = tpu.vector_load %arg5[%get3A_151] {strides = array<i32>} : memref<768xi32, #tpu.memory_space<vmem>>, vector<16xi32>,
    %add3A_153 = arith.constant 18432 : i32
    %add3A_154 = vector.broadcast %add3A_153 : i32 to vector<16xi32>
    %add3A_155 = arith.addi %add3A_154, %get3A_152 : vector<16xi32>
    tpu.vector_store_idx %arg6[%add3A_155], %broadcast_in_dim3A_3 {add = true} : memref<32768xf32, #tpu.memory_space<vmem>>[vector<16xi32>], vector<16xf32>,
    %get3A_156 = arith.constant 464 : index
    %get3A_157 = tpu.vector_load %arg5[%get3A_156] {strides = array<i32>} : memref<768xi32, #tpu.memory_space<vmem>>, vector<16xi32>,
    %add3A_158 = arith.constant 18432 : i32
    %add3A_159 = vector.broadcast %add3A_158 : i32 to vector<16xi32>
    %add3A_160 = arith.addi %add3A_159, %get3A_157 : vector<16xi32>
    tpu.vector_store_idx %arg6[%add3A_160], %broadcast_in_dim3A_3 masked %lt3A_7 {add = true} : memref<32768xf32, #tpu.memory_space<vmem>>[vector<16xi32>], vector<16xf32>, vector<16xi1>
    %get3A_161 = arith.constant 480 : index
    %get3A_162 = tpu.vector_load %arg5[%get3A_161] {strides = array<i32>} : memref<768xi32, #tpu.memory_space<vmem>>, vector<16xi32>,
    %add3A_163 = arith.constant 20480 : i32
    %add3A_164 = vector.broadcast %add3A_163 : i32 to vector<16xi32>
    %add3A_165 = arith.addi %add3A_164, %get3A_162 : vector<16xi32>
    tpu.vector_store_idx %arg6[%add3A_165], %broadcast_in_dim3A_3 {add = true} : memref<32768xf32, #tpu.memory_space<vmem>>[vector<16xi32>], vector<16xf32>,
    %get3A_166 = arith.constant 496 : index
    %get3A_167 = tpu.vector_load %arg5[%get3A_166] {strides = array<i32>} : memref<768xi32, #tpu.memory_space<vmem>>, vector<16xi32>,
    %add3A_168 = arith.constant 20480 : i32
    %add3A_169 = vector.broadcast %add3A_168 : i32 to vector<16xi32>
    %add3A_170 = arith.addi %add3A_169, %get3A_167 : vector<16xi32>
    tpu.vector_store_idx %arg6[%add3A_170], %broadcast_in_dim3A_3 {add = true} : memref<32768xf32, #tpu.memory_space<vmem>>[vector<16xi32>], vector<16xf32>,
    %get3A_171 = arith.constant 512 : index
    %get3A_172 = tpu.vector_load %arg5[%get3A_171] {strides = array<i32>} : memref<768xi32, #tpu.memory_space<vmem>>, vector<16xi32>,
    %add3A_173 = arith.constant 20480 : i32
    %add3A_174 = vector.broadcast %add3A_173 : i32 to vector<16xi32>
    %add3A_175 = arith.addi %add3A_174, %get3A_172 : vector<16xi32>
    tpu.vector_store_idx %arg6[%add3A_175], %broadcast_in_dim3A_3 masked %lt3A_7 {add = true} : memref<32768xf32, #tpu.memory_space<vmem>>[vector<16xi32>], vector<16xf32>, vector<16xi1>
    %get3A_176 = arith.constant 528 : index
    %get3A_177 = tpu.vector_load %arg5[%get3A_176] {strides = array<i32>} : memref<768xi32, #tpu.memory_space<vmem>>, vector<16xi32>,
    %add3A_178 = arith.constant 22528 : i32
    %add3A_179 = vector.broadcast %add3A_178 : i32 to vector<16xi32>
    %add3A_180 = arith.addi %add3A_179, %get3A_177 : vector<16xi32>
    tpu.vector_store_idx %arg6[%add3A_180], %broadcast_in_dim3A_3 {add = true} : memref<32768xf32, #tpu.memory_space<vmem>>[vector<16xi32>], vector<16xf32>,
    %get3A_181 = arith.constant 544 : index
    %get3A_182 = tpu.vector_load %arg5[%get3A_181] {strides = array<i32>} : memref<768xi32, #tpu.memory_space<vmem>>, vector<16xi32>,
    %add3A_183 = arith.constant 22528 : i32
    %add3A_184 = vector.broadcast %add3A_183 : i32 to vector<16xi32>
    %add3A_185 = arith.addi %add3A_184, %get3A_182 : vector<16xi32>
    tpu.vector_store_idx %arg6[%add3A_185], %broadcast_in_dim3A_3 {add = true} : memref<32768xf32, #tpu.memory_space<vmem>>[vector<16xi32>], vector<16xf32>,
    %get3A_186 = arith.constant 560 : index
    %get3A_187 = tpu.vector_load %arg5[%get3A_186] {strides = array<i32>} : memref<768xi32, #tpu.memory_space<vmem>>, vector<16xi32>,
    %add3A_188 = arith.constant 22528 : i32
    %add3A_189 = vector.broadcast %add3A_188 : i32 to vector<16xi32>
    %add3A_190 = arith.addi %add3A_189, %get3A_187 : vector<16xi32>
    tpu.vector_store_idx %arg6[%add3A_190], %broadcast_in_dim3A_3 masked %lt3A_7 {add = true} : memref<32768xf32, #tpu.memory_space<vmem>>[vector<16xi32>], vector<16xf32>, vector<16xi1>
    %get3A_191 = arith.constant 576 : index
    %get3A_192 = tpu.vector_load %arg5[%get3A_191] {strides = array<i32>} : memref<768xi32, #tpu.memory_space<vmem>>, vector<16xi32>,
    %add3A_193 = arith.constant 24576 : i32
    %add3A_194 = vector.broadcast %add3A_193 : i32 to vector<16xi32>
    %add3A_195 = arith.addi %add3A_194, %get3A_192 : vector<16xi32>
    tpu.vector_store_idx %arg6[%add3A_195], %broadcast_in_dim3A_3 {add = true} : memref<32768xf32, #tpu.memory_space<vmem>>[vector<16xi32>], vector<16xf32>,
    %get3A_196 = arith.constant 592 : index
    %get3A_197 = tpu.vector_load %arg5[%get3A_196] {strides = array<i32>} : memref<768xi32, #tpu.memory_space<vmem>>, vector<16xi32>,
    %add3A_198 = arith.constant 24576 : i32
    %add3A_199 = vector.broadcast %add3A_198 : i32 to vector<16xi32>
    %add3A_200 = arith.addi %add3A_199, %get3A_197 : vector<16xi32>
    tpu.vector_store_idx %arg6[%add3A_200], %broadcast_in_dim3A_3 {add = true} : memref<32768xf32, #tpu.memory_space<vmem>>[vector<16xi32>], vector<16xf32>,
    %get3A_201 = arith.constant 608 : index
    %get3A_202 = tpu.vector_load %arg5[%get3A_201] {strides = array<i32>} : memref<768xi32, #tpu.memory_space<vmem>>, vector<16xi32>,
    %add3A_203 = arith.constant 24576 : i32
    %add3A_204 = vector.broadcast %add3A_203 : i32 to vector<16xi32>
    %add3A_205 = arith.addi %add3A_204, %get3A_202 : vector<16xi32>
    tpu.vector_store_idx %arg6[%add3A_205], %broadcast_in_dim3A_3 masked %lt3A_7 {add = true} : memref<32768xf32, #tpu.memory_space<vmem>>[vector<16xi32>], vector<16xf32>, vector<16xi1>
    %get3A_206 = arith.constant 624 : index
    %get3A_207 = tpu.vector_load %arg5[%get3A_206] {strides = array<i32>} : memref<768xi32, #tpu.memory_space<vmem>>, vector<16xi32>,
    %add3A_208 = arith.constant 26624 : i32
    %add3A_209 = vector.broadcast %add3A_208 : i32 to vector<16xi32>
    %add3A_210 = arith.addi %add3A_209, %get3A_207 : vector<16xi32>
    tpu.vector_store_idx %arg6[%add3A_210], %broadcast_in_dim3A_3 {add = true} : memref<32768xf32, #tpu.memory_space<vmem>>[vector<16xi32>], vector<16xf32>,
    %get3A_211 = arith.constant 640 : index
    %get3A_212 = tpu.vector_load %arg5[%get3A_211] {strides = array<i32>} : memref<768xi32, #tpu.memory_space<vmem>>, vector<16xi32>,
    %add3A_213 = arith.constant 26624 : i32
    %add3A_214 = vector.broadcast %add3A_213 : i32 to vector<16xi32>
    %add3A_215 = arith.addi %add3A_214, %get3A_212 : vector<16xi32>
    tpu.vector_store_idx %arg6[%add3A_215], %broadcast_in_dim3A_3 {add = true} : memref<32768xf32, #tpu.memory_space<vmem>>[vector<16xi32>], vector<16xf32>,
    %get3A_216 = arith.constant 656 : index
    %get3A_217 = tpu.vector_load %arg5[%get3A_216] {strides = array<i32>} : memref<768xi32, #tpu.memory_space<vmem>>, vector<16xi32>,
    %add3A_218 = arith.constant 26624 : i32
    %add3A_219 = vector.broadcast %add3A_218 : i32 to vector<16xi32>
    %add3A_220 = arith.addi %add3A_219, %get3A_217 : vector<16xi32>
    tpu.vector_store_idx %arg6[%add3A_220], %broadcast_in_dim3A_3 masked %lt3A_7 {add = true} : memref<32768xf32, #tpu.memory_space<vmem>>[vector<16xi32>], vector<16xf32>, vector<16xi1>
    %get3A_221 = arith.constant 672 : index
    %get3A_222 = tpu.vector_load %arg5[%get3A_221] {strides = array<i32>} : memref<768xi32, #tpu.memory_space<vmem>>, vector<16xi32>,
    %add3A_223 = arith.constant 28672 : i32
    %add3A_224 = vector.broadcast %add3A_223 : i32 to vector<16xi32>
    %add3A_225 = arith.addi %add3A_224, %get3A_222 : vector<16xi32>
    tpu.vector_store_idx %arg6[%add3A_225], %broadcast_in_dim3A_3 {add = true} : memref<32768xf32, #tpu.memory_space<vmem>>[vector<16xi32>], vector<16xf32>,
    %get3A_226 = arith.constant 688 : index
    %get3A_227 = tpu.vector_load %arg5[%get3A_226] {strides = array<i32>} : memref<768xi32, #tpu.memory_space<vmem>>, vector<16xi32>,
    %add3A_228 = arith.constant 28672 : i32
    %add3A_229 = vector.broadcast %add3A_228 : i32 to vector<16xi32>
    %add3A_230 = arith.addi %add3A_229, %get3A_227 : vector<16xi32>
    tpu.vector_store_idx %arg6[%add3A_230], %broadcast_in_dim3A_3 {add = true} : memref<32768xf32, #tpu.memory_space<vmem>>[vector<16xi32>], vector<16xf32>,
    %get3A_231 = arith.constant 704 : index
    %get3A_232 = tpu.vector_load %arg5[%get3A_231] {strides = array<i32>} : memref<768xi32, #tpu.memory_space<vmem>>, vector<16xi32>,
    %add3A_233 = arith.constant 28672 : i32
    %add3A_234 = vector.broadcast %add3A_233 : i32 to vector<16xi32>
    %add3A_235 = arith.addi %add3A_234, %get3A_232 : vector<16xi32>
    tpu.vector_store_idx %arg6[%add3A_235], %broadcast_in_dim3A_3 masked %lt3A_7 {add = true} : memref<32768xf32, #tpu.memory_space<vmem>>[vector<16xi32>], vector<16xf32>, vector<16xi1>
    %get3A_236 = arith.constant 720 : index
    %get3A_237 = tpu.vector_load %arg5[%get3A_236] {strides = array<i32>} : memref<768xi32, #tpu.memory_space<vmem>>, vector<16xi32>,
    %add3A_238 = arith.constant 30720 : i32
    %add3A_239 = vector.broadcast %add3A_238 : i32 to vector<16xi32>
    %add3A_240 = arith.addi %add3A_239, %get3A_237 : vector<16xi32>
    tpu.vector_store_idx %arg6[%add3A_240], %broadcast_in_dim3A_3 {add = true} : memref<32768xf32, #tpu.memory_space<vmem>>[vector<16xi32>], vector<16xf32>,
    %get3A_241 = arith.constant 736 : index
    %get3A_242 = tpu.vector_load %arg5[%get3A_241] {strides = array<i32>} : memref<768xi32, #tpu.memory_space<vmem>>, vector<16xi32>,
    %add3A_243 = arith.constant 30720 : i32
    %add3A_244 = vector.broadcast %add3A_243 : i32 to vector<16xi32>
    %add3A_245 = arith.addi %add3A_244, %get3A_242 : vector<16xi32>
    tpu.vector_store_idx %arg6[%add3A_245], %broadcast_in_dim3A_3 {add = true} : memref<32768xf32, #tpu.memory_space<vmem>>[vector<16xi32>], vector<16xf32>,
    %get3A_246 = arith.constant 752 : index
    %get3A_247 = tpu.vector_load %arg5[%get3A_246] {strides = array<i32>} : memref<768xi32, #tpu.memory_space<vmem>>, vector<16xi32>,
    %add3A_248 = arith.constant 30720 : i32
    %add3A_249 = vector.broadcast %add3A_248 : i32 to vector<16xi32>
    %add3A_250 = arith.addi %add3A_249, %get3A_247 : vector<16xi32>
    tpu.vector_store_idx %arg6[%add3A_250], %broadcast_in_dim3A_3 masked %lt3A_7 {add = true} : memref<32768xf32, #tpu.memory_space<vmem>>[vector<16xi32>], vector<16xf32>, vector<16xi1>
    %mul3A_251 = arith.constant 2048 : i32
    %mul3A_252 = arith.muli %add3A_9, %mul3A_251 : i32
    "tpu.region"() ({
      %run_scoped3A = tpu.sem_alloc : memref<!tpu.dma_semaphore, #tpu.memory_space<semaphore_mem>>
      %dma_start3A = tpu.memref_slice %arg4[%mul3A_252] : memref<4194304xf32, #tpu.memory_space<hbm>> -> memref<32768xf32, #tpu.memory_space<hbm>>
      %dma_start3A_991 = tpu.memref_slice %arg4[%mul3A_252] : memref<4194304xf32, #tpu.memory_space<hbm>> -> memref<32768xf32, #tpu.memory_space<hbm>>
      tpu.enqueue_dma source(%arg6 : memref<32768xf32, #tpu.memory_space<vmem>>) target(%dma_start3A_991 : memref<32768xf32, #tpu.memory_space<hbm>>) target_semaphore(%run_scoped3A : memref<!tpu.dma_semaphore, #tpu.memory_space<semaphore_mem>>)
      %dma_wait3A = tpu.memref_slice %arg4[%mul3A_252] : memref<4194304xf32, #tpu.memory_space<hbm>> -> memref<32768xf32, #tpu.memory_space<hbm>>
      %dma_wait3A_992 = tpu.memref_slice %arg4[%mul3A_252] : memref<4194304xf32, #tpu.memory_space<hbm>> -> memref<32768xf32, #tpu.memory_space<hbm>>
      tpu.wait_dma2 semaphore(%run_scoped3A : memref<!tpu.dma_semaphore, #tpu.memory_space<semaphore_mem>>) src(%arg6 : memref<32768xf32, #tpu.memory_space<vmem>>) dst(%dma_wait3A_992 : memref<32768xf32, #tpu.memory_space<hbm>>)
      tpu.yield
    }) : () -> ()
    %add3A_253 = arith.constant 16 : i32
    %add3A_254 = arith.addi %mul3A_2, %add3A_253 : i32
    %mul3A_255 = arith.constant 48 : i32
    %mul3A_256 = arith.muli %add3A_254, %mul3A_255 : i32
    "tpu.region"() ({
      %run_scoped3A = tpu.sem_alloc : memref<!tpu.dma_semaphore, #tpu.memory_space<semaphore_mem>>
      %dma_start3A = tpu.memref_slice %arg2[%mul3A_256] : memref<98304xi32, #tpu.memory_space<hbm>> -> memref<768xi32, #tpu.memory_space<hbm>>
      %dma_start3A_991 = tpu.memref_slice %arg2[%mul3A_256] : memref<98304xi32, #tpu.memory_space<hbm>> -> memref<768xi32, #tpu.memory_space<hbm>>
      tpu.enqueue_dma source(%dma_start3A_991 : memref<768xi32, #tpu.memory_space<hbm>>) target(%arg5 : memref<768xi32, #tpu.memory_space<vmem>>) target_semaphore(%run_scoped3A : memref<!tpu.dma_semaphore, #tpu.memory_space<semaphore_mem>>)
      %dma_wait3A = tpu.memref_slice %arg2[%mul3A_256] : memref<98304xi32, #tpu.memory_space<hbm>> -> memref<768xi32, #tpu.memory_space<hbm>>
      %dma_wait3A_992 = tpu.memref_slice %arg2[%mul3A_256] : memref<98304xi32, #tpu.memory_space<hbm>> -> memref<768xi32, #tpu.memory_space<hbm>>
      tpu.wait_dma2 semaphore(%run_scoped3A : memref<!tpu.dma_semaphore, #tpu.memory_space<semaphore_mem>>) src(%dma_wait3A_992 : memref<768xi32, #tpu.memory_space<hbm>>) dst(%arg5 : memref<768xi32, #tpu.memory_space<vmem>>)
      tpu.yield
    }) : () -> ()
    "tpu.region"() ({
      %run_scoped3A = tpu.sem_alloc : memref<!tpu.dma_semaphore, #tpu.memory_space<semaphore_mem>>
      tpu.enqueue_dma source(%arg3 : memref<32768xf32, #tpu.memory_space<hbm>>) target(%arg6 : memref<32768xf32, #tpu.memory_space<vmem>>) target_semaphore(%run_scoped3A : memref<!tpu.dma_semaphore, #tpu.memory_space<semaphore_mem>>)
      tpu.wait_dma2 semaphore(%run_scoped3A : memref<!tpu.dma_semaphore, #tpu.memory_space<semaphore_mem>>) src(%arg3 : memref<32768xf32, #tpu.memory_space<hbm>>) dst(%arg6 : memref<32768xf32, #tpu.memory_space<vmem>>)
      tpu.yield
    }) : () -> ()
    %get3A_257 = arith.constant 0 : index
    %get3A_258 = tpu.vector_load %arg5[%get3A_257] {strides = array<i32>} : memref<768xi32, #tpu.memory_space<vmem>>, vector<16xi32>,
    %add3A_259 = arith.constant 0 : i32
    %add3A_260 = vector.broadcast %add3A_259 : i32 to vector<16xi32>
    %add3A_261 = arith.addi %add3A_260, %get3A_258 : vector<16xi32>
    tpu.vector_store_idx %arg6[%add3A_261], %broadcast_in_dim3A_3 {add = true} : memref<32768xf32, #tpu.memory_space<vmem>>[vector<16xi32>], vector<16xf32>,
    %get3A_262 = arith.constant 16 : index
    %get3A_263 = tpu.vector_load %arg5[%get3A_262] {strides = array<i32>} : memref<768xi32, #tpu.memory_space<vmem>>, vector<16xi32>,
    %add3A_264 = arith.constant 0 : i32
    %add3A_265 = vector.broadcast %add3A_264 : i32 to vector<16xi32>
    %add3A_266 = arith.addi %add3A_265, %get3A_263 : vector<16xi32>
    tpu.vector_store_idx %arg6[%add3A_266], %broadcast_in_dim3A_3 {add = true} : memref<32768xf32, #tpu.memory_space<vmem>>[vector<16xi32>], vector<16xf32>,
    %get3A_267 = arith.constant 32 : index
    %get3A_268 = tpu.vector_load %arg5[%get3A_267] {strides = array<i32>} : memref<768xi32, #tpu.memory_space<vmem>>, vector<16xi32>,
    %add3A_269 = arith.constant 0 : i32
    %add3A_270 = vector.broadcast %add3A_269 : i32 to vector<16xi32>
    %add3A_271 = arith.addi %add3A_270, %get3A_268 : vector<16xi32>
    tpu.vector_store_idx %arg6[%add3A_271], %broadcast_in_dim3A_3 masked %lt3A_7 {add = true} : memref<32768xf32, #tpu.memory_space<vmem>>[vector<16xi32>], vector<16xf32>, vector<16xi1>
    %get3A_272 = arith.constant 48 : index
    %get3A_273 = tpu.vector_load %arg5[%get3A_272] {strides = array<i32>} : memref<768xi32, #tpu.memory_space<vmem>>, vector<16xi32>,
    %add3A_274 = arith.constant 2048 : i32
    %add3A_275 = vector.broadcast %add3A_274 : i32 to vector<16xi32>
    %add3A_276 = arith.addi %add3A_275, %get3A_273 : vector<16xi32>
    tpu.vector_store_idx %arg6[%add3A_276], %broadcast_in_dim3A_3 {add = true} : memref<32768xf32, #tpu.memory_space<vmem>>[vector<16xi32>], vector<16xf32>,
    %get3A_277 = arith.constant 64 : index
    %get3A_278 = tpu.vector_load %arg5[%get3A_277] {strides = array<i32>} : memref<768xi32, #tpu.memory_space<vmem>>, vector<16xi32>,
    %add3A_279 = arith.constant 2048 : i32
    %add3A_280 = vector.broadcast %add3A_279 : i32 to vector<16xi32>
    %add3A_281 = arith.addi %add3A_280, %get3A_278 : vector<16xi32>
    tpu.vector_store_idx %arg6[%add3A_281], %broadcast_in_dim3A_3 {add = true} : memref<32768xf32, #tpu.memory_space<vmem>>[vector<16xi32>], vector<16xf32>,
    %get3A_282 = arith.constant 80 : index
    %get3A_283 = tpu.vector_load %arg5[%get3A_282] {strides = array<i32>} : memref<768xi32, #tpu.memory_space<vmem>>, vector<16xi32>,
    %add3A_284 = arith.constant 2048 : i32
    %add3A_285 = vector.broadcast %add3A_284 : i32 to vector<16xi32>
    %add3A_286 = arith.addi %add3A_285, %get3A_283 : vector<16xi32>
    tpu.vector_store_idx %arg6[%add3A_286], %broadcast_in_dim3A_3 masked %lt3A_7 {add = true} : memref<32768xf32, #tpu.memory_space<vmem>>[vector<16xi32>], vector<16xf32>, vector<16xi1>
    %get3A_287 = arith.constant 96 : index
    %get3A_288 = tpu.vector_load %arg5[%get3A_287] {strides = array<i32>} : memref<768xi32, #tpu.memory_space<vmem>>, vector<16xi32>,
    %add3A_289 = arith.constant 4096 : i32
    %add3A_290 = vector.broadcast %add3A_289 : i32 to vector<16xi32>
    %add3A_291 = arith.addi %add3A_290, %get3A_288 : vector<16xi32>
    tpu.vector_store_idx %arg6[%add3A_291], %broadcast_in_dim3A_3 {add = true} : memref<32768xf32, #tpu.memory_space<vmem>>[vector<16xi32>], vector<16xf32>,
    %get3A_292 = arith.constant 112 : index
    %get3A_293 = tpu.vector_load %arg5[%get3A_292] {strides = array<i32>} : memref<768xi32, #tpu.memory_space<vmem>>, vector<16xi32>,
    %add3A_294 = arith.constant 4096 : i32
    %add3A_295 = vector.broadcast %add3A_294 : i32 to vector<16xi32>
    %add3A_296 = arith.addi %add3A_295, %get3A_293 : vector<16xi32>
    tpu.vector_store_idx %arg6[%add3A_296], %broadcast_in_dim3A_3 {add = true} : memref<32768xf32, #tpu.memory_space<vmem>>[vector<16xi32>], vector<16xf32>,
    %get3A_297 = arith.constant 128 : index
    %get3A_298 = tpu.vector_load %arg5[%get3A_297] {strides = array<i32>} : memref<768xi32, #tpu.memory_space<vmem>>, vector<16xi32>,
    %add3A_299 = arith.constant 4096 : i32
    %add3A_300 = vector.broadcast %add3A_299 : i32 to vector<16xi32>
    %add3A_301 = arith.addi %add3A_300, %get3A_298 : vector<16xi32>
    tpu.vector_store_idx %arg6[%add3A_301], %broadcast_in_dim3A_3 masked %lt3A_7 {add = true} : memref<32768xf32, #tpu.memory_space<vmem>>[vector<16xi32>], vector<16xf32>, vector<16xi1>
    %get3A_302 = arith.constant 144 : index
    %get3A_303 = tpu.vector_load %arg5[%get3A_302] {strides = array<i32>} : memref<768xi32, #tpu.memory_space<vmem>>, vector<16xi32>,
    %add3A_304 = arith.constant 6144 : i32
    %add3A_305 = vector.broadcast %add3A_304 : i32 to vector<16xi32>
    %add3A_306 = arith.addi %add3A_305, %get3A_303 : vector<16xi32>
    tpu.vector_store_idx %arg6[%add3A_306], %broadcast_in_dim3A_3 {add = true} : memref<32768xf32, #tpu.memory_space<vmem>>[vector<16xi32>], vector<16xf32>,
    %get3A_307 = arith.constant 160 : index
    %get3A_308 = tpu.vector_load %arg5[%get3A_307] {strides = array<i32>} : memref<768xi32, #tpu.memory_space<vmem>>, vector<16xi32>,
    %add3A_309 = arith.constant 6144 : i32
    %add3A_310 = vector.broadcast %add3A_309 : i32 to vector<16xi32>
    %add3A_311 = arith.addi %add3A_310, %get3A_308 : vector<16xi32>
    tpu.vector_store_idx %arg6[%add3A_311], %broadcast_in_dim3A_3 {add = true} : memref<32768xf32, #tpu.memory_space<vmem>>[vector<16xi32>], vector<16xf32>,
    %get3A_312 = arith.constant 176 : index
    %get3A_313 = tpu.vector_load %arg5[%get3A_312] {strides = array<i32>} : memref<768xi32, #tpu.memory_space<vmem>>, vector<16xi32>,
    %add3A_314 = arith.constant 6144 : i32
    %add3A_315 = vector.broadcast %add3A_314 : i32 to vector<16xi32>
    %add3A_316 = arith.addi %add3A_315, %get3A_313 : vector<16xi32>
    tpu.vector_store_idx %arg6[%add3A_316], %broadcast_in_dim3A_3 masked %lt3A_7 {add = true} : memref<32768xf32, #tpu.memory_space<vmem>>[vector<16xi32>], vector<16xf32>, vector<16xi1>
    %get3A_317 = arith.constant 192 : index
    %get3A_318 = tpu.vector_load %arg5[%get3A_317] {strides = array<i32>} : memref<768xi32, #tpu.memory_space<vmem>>, vector<16xi32>,
    %add3A_319 = arith.constant 8192 : i32
    %add3A_320 = vector.broadcast %add3A_319 : i32 to vector<16xi32>
    %add3A_321 = arith.addi %add3A_320, %get3A_318 : vector<16xi32>
    tpu.vector_store_idx %arg6[%add3A_321], %broadcast_in_dim3A_3 {add = true} : memref<32768xf32, #tpu.memory_space<vmem>>[vector<16xi32>], vector<16xf32>,
    %get3A_322 = arith.constant 208 : index
    %get3A_323 = tpu.vector_load %arg5[%get3A_322] {strides = array<i32>} : memref<768xi32, #tpu.memory_space<vmem>>, vector<16xi32>,
    %add3A_324 = arith.constant 8192 : i32
    %add3A_325 = vector.broadcast %add3A_324 : i32 to vector<16xi32>
    %add3A_326 = arith.addi %add3A_325, %get3A_323 : vector<16xi32>
    tpu.vector_store_idx %arg6[%add3A_326], %broadcast_in_dim3A_3 {add = true} : memref<32768xf32, #tpu.memory_space<vmem>>[vector<16xi32>], vector<16xf32>,
    %get3A_327 = arith.constant 224 : index
    %get3A_328 = tpu.vector_load %arg5[%get3A_327] {strides = array<i32>} : memref<768xi32, #tpu.memory_space<vmem>>, vector<16xi32>,
    %add3A_329 = arith.constant 8192 : i32
    %add3A_330 = vector.broadcast %add3A_329 : i32 to vector<16xi32>
    %add3A_331 = arith.addi %add3A_330, %get3A_328 : vector<16xi32>
    tpu.vector_store_idx %arg6[%add3A_331], %broadcast_in_dim3A_3 masked %lt3A_7 {add = true} : memref<32768xf32, #tpu.memory_space<vmem>>[vector<16xi32>], vector<16xf32>, vector<16xi1>
    %get3A_332 = arith.constant 240 : index
    %get3A_333 = tpu.vector_load %arg5[%get3A_332] {strides = array<i32>} : memref<768xi32, #tpu.memory_space<vmem>>, vector<16xi32>,
    %add3A_334 = arith.constant 10240 : i32
    %add3A_335 = vector.broadcast %add3A_334 : i32 to vector<16xi32>
    %add3A_336 = arith.addi %add3A_335, %get3A_333 : vector<16xi32>
    tpu.vector_store_idx %arg6[%add3A_336], %broadcast_in_dim3A_3 {add = true} : memref<32768xf32, #tpu.memory_space<vmem>>[vector<16xi32>], vector<16xf32>,
    %get3A_337 = arith.constant 256 : index
    %get3A_338 = tpu.vector_load %arg5[%get3A_337] {strides = array<i32>} : memref<768xi32, #tpu.memory_space<vmem>>, vector<16xi32>,
    %add3A_339 = arith.constant 10240 : i32
    %add3A_340 = vector.broadcast %add3A_339 : i32 to vector<16xi32>
    %add3A_341 = arith.addi %add3A_340, %get3A_338 : vector<16xi32>
    tpu.vector_store_idx %arg6[%add3A_341], %broadcast_in_dim3A_3 {add = true} : memref<32768xf32, #tpu.memory_space<vmem>>[vector<16xi32>], vector<16xf32>,
    %get3A_342 = arith.constant 272 : index
    %get3A_343 = tpu.vector_load %arg5[%get3A_342] {strides = array<i32>} : memref<768xi32, #tpu.memory_space<vmem>>, vector<16xi32>,
    %add3A_344 = arith.constant 10240 : i32
    %add3A_345 = vector.broadcast %add3A_344 : i32 to vector<16xi32>
    %add3A_346 = arith.addi %add3A_345, %get3A_343 : vector<16xi32>
    tpu.vector_store_idx %arg6[%add3A_346], %broadcast_in_dim3A_3 masked %lt3A_7 {add = true} : memref<32768xf32, #tpu.memory_space<vmem>>[vector<16xi32>], vector<16xf32>, vector<16xi1>
    %get3A_347 = arith.constant 288 : index
    %get3A_348 = tpu.vector_load %arg5[%get3A_347] {strides = array<i32>} : memref<768xi32, #tpu.memory_space<vmem>>, vector<16xi32>,
    %add3A_349 = arith.constant 12288 : i32
    %add3A_350 = vector.broadcast %add3A_349 : i32 to vector<16xi32>
    %add3A_351 = arith.addi %add3A_350, %get3A_348 : vector<16xi32>
    tpu.vector_store_idx %arg6[%add3A_351], %broadcast_in_dim3A_3 {add = true} : memref<32768xf32, #tpu.memory_space<vmem>>[vector<16xi32>], vector<16xf32>,
    %get3A_352 = arith.constant 304 : index
    %get3A_353 = tpu.vector_load %arg5[%get3A_352] {strides = array<i32>} : memref<768xi32, #tpu.memory_space<vmem>>, vector<16xi32>,
    %add3A_354 = arith.constant 12288 : i32
    %add3A_355 = vector.broadcast %add3A_354 : i32 to vector<16xi32>
    %add3A_356 = arith.addi %add3A_355, %get3A_353 : vector<16xi32>
    tpu.vector_store_idx %arg6[%add3A_356], %broadcast_in_dim3A_3 {add = true} : memref<32768xf32, #tpu.memory_space<vmem>>[vector<16xi32>], vector<16xf32>,
    %get3A_357 = arith.constant 320 : index
    %get3A_358 = tpu.vector_load %arg5[%get3A_357] {strides = array<i32>} : memref<768xi32, #tpu.memory_space<vmem>>, vector<16xi32>,
    %add3A_359 = arith.constant 12288 : i32
    %add3A_360 = vector.broadcast %add3A_359 : i32 to vector<16xi32>
    %add3A_361 = arith.addi %add3A_360, %get3A_358 : vector<16xi32>
    tpu.vector_store_idx %arg6[%add3A_361], %broadcast_in_dim3A_3 masked %lt3A_7 {add = true} : memref<32768xf32, #tpu.memory_space<vmem>>[vector<16xi32>], vector<16xf32>, vector<16xi1>
    %get3A_362 = arith.constant 336 : index
    %get3A_363 = tpu.vector_load %arg5[%get3A_362] {strides = array<i32>} : memref<768xi32, #tpu.memory_space<vmem>>, vector<16xi32>,
    %add3A_364 = arith.constant 14336 : i32
    %add3A_365 = vector.broadcast %add3A_364 : i32 to vector<16xi32>
    %add3A_366 = arith.addi %add3A_365, %get3A_363 : vector<16xi32>
    tpu.vector_store_idx %arg6[%add3A_366], %broadcast_in_dim3A_3 {add = true} : memref<32768xf32, #tpu.memory_space<vmem>>[vector<16xi32>], vector<16xf32>,
    %get3A_367 = arith.constant 352 : index
    %get3A_368 = tpu.vector_load %arg5[%get3A_367] {strides = array<i32>} : memref<768xi32, #tpu.memory_space<vmem>>, vector<16xi32>,
    %add3A_369 = arith.constant 14336 : i32
    %add3A_370 = vector.broadcast %add3A_369 : i32 to vector<16xi32>
    %add3A_371 = arith.addi %add3A_370, %get3A_368 : vector<16xi32>
    tpu.vector_store_idx %arg6[%add3A_371], %broadcast_in_dim3A_3 {add = true} : memref<32768xf32, #tpu.memory_space<vmem>>[vector<16xi32>], vector<16xf32>,
    %get3A_372 = arith.constant 368 : index
    %get3A_373 = tpu.vector_load %arg5[%get3A_372] {strides = array<i32>} : memref<768xi32, #tpu.memory_space<vmem>>, vector<16xi32>,
    %add3A_374 = arith.constant 14336 : i32
    %add3A_375 = vector.broadcast %add3A_374 : i32 to vector<16xi32>
    %add3A_376 = arith.addi %add3A_375, %get3A_373 : vector<16xi32>
    tpu.vector_store_idx %arg6[%add3A_376], %broadcast_in_dim3A_3 masked %lt3A_7 {add = true} : memref<32768xf32, #tpu.memory_space<vmem>>[vector<16xi32>], vector<16xf32>, vector<16xi1>
    %get3A_377 = arith.constant 384 : index
    %get3A_378 = tpu.vector_load %arg5[%get3A_377] {strides = array<i32>} : memref<768xi32, #tpu.memory_space<vmem>>, vector<16xi32>,
    %add3A_379 = arith.constant 16384 : i32
    %add3A_380 = vector.broadcast %add3A_379 : i32 to vector<16xi32>
    %add3A_381 = arith.addi %add3A_380, %get3A_378 : vector<16xi32>
    tpu.vector_store_idx %arg6[%add3A_381], %broadcast_in_dim3A_3 {add = true} : memref<32768xf32, #tpu.memory_space<vmem>>[vector<16xi32>], vector<16xf32>,
    %get3A_382 = arith.constant 400 : index
    %get3A_383 = tpu.vector_load %arg5[%get3A_382] {strides = array<i32>} : memref<768xi32, #tpu.memory_space<vmem>>, vector<16xi32>,
    %add3A_384 = arith.constant 16384 : i32
    %add3A_385 = vector.broadcast %add3A_384 : i32 to vector<16xi32>
    %add3A_386 = arith.addi %add3A_385, %get3A_383 : vector<16xi32>
    tpu.vector_store_idx %arg6[%add3A_386], %broadcast_in_dim3A_3 {add = true} : memref<32768xf32, #tpu.memory_space<vmem>>[vector<16xi32>], vector<16xf32>,
    %get3A_387 = arith.constant 416 : index
    %get3A_388 = tpu.vector_load %arg5[%get3A_387] {strides = array<i32>} : memref<768xi32, #tpu.memory_space<vmem>>, vector<16xi32>,
    %add3A_389 = arith.constant 16384 : i32
    %add3A_390 = vector.broadcast %add3A_389 : i32 to vector<16xi32>
    %add3A_391 = arith.addi %add3A_390, %get3A_388 : vector<16xi32>
    tpu.vector_store_idx %arg6[%add3A_391], %broadcast_in_dim3A_3 masked %lt3A_7 {add = true} : memref<32768xf32, #tpu.memory_space<vmem>>[vector<16xi32>], vector<16xf32>, vector<16xi1>
    %get3A_392 = arith.constant 432 : index
    %get3A_393 = tpu.vector_load %arg5[%get3A_392] {strides = array<i32>} : memref<768xi32, #tpu.memory_space<vmem>>, vector<16xi32>,
    %add3A_394 = arith.constant 18432 : i32
    %add3A_395 = vector.broadcast %add3A_394 : i32 to vector<16xi32>
    %add3A_396 = arith.addi %add3A_395, %get3A_393 : vector<16xi32>
    tpu.vector_store_idx %arg6[%add3A_396], %broadcast_in_dim3A_3 {add = true} : memref<32768xf32, #tpu.memory_space<vmem>>[vector<16xi32>], vector<16xf32>,
    %get3A_397 = arith.constant 448 : index
    %get3A_398 = tpu.vector_load %arg5[%get3A_397] {strides = array<i32>} : memref<768xi32, #tpu.memory_space<vmem>>, vector<16xi32>,
    %add3A_399 = arith.constant 18432 : i32
    %add3A_400 = vector.broadcast %add3A_399 : i32 to vector<16xi32>
    %add3A_401 = arith.addi %add3A_400, %get3A_398 : vector<16xi32>
    tpu.vector_store_idx %arg6[%add3A_401], %broadcast_in_dim3A_3 {add = true} : memref<32768xf32, #tpu.memory_space<vmem>>[vector<16xi32>], vector<16xf32>,
    %get3A_402 = arith.constant 464 : index
    %get3A_403 = tpu.vector_load %arg5[%get3A_402] {strides = array<i32>} : memref<768xi32, #tpu.memory_space<vmem>>, vector<16xi32>,
    %add3A_404 = arith.constant 18432 : i32
    %add3A_405 = vector.broadcast %add3A_404 : i32 to vector<16xi32>
    %add3A_406 = arith.addi %add3A_405, %get3A_403 : vector<16xi32>
    tpu.vector_store_idx %arg6[%add3A_406], %broadcast_in_dim3A_3 masked %lt3A_7 {add = true} : memref<32768xf32, #tpu.memory_space<vmem>>[vector<16xi32>], vector<16xf32>, vector<16xi1>
    %get3A_407 = arith.constant 480 : index
    %get3A_408 = tpu.vector_load %arg5[%get3A_407] {strides = array<i32>} : memref<768xi32, #tpu.memory_space<vmem>>, vector<16xi32>,
    %add3A_409 = arith.constant 20480 : i32
    %add3A_410 = vector.broadcast %add3A_409 : i32 to vector<16xi32>
    %add3A_411 = arith.addi %add3A_410, %get3A_408 : vector<16xi32>
    tpu.vector_store_idx %arg6[%add3A_411], %broadcast_in_dim3A_3 {add = true} : memref<32768xf32, #tpu.memory_space<vmem>>[vector<16xi32>], vector<16xf32>,
    %get3A_412 = arith.constant 496 : index
    %get3A_413 = tpu.vector_load %arg5[%get3A_412] {strides = array<i32>} : memref<768xi32, #tpu.memory_space<vmem>>, vector<16xi32>,
    %add3A_414 = arith.constant 20480 : i32
    %add3A_415 = vector.broadcast %add3A_414 : i32 to vector<16xi32>
    %add3A_416 = arith.addi %add3A_415, %get3A_413 : vector<16xi32>
    tpu.vector_store_idx %arg6[%add3A_416], %broadcast_in_dim3A_3 {add = true} : memref<32768xf32, #tpu.memory_space<vmem>>[vector<16xi32>], vector<16xf32>,
    %get3A_417 = arith.constant 512 : index
    %get3A_418 = tpu.vector_load %arg5[%get3A_417] {strides = array<i32>} : memref<768xi32, #tpu.memory_space<vmem>>, vector<16xi32>,
    %add3A_419 = arith.constant 20480 : i32
    %add3A_420 = vector.broadcast %add3A_419 : i32 to vector<16xi32>
    %add3A_421 = arith.addi %add3A_420, %get3A_418 : vector<16xi32>
    tpu.vector_store_idx %arg6[%add3A_421], %broadcast_in_dim3A_3 masked %lt3A_7 {add = true} : memref<32768xf32, #tpu.memory_space<vmem>>[vector<16xi32>], vector<16xf32>, vector<16xi1>
    %get3A_422 = arith.constant 528 : index
    %get3A_423 = tpu.vector_load %arg5[%get3A_422] {strides = array<i32>} : memref<768xi32, #tpu.memory_space<vmem>>, vector<16xi32>,
    %add3A_424 = arith.constant 22528 : i32
    %add3A_425 = vector.broadcast %add3A_424 : i32 to vector<16xi32>
    %add3A_426 = arith.addi %add3A_425, %get3A_423 : vector<16xi32>
    tpu.vector_store_idx %arg6[%add3A_426], %broadcast_in_dim3A_3 {add = true} : memref<32768xf32, #tpu.memory_space<vmem>>[vector<16xi32>], vector<16xf32>,
    %get3A_427 = arith.constant 544 : index
    %get3A_428 = tpu.vector_load %arg5[%get3A_427] {strides = array<i32>} : memref<768xi32, #tpu.memory_space<vmem>>, vector<16xi32>,
    %add3A_429 = arith.constant 22528 : i32
    %add3A_430 = vector.broadcast %add3A_429 : i32 to vector<16xi32>
    %add3A_431 = arith.addi %add3A_430, %get3A_428 : vector<16xi32>
    tpu.vector_store_idx %arg6[%add3A_431], %broadcast_in_dim3A_3 {add = true} : memref<32768xf32, #tpu.memory_space<vmem>>[vector<16xi32>], vector<16xf32>,
    %get3A_432 = arith.constant 560 : index
    %get3A_433 = tpu.vector_load %arg5[%get3A_432] {strides = array<i32>} : memref<768xi32, #tpu.memory_space<vmem>>, vector<16xi32>,
    %add3A_434 = arith.constant 22528 : i32
    %add3A_435 = vector.broadcast %add3A_434 : i32 to vector<16xi32>
    %add3A_436 = arith.addi %add3A_435, %get3A_433 : vector<16xi32>
    tpu.vector_store_idx %arg6[%add3A_436], %broadcast_in_dim3A_3 masked %lt3A_7 {add = true} : memref<32768xf32, #tpu.memory_space<vmem>>[vector<16xi32>], vector<16xf32>, vector<16xi1>
    %get3A_437 = arith.constant 576 : index
    %get3A_438 = tpu.vector_load %arg5[%get3A_437] {strides = array<i32>} : memref<768xi32, #tpu.memory_space<vmem>>, vector<16xi32>,
    %add3A_439 = arith.constant 24576 : i32
    %add3A_440 = vector.broadcast %add3A_439 : i32 to vector<16xi32>
    %add3A_441 = arith.addi %add3A_440, %get3A_438 : vector<16xi32>
    tpu.vector_store_idx %arg6[%add3A_441], %broadcast_in_dim3A_3 {add = true} : memref<32768xf32, #tpu.memory_space<vmem>>[vector<16xi32>], vector<16xf32>,
    %get3A_442 = arith.constant 592 : index
    %get3A_443 = tpu.vector_load %arg5[%get3A_442] {strides = array<i32>} : memref<768xi32, #tpu.memory_space<vmem>>, vector<16xi32>,
    %add3A_444 = arith.constant 24576 : i32
    %add3A_445 = vector.broadcast %add3A_444 : i32 to vector<16xi32>
    %add3A_446 = arith.addi %add3A_445, %get3A_443 : vector<16xi32>
    tpu.vector_store_idx %arg6[%add3A_446], %broadcast_in_dim3A_3 {add = true} : memref<32768xf32, #tpu.memory_space<vmem>>[vector<16xi32>], vector<16xf32>,
    %get3A_447 = arith.constant 608 : index
    %get3A_448 = tpu.vector_load %arg5[%get3A_447] {strides = array<i32>} : memref<768xi32, #tpu.memory_space<vmem>>, vector<16xi32>,
    %add3A_449 = arith.constant 24576 : i32
    %add3A_450 = vector.broadcast %add3A_449 : i32 to vector<16xi32>
    %add3A_451 = arith.addi %add3A_450, %get3A_448 : vector<16xi32>
    tpu.vector_store_idx %arg6[%add3A_451], %broadcast_in_dim3A_3 masked %lt3A_7 {add = true} : memref<32768xf32, #tpu.memory_space<vmem>>[vector<16xi32>], vector<16xf32>, vector<16xi1>
    %get3A_452 = arith.constant 624 : index
    %get3A_453 = tpu.vector_load %arg5[%get3A_452] {strides = array<i32>} : memref<768xi32, #tpu.memory_space<vmem>>, vector<16xi32>,
    %add3A_454 = arith.constant 26624 : i32
    %add3A_455 = vector.broadcast %add3A_454 : i32 to vector<16xi32>
    %add3A_456 = arith.addi %add3A_455, %get3A_453 : vector<16xi32>
    tpu.vector_store_idx %arg6[%add3A_456], %broadcast_in_dim3A_3 {add = true} : memref<32768xf32, #tpu.memory_space<vmem>>[vector<16xi32>], vector<16xf32>,
    %get3A_457 = arith.constant 640 : index
    %get3A_458 = tpu.vector_load %arg5[%get3A_457] {strides = array<i32>} : memref<768xi32, #tpu.memory_space<vmem>>, vector<16xi32>,
    %add3A_459 = arith.constant 26624 : i32
    %add3A_460 = vector.broadcast %add3A_459 : i32 to vector<16xi32>
    %add3A_461 = arith.addi %add3A_460, %get3A_458 : vector<16xi32>
    tpu.vector_store_idx %arg6[%add3A_461], %broadcast_in_dim3A_3 {add = true} : memref<32768xf32, #tpu.memory_space<vmem>>[vector<16xi32>], vector<16xf32>,
    %get3A_462 = arith.constant 656 : index
    %get3A_463 = tpu.vector_load %arg5[%get3A_462] {strides = array<i32>} : memref<768xi32, #tpu.memory_space<vmem>>, vector<16xi32>,
    %add3A_464 = arith.constant 26624 : i32
    %add3A_465 = vector.broadcast %add3A_464 : i32 to vector<16xi32>
    %add3A_466 = arith.addi %add3A_465, %get3A_463 : vector<16xi32>
    tpu.vector_store_idx %arg6[%add3A_466], %broadcast_in_dim3A_3 masked %lt3A_7 {add = true} : memref<32768xf32, #tpu.memory_space<vmem>>[vector<16xi32>], vector<16xf32>, vector<16xi1>
    %get3A_467 = arith.constant 672 : index
    %get3A_468 = tpu.vector_load %arg5[%get3A_467] {strides = array<i32>} : memref<768xi32, #tpu.memory_space<vmem>>, vector<16xi32>,
    %add3A_469 = arith.constant 28672 : i32
    %add3A_470 = vector.broadcast %add3A_469 : i32 to vector<16xi32>
    %add3A_471 = arith.addi %add3A_470, %get3A_468 : vector<16xi32>
    tpu.vector_store_idx %arg6[%add3A_471], %broadcast_in_dim3A_3 {add = true} : memref<32768xf32, #tpu.memory_space<vmem>>[vector<16xi32>], vector<16xf32>,
    %get3A_472 = arith.constant 688 : index
    %get3A_473 = tpu.vector_load %arg5[%get3A_472] {strides = array<i32>} : memref<768xi32, #tpu.memory_space<vmem>>, vector<16xi32>,
    %add3A_474 = arith.constant 28672 : i32
    %add3A_475 = vector.broadcast %add3A_474 : i32 to vector<16xi32>
    %add3A_476 = arith.addi %add3A_475, %get3A_473 : vector<16xi32>
    tpu.vector_store_idx %arg6[%add3A_476], %broadcast_in_dim3A_3 {add = true} : memref<32768xf32, #tpu.memory_space<vmem>>[vector<16xi32>], vector<16xf32>,
    %get3A_477 = arith.constant 704 : index
    %get3A_478 = tpu.vector_load %arg5[%get3A_477] {strides = array<i32>} : memref<768xi32, #tpu.memory_space<vmem>>, vector<16xi32>,
    %add3A_479 = arith.constant 28672 : i32
    %add3A_480 = vector.broadcast %add3A_479 : i32 to vector<16xi32>
    %add3A_481 = arith.addi %add3A_480, %get3A_478 : vector<16xi32>
    tpu.vector_store_idx %arg6[%add3A_481], %broadcast_in_dim3A_3 masked %lt3A_7 {add = true} : memref<32768xf32, #tpu.memory_space<vmem>>[vector<16xi32>], vector<16xf32>, vector<16xi1>
    %get3A_482 = arith.constant 720 : index
    %get3A_483 = tpu.vector_load %arg5[%get3A_482] {strides = array<i32>} : memref<768xi32, #tpu.memory_space<vmem>>, vector<16xi32>,
    %add3A_484 = arith.constant 30720 : i32
    %add3A_485 = vector.broadcast %add3A_484 : i32 to vector<16xi32>
    %add3A_486 = arith.addi %add3A_485, %get3A_483 : vector<16xi32>
    tpu.vector_store_idx %arg6[%add3A_486], %broadcast_in_dim3A_3 {add = true} : memref<32768xf32, #tpu.memory_space<vmem>>[vector<16xi32>], vector<16xf32>,
    %get3A_487 = arith.constant 736 : index
    %get3A_488 = tpu.vector_load %arg5[%get3A_487] {strides = array<i32>} : memref<768xi32, #tpu.memory_space<vmem>>, vector<16xi32>,
    %add3A_489 = arith.constant 30720 : i32
    %add3A_490 = vector.broadcast %add3A_489 : i32 to vector<16xi32>
    %add3A_491 = arith.addi %add3A_490, %get3A_488 : vector<16xi32>
    tpu.vector_store_idx %arg6[%add3A_491], %broadcast_in_dim3A_3 {add = true} : memref<32768xf32, #tpu.memory_space<vmem>>[vector<16xi32>], vector<16xf32>,
    %get3A_492 = arith.constant 752 : index
    %get3A_493 = tpu.vector_load %arg5[%get3A_492] {strides = array<i32>} : memref<768xi32, #tpu.memory_space<vmem>>, vector<16xi32>,
    %add3A_494 = arith.constant 30720 : i32
    %add3A_495 = vector.broadcast %add3A_494 : i32 to vector<16xi32>
    %add3A_496 = arith.addi %add3A_495, %get3A_493 : vector<16xi32>
    tpu.vector_store_idx %arg6[%add3A_496], %broadcast_in_dim3A_3 masked %lt3A_7 {add = true} : memref<32768xf32, #tpu.memory_space<vmem>>[vector<16xi32>], vector<16xf32>, vector<16xi1>
    %mul3A_497 = arith.constant 2048 : i32
    %mul3A_498 = arith.muli %add3A_254, %mul3A_497 : i32
    "tpu.region"() ({
      %run_scoped3A = tpu.sem_alloc : memref<!tpu.dma_semaphore, #tpu.memory_space<semaphore_mem>>
      %dma_start3A = tpu.memref_slice %arg4[%mul3A_498] : memref<4194304xf32, #tpu.memory_space<hbm>> -> memref<32768xf32, #tpu.memory_space<hbm>>
      %dma_start3A_991 = tpu.memref_slice %arg4[%mul3A_498] : memref<4194304xf32, #tpu.memory_space<hbm>> -> memref<32768xf32, #tpu.memory_space<hbm>>
      tpu.enqueue_dma source(%arg6 : memref<32768xf32, #tpu.memory_space<vmem>>) target(%dma_start3A_991 : memref<32768xf32, #tpu.memory_space<hbm>>) target_semaphore(%run_scoped3A : memref<!tpu.dma_semaphore, #tpu.memory_space<semaphore_mem>>)
      %dma_wait3A = tpu.memref_slice %arg4[%mul3A_498] : memref<4194304xf32, #tpu.memory_space<hbm>> -> memref<32768xf32, #tpu.memory_space<hbm>>
      %dma_wait3A_992 = tpu.memref_slice %arg4[%mul3A_498] : memref<4194304xf32, #tpu.memory_space<hbm>> -> memref<32768xf32, #tpu.memory_space<hbm>>
      tpu.wait_dma2 semaphore(%run_scoped3A : memref<!tpu.dma_semaphore, #tpu.memory_space<semaphore_mem>>) src(%arg6 : memref<32768xf32, #tpu.memory_space<vmem>>) dst(%dma_wait3A_992 : memref<32768xf32, #tpu.memory_space<hbm>>)
      tpu.yield
    }) : () -> ()
    %add3A_499 = arith.constant 32 : i32
    %add3A_500 = arith.addi %mul3A_2, %add3A_499 : i32
    %mul3A_501 = arith.constant 48 : i32
    %mul3A_502 = arith.muli %add3A_500, %mul3A_501 : i32
    "tpu.region"() ({
      %run_scoped3A = tpu.sem_alloc : memref<!tpu.dma_semaphore, #tpu.memory_space<semaphore_mem>>
      %dma_start3A = tpu.memref_slice %arg2[%mul3A_502] : memref<98304xi32, #tpu.memory_space<hbm>> -> memref<768xi32, #tpu.memory_space<hbm>>
      %dma_start3A_991 = tpu.memref_slice %arg2[%mul3A_502] : memref<98304xi32, #tpu.memory_space<hbm>> -> memref<768xi32, #tpu.memory_space<hbm>>
      tpu.enqueue_dma source(%dma_start3A_991 : memref<768xi32, #tpu.memory_space<hbm>>) target(%arg5 : memref<768xi32, #tpu.memory_space<vmem>>) target_semaphore(%run_scoped3A : memref<!tpu.dma_semaphore, #tpu.memory_space<semaphore_mem>>)
      %dma_wait3A = tpu.memref_slice %arg2[%mul3A_502] : memref<98304xi32, #tpu.memory_space<hbm>> -> memref<768xi32, #tpu.memory_space<hbm>>
      %dma_wait3A_992 = tpu.memref_slice %arg2[%mul3A_502] : memref<98304xi32, #tpu.memory_space<hbm>> -> memref<768xi32, #tpu.memory_space<hbm>>
      tpu.wait_dma2 semaphore(%run_scoped3A : memref<!tpu.dma_semaphore, #tpu.memory_space<semaphore_mem>>) src(%dma_wait3A_992 : memref<768xi32, #tpu.memory_space<hbm>>) dst(%arg5 : memref<768xi32, #tpu.memory_space<vmem>>)
      tpu.yield
    }) : () -> ()
    "tpu.region"() ({
      %run_scoped3A = tpu.sem_alloc : memref<!tpu.dma_semaphore, #tpu.memory_space<semaphore_mem>>
      tpu.enqueue_dma source(%arg3 : memref<32768xf32, #tpu.memory_space<hbm>>) target(%arg6 : memref<32768xf32, #tpu.memory_space<vmem>>) target_semaphore(%run_scoped3A : memref<!tpu.dma_semaphore, #tpu.memory_space<semaphore_mem>>)
      tpu.wait_dma2 semaphore(%run_scoped3A : memref<!tpu.dma_semaphore, #tpu.memory_space<semaphore_mem>>) src(%arg3 : memref<32768xf32, #tpu.memory_space<hbm>>) dst(%arg6 : memref<32768xf32, #tpu.memory_space<vmem>>)
      tpu.yield
    }) : () -> ()
    %get3A_503 = arith.constant 0 : index
    %get3A_504 = tpu.vector_load %arg5[%get3A_503] {strides = array<i32>} : memref<768xi32, #tpu.memory_space<vmem>>, vector<16xi32>,
    %add3A_505 = arith.constant 0 : i32
    %add3A_506 = vector.broadcast %add3A_505 : i32 to vector<16xi32>
    %add3A_507 = arith.addi %add3A_506, %get3A_504 : vector<16xi32>
    tpu.vector_store_idx %arg6[%add3A_507], %broadcast_in_dim3A_3 {add = true} : memref<32768xf32, #tpu.memory_space<vmem>>[vector<16xi32>], vector<16xf32>,
    %get3A_508 = arith.constant 16 : index
    %get3A_509 = tpu.vector_load %arg5[%get3A_508] {strides = array<i32>} : memref<768xi32, #tpu.memory_space<vmem>>, vector<16xi32>,
    %add3A_510 = arith.constant 0 : i32
    %add3A_511 = vector.broadcast %add3A_510 : i32 to vector<16xi32>
    %add3A_512 = arith.addi %add3A_511, %get3A_509 : vector<16xi32>
    tpu.vector_store_idx %arg6[%add3A_512], %broadcast_in_dim3A_3 {add = true} : memref<32768xf32, #tpu.memory_space<vmem>>[vector<16xi32>], vector<16xf32>,
    %get3A_513 = arith.constant 32 : index
    %get3A_514 = tpu.vector_load %arg5[%get3A_513] {strides = array<i32>} : memref<768xi32, #tpu.memory_space<vmem>>, vector<16xi32>,
    %add3A_515 = arith.constant 0 : i32
    %add3A_516 = vector.broadcast %add3A_515 : i32 to vector<16xi32>
    %add3A_517 = arith.addi %add3A_516, %get3A_514 : vector<16xi32>
    tpu.vector_store_idx %arg6[%add3A_517], %broadcast_in_dim3A_3 masked %lt3A_7 {add = true} : memref<32768xf32, #tpu.memory_space<vmem>>[vector<16xi32>], vector<16xf32>, vector<16xi1>
    %get3A_518 = arith.constant 48 : index
    %get3A_519 = tpu.vector_load %arg5[%get3A_518] {strides = array<i32>} : memref<768xi32, #tpu.memory_space<vmem>>, vector<16xi32>,
    %add3A_520 = arith.constant 2048 : i32
    %add3A_521 = vector.broadcast %add3A_520 : i32 to vector<16xi32>
    %add3A_522 = arith.addi %add3A_521, %get3A_519 : vector<16xi32>
    tpu.vector_store_idx %arg6[%add3A_522], %broadcast_in_dim3A_3 {add = true} : memref<32768xf32, #tpu.memory_space<vmem>>[vector<16xi32>], vector<16xf32>,
    %get3A_523 = arith.constant 64 : index
    %get3A_524 = tpu.vector_load %arg5[%get3A_523] {strides = array<i32>} : memref<768xi32, #tpu.memory_space<vmem>>, vector<16xi32>,
    %add3A_525 = arith.constant 2048 : i32
    %add3A_526 = vector.broadcast %add3A_525 : i32 to vector<16xi32>
    %add3A_527 = arith.addi %add3A_526, %get3A_524 : vector<16xi32>
    tpu.vector_store_idx %arg6[%add3A_527], %broadcast_in_dim3A_3 {add = true} : memref<32768xf32, #tpu.memory_space<vmem>>[vector<16xi32>], vector<16xf32>,
    %get3A_528 = arith.constant 80 : index
    %get3A_529 = tpu.vector_load %arg5[%get3A_528] {strides = array<i32>} : memref<768xi32, #tpu.memory_space<vmem>>, vector<16xi32>,
    %add3A_530 = arith.constant 2048 : i32
    %add3A_531 = vector.broadcast %add3A_530 : i32 to vector<16xi32>
    %add3A_532 = arith.addi %add3A_531, %get3A_529 : vector<16xi32>
    tpu.vector_store_idx %arg6[%add3A_532], %broadcast_in_dim3A_3 masked %lt3A_7 {add = true} : memref<32768xf32, #tpu.memory_space<vmem>>[vector<16xi32>], vector<16xf32>, vector<16xi1>
    %get3A_533 = arith.constant 96 : index
    %get3A_534 = tpu.vector_load %arg5[%get3A_533] {strides = array<i32>} : memref<768xi32, #tpu.memory_space<vmem>>, vector<16xi32>,
    %add3A_535 = arith.constant 4096 : i32
    %add3A_536 = vector.broadcast %add3A_535 : i32 to vector<16xi32>
    %add3A_537 = arith.addi %add3A_536, %get3A_534 : vector<16xi32>
    tpu.vector_store_idx %arg6[%add3A_537], %broadcast_in_dim3A_3 {add = true} : memref<32768xf32, #tpu.memory_space<vmem>>[vector<16xi32>], vector<16xf32>,
    %get3A_538 = arith.constant 112 : index
    %get3A_539 = tpu.vector_load %arg5[%get3A_538] {strides = array<i32>} : memref<768xi32, #tpu.memory_space<vmem>>, vector<16xi32>,
    %add3A_540 = arith.constant 4096 : i32
    %add3A_541 = vector.broadcast %add3A_540 : i32 to vector<16xi32>
    %add3A_542 = arith.addi %add3A_541, %get3A_539 : vector<16xi32>
    tpu.vector_store_idx %arg6[%add3A_542], %broadcast_in_dim3A_3 {add = true} : memref<32768xf32, #tpu.memory_space<vmem>>[vector<16xi32>], vector<16xf32>,
    %get3A_543 = arith.constant 128 : index
    %get3A_544 = tpu.vector_load %arg5[%get3A_543] {strides = array<i32>} : memref<768xi32, #tpu.memory_space<vmem>>, vector<16xi32>,
    %add3A_545 = arith.constant 4096 : i32
    %add3A_546 = vector.broadcast %add3A_545 : i32 to vector<16xi32>
    %add3A_547 = arith.addi %add3A_546, %get3A_544 : vector<16xi32>
    tpu.vector_store_idx %arg6[%add3A_547], %broadcast_in_dim3A_3 masked %lt3A_7 {add = true} : memref<32768xf32, #tpu.memory_space<vmem>>[vector<16xi32>], vector<16xf32>, vector<16xi1>
    %get3A_548 = arith.constant 144 : index
    %get3A_549 = tpu.vector_load %arg5[%get3A_548] {strides = array<i32>} : memref<768xi32, #tpu.memory_space<vmem>>, vector<16xi32>,
    %add3A_550 = arith.constant 6144 : i32
    %add3A_551 = vector.broadcast %add3A_550 : i32 to vector<16xi32>
    %add3A_552 = arith.addi %add3A_551, %get3A_549 : vector<16xi32>
    tpu.vector_store_idx %arg6[%add3A_552], %broadcast_in_dim3A_3 {add = true} : memref<32768xf32, #tpu.memory_space<vmem>>[vector<16xi32>], vector<16xf32>,
    %get3A_553 = arith.constant 160 : index
    %get3A_554 = tpu.vector_load %arg5[%get3A_553] {strides = array<i32>} : memref<768xi32, #tpu.memory_space<vmem>>, vector<16xi32>,
    %add3A_555 = arith.constant 6144 : i32
    %add3A_556 = vector.broadcast %add3A_555 : i32 to vector<16xi32>
    %add3A_557 = arith.addi %add3A_556, %get3A_554 : vector<16xi32>
    tpu.vector_store_idx %arg6[%add3A_557], %broadcast_in_dim3A_3 {add = true} : memref<32768xf32, #tpu.memory_space<vmem>>[vector<16xi32>], vector<16xf32>,
    %get3A_558 = arith.constant 176 : index
    %get3A_559 = tpu.vector_load %arg5[%get3A_558] {strides = array<i32>} : memref<768xi32, #tpu.memory_space<vmem>>, vector<16xi32>,
    %add3A_560 = arith.constant 6144 : i32
    %add3A_561 = vector.broadcast %add3A_560 : i32 to vector<16xi32>
    %add3A_562 = arith.addi %add3A_561, %get3A_559 : vector<16xi32>
    tpu.vector_store_idx %arg6[%add3A_562], %broadcast_in_dim3A_3 masked %lt3A_7 {add = true} : memref<32768xf32, #tpu.memory_space<vmem>>[vector<16xi32>], vector<16xf32>, vector<16xi1>
    %get3A_563 = arith.constant 192 : index
    %get3A_564 = tpu.vector_load %arg5[%get3A_563] {strides = array<i32>} : memref<768xi32, #tpu.memory_space<vmem>>, vector<16xi32>,
    %add3A_565 = arith.constant 8192 : i32
    %add3A_566 = vector.broadcast %add3A_565 : i32 to vector<16xi32>
    %add3A_567 = arith.addi %add3A_566, %get3A_564 : vector<16xi32>
    tpu.vector_store_idx %arg6[%add3A_567], %broadcast_in_dim3A_3 {add = true} : memref<32768xf32, #tpu.memory_space<vmem>>[vector<16xi32>], vector<16xf32>,
    %get3A_568 = arith.constant 208 : index
    %get3A_569 = tpu.vector_load %arg5[%get3A_568] {strides = array<i32>} : memref<768xi32, #tpu.memory_space<vmem>>, vector<16xi32>,
    %add3A_570 = arith.constant 8192 : i32
    %add3A_571 = vector.broadcast %add3A_570 : i32 to vector<16xi32>
    %add3A_572 = arith.addi %add3A_571, %get3A_569 : vector<16xi32>
    tpu.vector_store_idx %arg6[%add3A_572], %broadcast_in_dim3A_3 {add = true} : memref<32768xf32, #tpu.memory_space<vmem>>[vector<16xi32>], vector<16xf32>,
    %get3A_573 = arith.constant 224 : index
    %get3A_574 = tpu.vector_load %arg5[%get3A_573] {strides = array<i32>} : memref<768xi32, #tpu.memory_space<vmem>>, vector<16xi32>,
    %add3A_575 = arith.constant 8192 : i32
    %add3A_576 = vector.broadcast %add3A_575 : i32 to vector<16xi32>
    %add3A_577 = arith.addi %add3A_576, %get3A_574 : vector<16xi32>
    tpu.vector_store_idx %arg6[%add3A_577], %broadcast_in_dim3A_3 masked %lt3A_7 {add = true} : memref<32768xf32, #tpu.memory_space<vmem>>[vector<16xi32>], vector<16xf32>, vector<16xi1>
    %get3A_578 = arith.constant 240 : index
    %get3A_579 = tpu.vector_load %arg5[%get3A_578] {strides = array<i32>} : memref<768xi32, #tpu.memory_space<vmem>>, vector<16xi32>,
    %add3A_580 = arith.constant 10240 : i32
    %add3A_581 = vector.broadcast %add3A_580 : i32 to vector<16xi32>
    %add3A_582 = arith.addi %add3A_581, %get3A_579 : vector<16xi32>
    tpu.vector_store_idx %arg6[%add3A_582], %broadcast_in_dim3A_3 {add = true} : memref<32768xf32, #tpu.memory_space<vmem>>[vector<16xi32>], vector<16xf32>,
    %get3A_583 = arith.constant 256 : index
    %get3A_584 = tpu.vector_load %arg5[%get3A_583] {strides = array<i32>} : memref<768xi32, #tpu.memory_space<vmem>>, vector<16xi32>,
    %add3A_585 = arith.constant 10240 : i32
    %add3A_586 = vector.broadcast %add3A_585 : i32 to vector<16xi32>
    %add3A_587 = arith.addi %add3A_586, %get3A_584 : vector<16xi32>
    tpu.vector_store_idx %arg6[%add3A_587], %broadcast_in_dim3A_3 {add = true} : memref<32768xf32, #tpu.memory_space<vmem>>[vector<16xi32>], vector<16xf32>,
    %get3A_588 = arith.constant 272 : index
    %get3A_589 = tpu.vector_load %arg5[%get3A_588] {strides = array<i32>} : memref<768xi32, #tpu.memory_space<vmem>>, vector<16xi32>,
    %add3A_590 = arith.constant 10240 : i32
    %add3A_591 = vector.broadcast %add3A_590 : i32 to vector<16xi32>
    %add3A_592 = arith.addi %add3A_591, %get3A_589 : vector<16xi32>
    tpu.vector_store_idx %arg6[%add3A_592], %broadcast_in_dim3A_3 masked %lt3A_7 {add = true} : memref<32768xf32, #tpu.memory_space<vmem>>[vector<16xi32>], vector<16xf32>, vector<16xi1>
    %get3A_593 = arith.constant 288 : index
    %get3A_594 = tpu.vector_load %arg5[%get3A_593] {strides = array<i32>} : memref<768xi32, #tpu.memory_space<vmem>>, vector<16xi32>,
    %add3A_595 = arith.constant 12288 : i32
    %add3A_596 = vector.broadcast %add3A_595 : i32 to vector<16xi32>
    %add3A_597 = arith.addi %add3A_596, %get3A_594 : vector<16xi32>
    tpu.vector_store_idx %arg6[%add3A_597], %broadcast_in_dim3A_3 {add = true} : memref<32768xf32, #tpu.memory_space<vmem>>[vector<16xi32>], vector<16xf32>,
    %get3A_598 = arith.constant 304 : index
    %get3A_599 = tpu.vector_load %arg5[%get3A_598] {strides = array<i32>} : memref<768xi32, #tpu.memory_space<vmem>>, vector<16xi32>,
    %add3A_600 = arith.constant 12288 : i32
    %add3A_601 = vector.broadcast %add3A_600 : i32 to vector<16xi32>
    %add3A_602 = arith.addi %add3A_601, %get3A_599 : vector<16xi32>
    tpu.vector_store_idx %arg6[%add3A_602], %broadcast_in_dim3A_3 {add = true} : memref<32768xf32, #tpu.memory_space<vmem>>[vector<16xi32>], vector<16xf32>,
    %get3A_603 = arith.constant 320 : index
    %get3A_604 = tpu.vector_load %arg5[%get3A_603] {strides = array<i32>} : memref<768xi32, #tpu.memory_space<vmem>>, vector<16xi32>,
    %add3A_605 = arith.constant 12288 : i32
    %add3A_606 = vector.broadcast %add3A_605 : i32 to vector<16xi32>
    %add3A_607 = arith.addi %add3A_606, %get3A_604 : vector<16xi32>
    tpu.vector_store_idx %arg6[%add3A_607], %broadcast_in_dim3A_3 masked %lt3A_7 {add = true} : memref<32768xf32, #tpu.memory_space<vmem>>[vector<16xi32>], vector<16xf32>, vector<16xi1>
    %get3A_608 = arith.constant 336 : index
    %get3A_609 = tpu.vector_load %arg5[%get3A_608] {strides = array<i32>} : memref<768xi32, #tpu.memory_space<vmem>>, vector<16xi32>,
    %add3A_610 = arith.constant 14336 : i32
    %add3A_611 = vector.broadcast %add3A_610 : i32 to vector<16xi32>
    %add3A_612 = arith.addi %add3A_611, %get3A_609 : vector<16xi32>
    tpu.vector_store_idx %arg6[%add3A_612], %broadcast_in_dim3A_3 {add = true} : memref<32768xf32, #tpu.memory_space<vmem>>[vector<16xi32>], vector<16xf32>,
    %get3A_613 = arith.constant 352 : index
    %get3A_614 = tpu.vector_load %arg5[%get3A_613] {strides = array<i32>} : memref<768xi32, #tpu.memory_space<vmem>>, vector<16xi32>,
    %add3A_615 = arith.constant 14336 : i32
    %add3A_616 = vector.broadcast %add3A_615 : i32 to vector<16xi32>
    %add3A_617 = arith.addi %add3A_616, %get3A_614 : vector<16xi32>
    tpu.vector_store_idx %arg6[%add3A_617], %broadcast_in_dim3A_3 {add = true} : memref<32768xf32, #tpu.memory_space<vmem>>[vector<16xi32>], vector<16xf32>,
    %get3A_618 = arith.constant 368 : index
    %get3A_619 = tpu.vector_load %arg5[%get3A_618] {strides = array<i32>} : memref<768xi32, #tpu.memory_space<vmem>>, vector<16xi32>,
    %add3A_620 = arith.constant 14336 : i32
    %add3A_621 = vector.broadcast %add3A_620 : i32 to vector<16xi32>
    %add3A_622 = arith.addi %add3A_621, %get3A_619 : vector<16xi32>
    tpu.vector_store_idx %arg6[%add3A_622], %broadcast_in_dim3A_3 masked %lt3A_7 {add = true} : memref<32768xf32, #tpu.memory_space<vmem>>[vector<16xi32>], vector<16xf32>, vector<16xi1>
    %get3A_623 = arith.constant 384 : index
    %get3A_624 = tpu.vector_load %arg5[%get3A_623] {strides = array<i32>} : memref<768xi32, #tpu.memory_space<vmem>>, vector<16xi32>,
    %add3A_625 = arith.constant 16384 : i32
    %add3A_626 = vector.broadcast %add3A_625 : i32 to vector<16xi32>
    %add3A_627 = arith.addi %add3A_626, %get3A_624 : vector<16xi32>
    tpu.vector_store_idx %arg6[%add3A_627], %broadcast_in_dim3A_3 {add = true} : memref<32768xf32, #tpu.memory_space<vmem>>[vector<16xi32>], vector<16xf32>,
    %get3A_628 = arith.constant 400 : index
    %get3A_629 = tpu.vector_load %arg5[%get3A_628] {strides = array<i32>} : memref<768xi32, #tpu.memory_space<vmem>>, vector<16xi32>,
    %add3A_630 = arith.constant 16384 : i32
    %add3A_631 = vector.broadcast %add3A_630 : i32 to vector<16xi32>
    %add3A_632 = arith.addi %add3A_631, %get3A_629 : vector<16xi32>
    tpu.vector_store_idx %arg6[%add3A_632], %broadcast_in_dim3A_3 {add = true} : memref<32768xf32, #tpu.memory_space<vmem>>[vector<16xi32>], vector<16xf32>,
    %get3A_633 = arith.constant 416 : index
    %get3A_634 = tpu.vector_load %arg5[%get3A_633] {strides = array<i32>} : memref<768xi32, #tpu.memory_space<vmem>>, vector<16xi32>,
    %add3A_635 = arith.constant 16384 : i32
    %add3A_636 = vector.broadcast %add3A_635 : i32 to vector<16xi32>
    %add3A_637 = arith.addi %add3A_636, %get3A_634 : vector<16xi32>
    tpu.vector_store_idx %arg6[%add3A_637], %broadcast_in_dim3A_3 masked %lt3A_7 {add = true} : memref<32768xf32, #tpu.memory_space<vmem>>[vector<16xi32>], vector<16xf32>, vector<16xi1>
    %get3A_638 = arith.constant 432 : index
    %get3A_639 = tpu.vector_load %arg5[%get3A_638] {strides = array<i32>} : memref<768xi32, #tpu.memory_space<vmem>>, vector<16xi32>,
    %add3A_640 = arith.constant 18432 : i32
    %add3A_641 = vector.broadcast %add3A_640 : i32 to vector<16xi32>
    %add3A_642 = arith.addi %add3A_641, %get3A_639 : vector<16xi32>
    tpu.vector_store_idx %arg6[%add3A_642], %broadcast_in_dim3A_3 {add = true} : memref<32768xf32, #tpu.memory_space<vmem>>[vector<16xi32>], vector<16xf32>,
    %get3A_643 = arith.constant 448 : index
    %get3A_644 = tpu.vector_load %arg5[%get3A_643] {strides = array<i32>} : memref<768xi32, #tpu.memory_space<vmem>>, vector<16xi32>,
    %add3A_645 = arith.constant 18432 : i32
    %add3A_646 = vector.broadcast %add3A_645 : i32 to vector<16xi32>
    %add3A_647 = arith.addi %add3A_646, %get3A_644 : vector<16xi32>
    tpu.vector_store_idx %arg6[%add3A_647], %broadcast_in_dim3A_3 {add = true} : memref<32768xf32, #tpu.memory_space<vmem>>[vector<16xi32>], vector<16xf32>,
    %get3A_648 = arith.constant 464 : index
    %get3A_649 = tpu.vector_load %arg5[%get3A_648] {strides = array<i32>} : memref<768xi32, #tpu.memory_space<vmem>>, vector<16xi32>,
    %add3A_650 = arith.constant 18432 : i32
    %add3A_651 = vector.broadcast %add3A_650 : i32 to vector<16xi32>
    %add3A_652 = arith.addi %add3A_651, %get3A_649 : vector<16xi32>
    tpu.vector_store_idx %arg6[%add3A_652], %broadcast_in_dim3A_3 masked %lt3A_7 {add = true} : memref<32768xf32, #tpu.memory_space<vmem>>[vector<16xi32>], vector<16xf32>, vector<16xi1>
    %get3A_653 = arith.constant 480 : index
    %get3A_654 = tpu.vector_load %arg5[%get3A_653] {strides = array<i32>} : memref<768xi32, #tpu.memory_space<vmem>>, vector<16xi32>,
    %add3A_655 = arith.constant 20480 : i32
    %add3A_656 = vector.broadcast %add3A_655 : i32 to vector<16xi32>
    %add3A_657 = arith.addi %add3A_656, %get3A_654 : vector<16xi32>
    tpu.vector_store_idx %arg6[%add3A_657], %broadcast_in_dim3A_3 {add = true} : memref<32768xf32, #tpu.memory_space<vmem>>[vector<16xi32>], vector<16xf32>,
    %get3A_658 = arith.constant 496 : index
    %get3A_659 = tpu.vector_load %arg5[%get3A_658] {strides = array<i32>} : memref<768xi32, #tpu.memory_space<vmem>>, vector<16xi32>,
    %add3A_660 = arith.constant 20480 : i32
    %add3A_661 = vector.broadcast %add3A_660 : i32 to vector<16xi32>
    %add3A_662 = arith.addi %add3A_661, %get3A_659 : vector<16xi32>
    tpu.vector_store_idx %arg6[%add3A_662], %broadcast_in_dim3A_3 {add = true} : memref<32768xf32, #tpu.memory_space<vmem>>[vector<16xi32>], vector<16xf32>,
    %get3A_663 = arith.constant 512 : index
    %get3A_664 = tpu.vector_load %arg5[%get3A_663] {strides = array<i32>} : memref<768xi32, #tpu.memory_space<vmem>>, vector<16xi32>,
    %add3A_665 = arith.constant 20480 : i32
    %add3A_666 = vector.broadcast %add3A_665 : i32 to vector<16xi32>
    %add3A_667 = arith.addi %add3A_666, %get3A_664 : vector<16xi32>
    tpu.vector_store_idx %arg6[%add3A_667], %broadcast_in_dim3A_3 masked %lt3A_7 {add = true} : memref<32768xf32, #tpu.memory_space<vmem>>[vector<16xi32>], vector<16xf32>, vector<16xi1>
    %get3A_668 = arith.constant 528 : index
    %get3A_669 = tpu.vector_load %arg5[%get3A_668] {strides = array<i32>} : memref<768xi32, #tpu.memory_space<vmem>>, vector<16xi32>,
    %add3A_670 = arith.constant 22528 : i32
    %add3A_671 = vector.broadcast %add3A_670 : i32 to vector<16xi32>
    %add3A_672 = arith.addi %add3A_671, %get3A_669 : vector<16xi32>
    tpu.vector_store_idx %arg6[%add3A_672], %broadcast_in_dim3A_3 {add = true} : memref<32768xf32, #tpu.memory_space<vmem>>[vector<16xi32>], vector<16xf32>,
    %get3A_673 = arith.constant 544 : index
    %get3A_674 = tpu.vector_load %arg5[%get3A_673] {strides = array<i32>} : memref<768xi32, #tpu.memory_space<vmem>>, vector<16xi32>,
    %add3A_675 = arith.constant 22528 : i32
    %add3A_676 = vector.broadcast %add3A_675 : i32 to vector<16xi32>
    %add3A_677 = arith.addi %add3A_676, %get3A_674 : vector<16xi32>
    tpu.vector_store_idx %arg6[%add3A_677], %broadcast_in_dim3A_3 {add = true} : memref<32768xf32, #tpu.memory_space<vmem>>[vector<16xi32>], vector<16xf32>,
    %get3A_678 = arith.constant 560 : index
    %get3A_679 = tpu.vector_load %arg5[%get3A_678] {strides = array<i32>} : memref<768xi32, #tpu.memory_space<vmem>>, vector<16xi32>,
    %add3A_680 = arith.constant 22528 : i32
    %add3A_681 = vector.broadcast %add3A_680 : i32 to vector<16xi32>
    %add3A_682 = arith.addi %add3A_681, %get3A_679 : vector<16xi32>
    tpu.vector_store_idx %arg6[%add3A_682], %broadcast_in_dim3A_3 masked %lt3A_7 {add = true} : memref<32768xf32, #tpu.memory_space<vmem>>[vector<16xi32>], vector<16xf32>, vector<16xi1>
    %get3A_683 = arith.constant 576 : index
    %get3A_684 = tpu.vector_load %arg5[%get3A_683] {strides = array<i32>} : memref<768xi32, #tpu.memory_space<vmem>>, vector<16xi32>,
    %add3A_685 = arith.constant 24576 : i32
    %add3A_686 = vector.broadcast %add3A_685 : i32 to vector<16xi32>
    %add3A_687 = arith.addi %add3A_686, %get3A_684 : vector<16xi32>
    tpu.vector_store_idx %arg6[%add3A_687], %broadcast_in_dim3A_3 {add = true} : memref<32768xf32, #tpu.memory_space<vmem>>[vector<16xi32>], vector<16xf32>,
    %get3A_688 = arith.constant 592 : index
    %get3A_689 = tpu.vector_load %arg5[%get3A_688] {strides = array<i32>} : memref<768xi32, #tpu.memory_space<vmem>>, vector<16xi32>,
    %add3A_690 = arith.constant 24576 : i32
    %add3A_691 = vector.broadcast %add3A_690 : i32 to vector<16xi32>
    %add3A_692 = arith.addi %add3A_691, %get3A_689 : vector<16xi32>
    tpu.vector_store_idx %arg6[%add3A_692], %broadcast_in_dim3A_3 {add = true} : memref<32768xf32, #tpu.memory_space<vmem>>[vector<16xi32>], vector<16xf32>,
    %get3A_693 = arith.constant 608 : index
    %get3A_694 = tpu.vector_load %arg5[%get3A_693] {strides = array<i32>} : memref<768xi32, #tpu.memory_space<vmem>>, vector<16xi32>,
    %add3A_695 = arith.constant 24576 : i32
    %add3A_696 = vector.broadcast %add3A_695 : i32 to vector<16xi32>
    %add3A_697 = arith.addi %add3A_696, %get3A_694 : vector<16xi32>
    tpu.vector_store_idx %arg6[%add3A_697], %broadcast_in_dim3A_3 masked %lt3A_7 {add = true} : memref<32768xf32, #tpu.memory_space<vmem>>[vector<16xi32>], vector<16xf32>, vector<16xi1>
    %get3A_698 = arith.constant 624 : index
    %get3A_699 = tpu.vector_load %arg5[%get3A_698] {strides = array<i32>} : memref<768xi32, #tpu.memory_space<vmem>>, vector<16xi32>,
    %add3A_700 = arith.constant 26624 : i32
    %add3A_701 = vector.broadcast %add3A_700 : i32 to vector<16xi32>
    %add3A_702 = arith.addi %add3A_701, %get3A_699 : vector<16xi32>
    tpu.vector_store_idx %arg6[%add3A_702], %broadcast_in_dim3A_3 {add = true} : memref<32768xf32, #tpu.memory_space<vmem>>[vector<16xi32>], vector<16xf32>,
    %get3A_703 = arith.constant 640 : index
    %get3A_704 = tpu.vector_load %arg5[%get3A_703] {strides = array<i32>} : memref<768xi32, #tpu.memory_space<vmem>>, vector<16xi32>,
    %add3A_705 = arith.constant 26624 : i32
    %add3A_706 = vector.broadcast %add3A_705 : i32 to vector<16xi32>
    %add3A_707 = arith.addi %add3A_706, %get3A_704 : vector<16xi32>
    tpu.vector_store_idx %arg6[%add3A_707], %broadcast_in_dim3A_3 {add = true} : memref<32768xf32, #tpu.memory_space<vmem>>[vector<16xi32>], vector<16xf32>,
    %get3A_708 = arith.constant 656 : index
    %get3A_709 = tpu.vector_load %arg5[%get3A_708] {strides = array<i32>} : memref<768xi32, #tpu.memory_space<vmem>>, vector<16xi32>,
    %add3A_710 = arith.constant 26624 : i32
    %add3A_711 = vector.broadcast %add3A_710 : i32 to vector<16xi32>
    %add3A_712 = arith.addi %add3A_711, %get3A_709 : vector<16xi32>
    tpu.vector_store_idx %arg6[%add3A_712], %broadcast_in_dim3A_3 masked %lt3A_7 {add = true} : memref<32768xf32, #tpu.memory_space<vmem>>[vector<16xi32>], vector<16xf32>, vector<16xi1>
    %get3A_713 = arith.constant 672 : index
    %get3A_714 = tpu.vector_load %arg5[%get3A_713] {strides = array<i32>} : memref<768xi32, #tpu.memory_space<vmem>>, vector<16xi32>,
    %add3A_715 = arith.constant 28672 : i32
    %add3A_716 = vector.broadcast %add3A_715 : i32 to vector<16xi32>
    %add3A_717 = arith.addi %add3A_716, %get3A_714 : vector<16xi32>
    tpu.vector_store_idx %arg6[%add3A_717], %broadcast_in_dim3A_3 {add = true} : memref<32768xf32, #tpu.memory_space<vmem>>[vector<16xi32>], vector<16xf32>,
    %get3A_718 = arith.constant 688 : index
    %get3A_719 = tpu.vector_load %arg5[%get3A_718] {strides = array<i32>} : memref<768xi32, #tpu.memory_space<vmem>>, vector<16xi32>,
    %add3A_720 = arith.constant 28672 : i32
    %add3A_721 = vector.broadcast %add3A_720 : i32 to vector<16xi32>
    %add3A_722 = arith.addi %add3A_721, %get3A_719 : vector<16xi32>
    tpu.vector_store_idx %arg6[%add3A_722], %broadcast_in_dim3A_3 {add = true} : memref<32768xf32, #tpu.memory_space<vmem>>[vector<16xi32>], vector<16xf32>,
    %get3A_723 = arith.constant 704 : index
    %get3A_724 = tpu.vector_load %arg5[%get3A_723] {strides = array<i32>} : memref<768xi32, #tpu.memory_space<vmem>>, vector<16xi32>,
    %add3A_725 = arith.constant 28672 : i32
    %add3A_726 = vector.broadcast %add3A_725 : i32 to vector<16xi32>
    %add3A_727 = arith.addi %add3A_726, %get3A_724 : vector<16xi32>
    tpu.vector_store_idx %arg6[%add3A_727], %broadcast_in_dim3A_3 masked %lt3A_7 {add = true} : memref<32768xf32, #tpu.memory_space<vmem>>[vector<16xi32>], vector<16xf32>, vector<16xi1>
    %get3A_728 = arith.constant 720 : index
    %get3A_729 = tpu.vector_load %arg5[%get3A_728] {strides = array<i32>} : memref<768xi32, #tpu.memory_space<vmem>>, vector<16xi32>,
    %add3A_730 = arith.constant 30720 : i32
    %add3A_731 = vector.broadcast %add3A_730 : i32 to vector<16xi32>
    %add3A_732 = arith.addi %add3A_731, %get3A_729 : vector<16xi32>
    tpu.vector_store_idx %arg6[%add3A_732], %broadcast_in_dim3A_3 {add = true} : memref<32768xf32, #tpu.memory_space<vmem>>[vector<16xi32>], vector<16xf32>,
    %get3A_733 = arith.constant 736 : index
    %get3A_734 = tpu.vector_load %arg5[%get3A_733] {strides = array<i32>} : memref<768xi32, #tpu.memory_space<vmem>>, vector<16xi32>,
    %add3A_735 = arith.constant 30720 : i32
    %add3A_736 = vector.broadcast %add3A_735 : i32 to vector<16xi32>
    %add3A_737 = arith.addi %add3A_736, %get3A_734 : vector<16xi32>
    tpu.vector_store_idx %arg6[%add3A_737], %broadcast_in_dim3A_3 {add = true} : memref<32768xf32, #tpu.memory_space<vmem>>[vector<16xi32>], vector<16xf32>,
    %get3A_738 = arith.constant 752 : index
    %get3A_739 = tpu.vector_load %arg5[%get3A_738] {strides = array<i32>} : memref<768xi32, #tpu.memory_space<vmem>>, vector<16xi32>,
    %add3A_740 = arith.constant 30720 : i32
    %add3A_741 = vector.broadcast %add3A_740 : i32 to vector<16xi32>
    %add3A_742 = arith.addi %add3A_741, %get3A_739 : vector<16xi32>
    tpu.vector_store_idx %arg6[%add3A_742], %broadcast_in_dim3A_3 masked %lt3A_7 {add = true} : memref<32768xf32, #tpu.memory_space<vmem>>[vector<16xi32>], vector<16xf32>, vector<16xi1>
    %mul3A_743 = arith.constant 2048 : i32
    %mul3A_744 = arith.muli %add3A_500, %mul3A_743 : i32
    "tpu.region"() ({
      %run_scoped3A = tpu.sem_alloc : memref<!tpu.dma_semaphore, #tpu.memory_space<semaphore_mem>>
      %dma_start3A = tpu.memref_slice %arg4[%mul3A_744] : memref<4194304xf32, #tpu.memory_space<hbm>> -> memref<32768xf32, #tpu.memory_space<hbm>>
      %dma_start3A_991 = tpu.memref_slice %arg4[%mul3A_744] : memref<4194304xf32, #tpu.memory_space<hbm>> -> memref<32768xf32, #tpu.memory_space<hbm>>
      tpu.enqueue_dma source(%arg6 : memref<32768xf32, #tpu.memory_space<vmem>>) target(%dma_start3A_991 : memref<32768xf32, #tpu.memory_space<hbm>>) target_semaphore(%run_scoped3A : memref<!tpu.dma_semaphore, #tpu.memory_space<semaphore_mem>>)
      %dma_wait3A = tpu.memref_slice %arg4[%mul3A_744] : memref<4194304xf32, #tpu.memory_space<hbm>> -> memref<32768xf32, #tpu.memory_space<hbm>>
      %dma_wait3A_992 = tpu.memref_slice %arg4[%mul3A_744] : memref<4194304xf32, #tpu.memory_space<hbm>> -> memref<32768xf32, #tpu.memory_space<hbm>>
      tpu.wait_dma2 semaphore(%run_scoped3A : memref<!tpu.dma_semaphore, #tpu.memory_space<semaphore_mem>>) src(%arg6 : memref<32768xf32, #tpu.memory_space<vmem>>) dst(%dma_wait3A_992 : memref<32768xf32, #tpu.memory_space<hbm>>)
      tpu.yield
    }) : () -> ()
    %add3A_745 = arith.constant 48 : i32
    %add3A_746 = arith.addi %mul3A_2, %add3A_745 : i32
    %mul3A_747 = arith.constant 48 : i32
    %mul3A_748 = arith.muli %add3A_746, %mul3A_747 : i32
    "tpu.region"() ({
      %run_scoped3A = tpu.sem_alloc : memref<!tpu.dma_semaphore, #tpu.memory_space<semaphore_mem>>
      %dma_start3A = tpu.memref_slice %arg2[%mul3A_748] : memref<98304xi32, #tpu.memory_space<hbm>> -> memref<768xi32, #tpu.memory_space<hbm>>
      %dma_start3A_991 = tpu.memref_slice %arg2[%mul3A_748] : memref<98304xi32, #tpu.memory_space<hbm>> -> memref<768xi32, #tpu.memory_space<hbm>>
      tpu.enqueue_dma source(%dma_start3A_991 : memref<768xi32, #tpu.memory_space<hbm>>) target(%arg5 : memref<768xi32, #tpu.memory_space<vmem>>) target_semaphore(%run_scoped3A : memref<!tpu.dma_semaphore, #tpu.memory_space<semaphore_mem>>)
      %dma_wait3A = tpu.memref_slice %arg2[%mul3A_748] : memref<98304xi32, #tpu.memory_space<hbm>> -> memref<768xi32, #tpu.memory_space<hbm>>
      %dma_wait3A_992 = tpu.memref_slice %arg2[%mul3A_748] : memref<98304xi32, #tpu.memory_space<hbm>> -> memref<768xi32, #tpu.memory_space<hbm>>
      tpu.wait_dma2 semaphore(%run_scoped3A : memref<!tpu.dma_semaphore, #tpu.memory_space<semaphore_mem>>) src(%dma_wait3A_992 : memref<768xi32, #tpu.memory_space<hbm>>) dst(%arg5 : memref<768xi32, #tpu.memory_space<vmem>>)
      tpu.yield
    }) : () -> ()
    "tpu.region"() ({
      %run_scoped3A = tpu.sem_alloc : memref<!tpu.dma_semaphore, #tpu.memory_space<semaphore_mem>>
      tpu.enqueue_dma source(%arg3 : memref<32768xf32, #tpu.memory_space<hbm>>) target(%arg6 : memref<32768xf32, #tpu.memory_space<vmem>>) target_semaphore(%run_scoped3A : memref<!tpu.dma_semaphore, #tpu.memory_space<semaphore_mem>>)
      tpu.wait_dma2 semaphore(%run_scoped3A : memref<!tpu.dma_semaphore, #tpu.memory_space<semaphore_mem>>) src(%arg3 : memref<32768xf32, #tpu.memory_space<hbm>>) dst(%arg6 : memref<32768xf32, #tpu.memory_space<vmem>>)
      tpu.yield
    }) : () -> ()
    %get3A_749 = arith.constant 0 : index
    %get3A_750 = tpu.vector_load %arg5[%get3A_749] {strides = array<i32>} : memref<768xi32, #tpu.memory_space<vmem>>, vector<16xi32>,
    %add3A_751 = arith.constant 0 : i32
    %add3A_752 = vector.broadcast %add3A_751 : i32 to vector<16xi32>
    %add3A_753 = arith.addi %add3A_752, %get3A_750 : vector<16xi32>
    tpu.vector_store_idx %arg6[%add3A_753], %broadcast_in_dim3A_3 {add = true} : memref<32768xf32, #tpu.memory_space<vmem>>[vector<16xi32>], vector<16xf32>,
    %get3A_754 = arith.constant 16 : index
    %get3A_755 = tpu.vector_load %arg5[%get3A_754] {strides = array<i32>} : memref<768xi32, #tpu.memory_space<vmem>>, vector<16xi32>,
    %add3A_756 = arith.constant 0 : i32
    %add3A_757 = vector.broadcast %add3A_756 : i32 to vector<16xi32>
    %add3A_758 = arith.addi %add3A_757, %get3A_755 : vector<16xi32>
    tpu.vector_store_idx %arg6[%add3A_758], %broadcast_in_dim3A_3 {add = true} : memref<32768xf32, #tpu.memory_space<vmem>>[vector<16xi32>], vector<16xf32>,
    %get3A_759 = arith.constant 32 : index
    %get3A_760 = tpu.vector_load %arg5[%get3A_759] {strides = array<i32>} : memref<768xi32, #tpu.memory_space<vmem>>, vector<16xi32>,
    %add3A_761 = arith.constant 0 : i32
    %add3A_762 = vector.broadcast %add3A_761 : i32 to vector<16xi32>
    %add3A_763 = arith.addi %add3A_762, %get3A_760 : vector<16xi32>
    tpu.vector_store_idx %arg6[%add3A_763], %broadcast_in_dim3A_3 masked %lt3A_7 {add = true} : memref<32768xf32, #tpu.memory_space<vmem>>[vector<16xi32>], vector<16xf32>, vector<16xi1>
    %get3A_764 = arith.constant 48 : index
    %get3A_765 = tpu.vector_load %arg5[%get3A_764] {strides = array<i32>} : memref<768xi32, #tpu.memory_space<vmem>>, vector<16xi32>,
    %add3A_766 = arith.constant 2048 : i32
    %add3A_767 = vector.broadcast %add3A_766 : i32 to vector<16xi32>
    %add3A_768 = arith.addi %add3A_767, %get3A_765 : vector<16xi32>
    tpu.vector_store_idx %arg6[%add3A_768], %broadcast_in_dim3A_3 {add = true} : memref<32768xf32, #tpu.memory_space<vmem>>[vector<16xi32>], vector<16xf32>,
    %get3A_769 = arith.constant 64 : index
    %get3A_770 = tpu.vector_load %arg5[%get3A_769] {strides = array<i32>} : memref<768xi32, #tpu.memory_space<vmem>>, vector<16xi32>,
    %add3A_771 = arith.constant 2048 : i32
    %add3A_772 = vector.broadcast %add3A_771 : i32 to vector<16xi32>
    %add3A_773 = arith.addi %add3A_772, %get3A_770 : vector<16xi32>
    tpu.vector_store_idx %arg6[%add3A_773], %broadcast_in_dim3A_3 {add = true} : memref<32768xf32, #tpu.memory_space<vmem>>[vector<16xi32>], vector<16xf32>,
    %get3A_774 = arith.constant 80 : index
    %get3A_775 = tpu.vector_load %arg5[%get3A_774] {strides = array<i32>} : memref<768xi32, #tpu.memory_space<vmem>>, vector<16xi32>,
    %add3A_776 = arith.constant 2048 : i32
    %add3A_777 = vector.broadcast %add3A_776 : i32 to vector<16xi32>
    %add3A_778 = arith.addi %add3A_777, %get3A_775 : vector<16xi32>
    tpu.vector_store_idx %arg6[%add3A_778], %broadcast_in_dim3A_3 masked %lt3A_7 {add = true} : memref<32768xf32, #tpu.memory_space<vmem>>[vector<16xi32>], vector<16xf32>, vector<16xi1>
    %get3A_779 = arith.constant 96 : index
    %get3A_780 = tpu.vector_load %arg5[%get3A_779] {strides = array<i32>} : memref<768xi32, #tpu.memory_space<vmem>>, vector<16xi32>,
    %add3A_781 = arith.constant 4096 : i32
    %add3A_782 = vector.broadcast %add3A_781 : i32 to vector<16xi32>
    %add3A_783 = arith.addi %add3A_782, %get3A_780 : vector<16xi32>
    tpu.vector_store_idx %arg6[%add3A_783], %broadcast_in_dim3A_3 {add = true} : memref<32768xf32, #tpu.memory_space<vmem>>[vector<16xi32>], vector<16xf32>,
    %get3A_784 = arith.constant 112 : index
    %get3A_785 = tpu.vector_load %arg5[%get3A_784] {strides = array<i32>} : memref<768xi32, #tpu.memory_space<vmem>>, vector<16xi32>,
    %add3A_786 = arith.constant 4096 : i32
    %add3A_787 = vector.broadcast %add3A_786 : i32 to vector<16xi32>
    %add3A_788 = arith.addi %add3A_787, %get3A_785 : vector<16xi32>
    tpu.vector_store_idx %arg6[%add3A_788], %broadcast_in_dim3A_3 {add = true} : memref<32768xf32, #tpu.memory_space<vmem>>[vector<16xi32>], vector<16xf32>,
    %get3A_789 = arith.constant 128 : index
    %get3A_790 = tpu.vector_load %arg5[%get3A_789] {strides = array<i32>} : memref<768xi32, #tpu.memory_space<vmem>>, vector<16xi32>,
    %add3A_791 = arith.constant 4096 : i32
    %add3A_792 = vector.broadcast %add3A_791 : i32 to vector<16xi32>
    %add3A_793 = arith.addi %add3A_792, %get3A_790 : vector<16xi32>
    tpu.vector_store_idx %arg6[%add3A_793], %broadcast_in_dim3A_3 masked %lt3A_7 {add = true} : memref<32768xf32, #tpu.memory_space<vmem>>[vector<16xi32>], vector<16xf32>, vector<16xi1>
    %get3A_794 = arith.constant 144 : index
    %get3A_795 = tpu.vector_load %arg5[%get3A_794] {strides = array<i32>} : memref<768xi32, #tpu.memory_space<vmem>>, vector<16xi32>,
    %add3A_796 = arith.constant 6144 : i32
    %add3A_797 = vector.broadcast %add3A_796 : i32 to vector<16xi32>
    %add3A_798 = arith.addi %add3A_797, %get3A_795 : vector<16xi32>
    tpu.vector_store_idx %arg6[%add3A_798], %broadcast_in_dim3A_3 {add = true} : memref<32768xf32, #tpu.memory_space<vmem>>[vector<16xi32>], vector<16xf32>,
    %get3A_799 = arith.constant 160 : index
    %get3A_800 = tpu.vector_load %arg5[%get3A_799] {strides = array<i32>} : memref<768xi32, #tpu.memory_space<vmem>>, vector<16xi32>,
    %add3A_801 = arith.constant 6144 : i32
    %add3A_802 = vector.broadcast %add3A_801 : i32 to vector<16xi32>
    %add3A_803 = arith.addi %add3A_802, %get3A_800 : vector<16xi32>
    tpu.vector_store_idx %arg6[%add3A_803], %broadcast_in_dim3A_3 {add = true} : memref<32768xf32, #tpu.memory_space<vmem>>[vector<16xi32>], vector<16xf32>,
    %get3A_804 = arith.constant 176 : index
    %get3A_805 = tpu.vector_load %arg5[%get3A_804] {strides = array<i32>} : memref<768xi32, #tpu.memory_space<vmem>>, vector<16xi32>,
    %add3A_806 = arith.constant 6144 : i32
    %add3A_807 = vector.broadcast %add3A_806 : i32 to vector<16xi32>
    %add3A_808 = arith.addi %add3A_807, %get3A_805 : vector<16xi32>
    tpu.vector_store_idx %arg6[%add3A_808], %broadcast_in_dim3A_3 masked %lt3A_7 {add = true} : memref<32768xf32, #tpu.memory_space<vmem>>[vector<16xi32>], vector<16xf32>, vector<16xi1>
    %get3A_809 = arith.constant 192 : index
    %get3A_810 = tpu.vector_load %arg5[%get3A_809] {strides = array<i32>} : memref<768xi32, #tpu.memory_space<vmem>>, vector<16xi32>,
    %add3A_811 = arith.constant 8192 : i32
    %add3A_812 = vector.broadcast %add3A_811 : i32 to vector<16xi32>
    %add3A_813 = arith.addi %add3A_812, %get3A_810 : vector<16xi32>
    tpu.vector_store_idx %arg6[%add3A_813], %broadcast_in_dim3A_3 {add = true} : memref<32768xf32, #tpu.memory_space<vmem>>[vector<16xi32>], vector<16xf32>,
    %get3A_814 = arith.constant 208 : index
    %get3A_815 = tpu.vector_load %arg5[%get3A_814] {strides = array<i32>} : memref<768xi32, #tpu.memory_space<vmem>>, vector<16xi32>,
    %add3A_816 = arith.constant 8192 : i32
    %add3A_817 = vector.broadcast %add3A_816 : i32 to vector<16xi32>
    %add3A_818 = arith.addi %add3A_817, %get3A_815 : vector<16xi32>
    tpu.vector_store_idx %arg6[%add3A_818], %broadcast_in_dim3A_3 {add = true} : memref<32768xf32, #tpu.memory_space<vmem>>[vector<16xi32>], vector<16xf32>,
    %get3A_819 = arith.constant 224 : index
    %get3A_820 = tpu.vector_load %arg5[%get3A_819] {strides = array<i32>} : memref<768xi32, #tpu.memory_space<vmem>>, vector<16xi32>,
    %add3A_821 = arith.constant 8192 : i32
    %add3A_822 = vector.broadcast %add3A_821 : i32 to vector<16xi32>
    %add3A_823 = arith.addi %add3A_822, %get3A_820 : vector<16xi32>
    tpu.vector_store_idx %arg6[%add3A_823], %broadcast_in_dim3A_3 masked %lt3A_7 {add = true} : memref<32768xf32, #tpu.memory_space<vmem>>[vector<16xi32>], vector<16xf32>, vector<16xi1>
    %get3A_824 = arith.constant 240 : index
    %get3A_825 = tpu.vector_load %arg5[%get3A_824] {strides = array<i32>} : memref<768xi32, #tpu.memory_space<vmem>>, vector<16xi32>,
    %add3A_826 = arith.constant 10240 : i32
    %add3A_827 = vector.broadcast %add3A_826 : i32 to vector<16xi32>
    %add3A_828 = arith.addi %add3A_827, %get3A_825 : vector<16xi32>
    tpu.vector_store_idx %arg6[%add3A_828], %broadcast_in_dim3A_3 {add = true} : memref<32768xf32, #tpu.memory_space<vmem>>[vector<16xi32>], vector<16xf32>,
    %get3A_829 = arith.constant 256 : index
    %get3A_830 = tpu.vector_load %arg5[%get3A_829] {strides = array<i32>} : memref<768xi32, #tpu.memory_space<vmem>>, vector<16xi32>,
    %add3A_831 = arith.constant 10240 : i32
    %add3A_832 = vector.broadcast %add3A_831 : i32 to vector<16xi32>
    %add3A_833 = arith.addi %add3A_832, %get3A_830 : vector<16xi32>
    tpu.vector_store_idx %arg6[%add3A_833], %broadcast_in_dim3A_3 {add = true} : memref<32768xf32, #tpu.memory_space<vmem>>[vector<16xi32>], vector<16xf32>,
    %get3A_834 = arith.constant 272 : index
    %get3A_835 = tpu.vector_load %arg5[%get3A_834] {strides = array<i32>} : memref<768xi32, #tpu.memory_space<vmem>>, vector<16xi32>,
    %add3A_836 = arith.constant 10240 : i32
    %add3A_837 = vector.broadcast %add3A_836 : i32 to vector<16xi32>
    %add3A_838 = arith.addi %add3A_837, %get3A_835 : vector<16xi32>
    tpu.vector_store_idx %arg6[%add3A_838], %broadcast_in_dim3A_3 masked %lt3A_7 {add = true} : memref<32768xf32, #tpu.memory_space<vmem>>[vector<16xi32>], vector<16xf32>, vector<16xi1>
    %get3A_839 = arith.constant 288 : index
    %get3A_840 = tpu.vector_load %arg5[%get3A_839] {strides = array<i32>} : memref<768xi32, #tpu.memory_space<vmem>>, vector<16xi32>,
    %add3A_841 = arith.constant 12288 : i32
    %add3A_842 = vector.broadcast %add3A_841 : i32 to vector<16xi32>
    %add3A_843 = arith.addi %add3A_842, %get3A_840 : vector<16xi32>
    tpu.vector_store_idx %arg6[%add3A_843], %broadcast_in_dim3A_3 {add = true} : memref<32768xf32, #tpu.memory_space<vmem>>[vector<16xi32>], vector<16xf32>,
    %get3A_844 = arith.constant 304 : index
    %get3A_845 = tpu.vector_load %arg5[%get3A_844] {strides = array<i32>} : memref<768xi32, #tpu.memory_space<vmem>>, vector<16xi32>,
    %add3A_846 = arith.constant 12288 : i32
    %add3A_847 = vector.broadcast %add3A_846 : i32 to vector<16xi32>
    %add3A_848 = arith.addi %add3A_847, %get3A_845 : vector<16xi32>
    tpu.vector_store_idx %arg6[%add3A_848], %broadcast_in_dim3A_3 {add = true} : memref<32768xf32, #tpu.memory_space<vmem>>[vector<16xi32>], vector<16xf32>,
    %get3A_849 = arith.constant 320 : index
    %get3A_850 = tpu.vector_load %arg5[%get3A_849] {strides = array<i32>} : memref<768xi32, #tpu.memory_space<vmem>>, vector<16xi32>,
    %add3A_851 = arith.constant 12288 : i32
    %add3A_852 = vector.broadcast %add3A_851 : i32 to vector<16xi32>
    %add3A_853 = arith.addi %add3A_852, %get3A_850 : vector<16xi32>
    tpu.vector_store_idx %arg6[%add3A_853], %broadcast_in_dim3A_3 masked %lt3A_7 {add = true} : memref<32768xf32, #tpu.memory_space<vmem>>[vector<16xi32>], vector<16xf32>, vector<16xi1>
    %get3A_854 = arith.constant 336 : index
    %get3A_855 = tpu.vector_load %arg5[%get3A_854] {strides = array<i32>} : memref<768xi32, #tpu.memory_space<vmem>>, vector<16xi32>,
    %add3A_856 = arith.constant 14336 : i32
    %add3A_857 = vector.broadcast %add3A_856 : i32 to vector<16xi32>
    %add3A_858 = arith.addi %add3A_857, %get3A_855 : vector<16xi32>
    tpu.vector_store_idx %arg6[%add3A_858], %broadcast_in_dim3A_3 {add = true} : memref<32768xf32, #tpu.memory_space<vmem>>[vector<16xi32>], vector<16xf32>,
    %get3A_859 = arith.constant 352 : index
    %get3A_860 = tpu.vector_load %arg5[%get3A_859] {strides = array<i32>} : memref<768xi32, #tpu.memory_space<vmem>>, vector<16xi32>,
    %add3A_861 = arith.constant 14336 : i32
    %add3A_862 = vector.broadcast %add3A_861 : i32 to vector<16xi32>
    %add3A_863 = arith.addi %add3A_862, %get3A_860 : vector<16xi32>
    tpu.vector_store_idx %arg6[%add3A_863], %broadcast_in_dim3A_3 {add = true} : memref<32768xf32, #tpu.memory_space<vmem>>[vector<16xi32>], vector<16xf32>,
    %get3A_864 = arith.constant 368 : index
    %get3A_865 = tpu.vector_load %arg5[%get3A_864] {strides = array<i32>} : memref<768xi32, #tpu.memory_space<vmem>>, vector<16xi32>,
    %add3A_866 = arith.constant 14336 : i32
    %add3A_867 = vector.broadcast %add3A_866 : i32 to vector<16xi32>
    %add3A_868 = arith.addi %add3A_867, %get3A_865 : vector<16xi32>
    tpu.vector_store_idx %arg6[%add3A_868], %broadcast_in_dim3A_3 masked %lt3A_7 {add = true} : memref<32768xf32, #tpu.memory_space<vmem>>[vector<16xi32>], vector<16xf32>, vector<16xi1>
    %get3A_869 = arith.constant 384 : index
    %get3A_870 = tpu.vector_load %arg5[%get3A_869] {strides = array<i32>} : memref<768xi32, #tpu.memory_space<vmem>>, vector<16xi32>,
    %add3A_871 = arith.constant 16384 : i32
    %add3A_872 = vector.broadcast %add3A_871 : i32 to vector<16xi32>
    %add3A_873 = arith.addi %add3A_872, %get3A_870 : vector<16xi32>
    tpu.vector_store_idx %arg6[%add3A_873], %broadcast_in_dim3A_3 {add = true} : memref<32768xf32, #tpu.memory_space<vmem>>[vector<16xi32>], vector<16xf32>,
    %get3A_874 = arith.constant 400 : index
    %get3A_875 = tpu.vector_load %arg5[%get3A_874] {strides = array<i32>} : memref<768xi32, #tpu.memory_space<vmem>>, vector<16xi32>,
    %add3A_876 = arith.constant 16384 : i32
    %add3A_877 = vector.broadcast %add3A_876 : i32 to vector<16xi32>
    %add3A_878 = arith.addi %add3A_877, %get3A_875 : vector<16xi32>
    tpu.vector_store_idx %arg6[%add3A_878], %broadcast_in_dim3A_3 {add = true} : memref<32768xf32, #tpu.memory_space<vmem>>[vector<16xi32>], vector<16xf32>,
    %get3A_879 = arith.constant 416 : index
    %get3A_880 = tpu.vector_load %arg5[%get3A_879] {strides = array<i32>} : memref<768xi32, #tpu.memory_space<vmem>>, vector<16xi32>,
    %add3A_881 = arith.constant 16384 : i32
    %add3A_882 = vector.broadcast %add3A_881 : i32 to vector<16xi32>
    %add3A_883 = arith.addi %add3A_882, %get3A_880 : vector<16xi32>
    tpu.vector_store_idx %arg6[%add3A_883], %broadcast_in_dim3A_3 masked %lt3A_7 {add = true} : memref<32768xf32, #tpu.memory_space<vmem>>[vector<16xi32>], vector<16xf32>, vector<16xi1>
    %get3A_884 = arith.constant 432 : index
    %get3A_885 = tpu.vector_load %arg5[%get3A_884] {strides = array<i32>} : memref<768xi32, #tpu.memory_space<vmem>>, vector<16xi32>,
    %add3A_886 = arith.constant 18432 : i32
    %add3A_887 = vector.broadcast %add3A_886 : i32 to vector<16xi32>
    %add3A_888 = arith.addi %add3A_887, %get3A_885 : vector<16xi32>
    tpu.vector_store_idx %arg6[%add3A_888], %broadcast_in_dim3A_3 {add = true} : memref<32768xf32, #tpu.memory_space<vmem>>[vector<16xi32>], vector<16xf32>,
    %get3A_889 = arith.constant 448 : index
    %get3A_890 = tpu.vector_load %arg5[%get3A_889] {strides = array<i32>} : memref<768xi32, #tpu.memory_space<vmem>>, vector<16xi32>,
    %add3A_891 = arith.constant 18432 : i32
    %add3A_892 = vector.broadcast %add3A_891 : i32 to vector<16xi32>
    %add3A_893 = arith.addi %add3A_892, %get3A_890 : vector<16xi32>
    tpu.vector_store_idx %arg6[%add3A_893], %broadcast_in_dim3A_3 {add = true} : memref<32768xf32, #tpu.memory_space<vmem>>[vector<16xi32>], vector<16xf32>,
    %get3A_894 = arith.constant 464 : index
    %get3A_895 = tpu.vector_load %arg5[%get3A_894] {strides = array<i32>} : memref<768xi32, #tpu.memory_space<vmem>>, vector<16xi32>,
    %add3A_896 = arith.constant 18432 : i32
    %add3A_897 = vector.broadcast %add3A_896 : i32 to vector<16xi32>
    %add3A_898 = arith.addi %add3A_897, %get3A_895 : vector<16xi32>
    tpu.vector_store_idx %arg6[%add3A_898], %broadcast_in_dim3A_3 masked %lt3A_7 {add = true} : memref<32768xf32, #tpu.memory_space<vmem>>[vector<16xi32>], vector<16xf32>, vector<16xi1>
    %get3A_899 = arith.constant 480 : index
    %get3A_900 = tpu.vector_load %arg5[%get3A_899] {strides = array<i32>} : memref<768xi32, #tpu.memory_space<vmem>>, vector<16xi32>,
    %add3A_901 = arith.constant 20480 : i32
    %add3A_902 = vector.broadcast %add3A_901 : i32 to vector<16xi32>
    %add3A_903 = arith.addi %add3A_902, %get3A_900 : vector<16xi32>
    tpu.vector_store_idx %arg6[%add3A_903], %broadcast_in_dim3A_3 {add = true} : memref<32768xf32, #tpu.memory_space<vmem>>[vector<16xi32>], vector<16xf32>,
    %get3A_904 = arith.constant 496 : index
    %get3A_905 = tpu.vector_load %arg5[%get3A_904] {strides = array<i32>} : memref<768xi32, #tpu.memory_space<vmem>>, vector<16xi32>,
    %add3A_906 = arith.constant 20480 : i32
    %add3A_907 = vector.broadcast %add3A_906 : i32 to vector<16xi32>
    %add3A_908 = arith.addi %add3A_907, %get3A_905 : vector<16xi32>
    tpu.vector_store_idx %arg6[%add3A_908], %broadcast_in_dim3A_3 {add = true} : memref<32768xf32, #tpu.memory_space<vmem>>[vector<16xi32>], vector<16xf32>,
    %get3A_909 = arith.constant 512 : index
    %get3A_910 = tpu.vector_load %arg5[%get3A_909] {strides = array<i32>} : memref<768xi32, #tpu.memory_space<vmem>>, vector<16xi32>,
    %add3A_911 = arith.constant 20480 : i32
    %add3A_912 = vector.broadcast %add3A_911 : i32 to vector<16xi32>
    %add3A_913 = arith.addi %add3A_912, %get3A_910 : vector<16xi32>
    tpu.vector_store_idx %arg6[%add3A_913], %broadcast_in_dim3A_3 masked %lt3A_7 {add = true} : memref<32768xf32, #tpu.memory_space<vmem>>[vector<16xi32>], vector<16xf32>, vector<16xi1>
    %get3A_914 = arith.constant 528 : index
    %get3A_915 = tpu.vector_load %arg5[%get3A_914] {strides = array<i32>} : memref<768xi32, #tpu.memory_space<vmem>>, vector<16xi32>,
    %add3A_916 = arith.constant 22528 : i32
    %add3A_917 = vector.broadcast %add3A_916 : i32 to vector<16xi32>
    %add3A_918 = arith.addi %add3A_917, %get3A_915 : vector<16xi32>
    tpu.vector_store_idx %arg6[%add3A_918], %broadcast_in_dim3A_3 {add = true} : memref<32768xf32, #tpu.memory_space<vmem>>[vector<16xi32>], vector<16xf32>,
    %get3A_919 = arith.constant 544 : index
    %get3A_920 = tpu.vector_load %arg5[%get3A_919] {strides = array<i32>} : memref<768xi32, #tpu.memory_space<vmem>>, vector<16xi32>,
    %add3A_921 = arith.constant 22528 : i32
    %add3A_922 = vector.broadcast %add3A_921 : i32 to vector<16xi32>
    %add3A_923 = arith.addi %add3A_922, %get3A_920 : vector<16xi32>
    tpu.vector_store_idx %arg6[%add3A_923], %broadcast_in_dim3A_3 {add = true} : memref<32768xf32, #tpu.memory_space<vmem>>[vector<16xi32>], vector<16xf32>,
    %get3A_924 = arith.constant 560 : index
    %get3A_925 = tpu.vector_load %arg5[%get3A_924] {strides = array<i32>} : memref<768xi32, #tpu.memory_space<vmem>>, vector<16xi32>,
    %add3A_926 = arith.constant 22528 : i32
    %add3A_927 = vector.broadcast %add3A_926 : i32 to vector<16xi32>
    %add3A_928 = arith.addi %add3A_927, %get3A_925 : vector<16xi32>
    tpu.vector_store_idx %arg6[%add3A_928], %broadcast_in_dim3A_3 masked %lt3A_7 {add = true} : memref<32768xf32, #tpu.memory_space<vmem>>[vector<16xi32>], vector<16xf32>, vector<16xi1>
    %get3A_929 = arith.constant 576 : index
    %get3A_930 = tpu.vector_load %arg5[%get3A_929] {strides = array<i32>} : memref<768xi32, #tpu.memory_space<vmem>>, vector<16xi32>,
    %add3A_931 = arith.constant 24576 : i32
    %add3A_932 = vector.broadcast %add3A_931 : i32 to vector<16xi32>
    %add3A_933 = arith.addi %add3A_932, %get3A_930 : vector<16xi32>
    tpu.vector_store_idx %arg6[%add3A_933], %broadcast_in_dim3A_3 {add = true} : memref<32768xf32, #tpu.memory_space<vmem>>[vector<16xi32>], vector<16xf32>,
    %get3A_934 = arith.constant 592 : index
    %get3A_935 = tpu.vector_load %arg5[%get3A_934] {strides = array<i32>} : memref<768xi32, #tpu.memory_space<vmem>>, vector<16xi32>,
    %add3A_936 = arith.constant 24576 : i32
    %add3A_937 = vector.broadcast %add3A_936 : i32 to vector<16xi32>
    %add3A_938 = arith.addi %add3A_937, %get3A_935 : vector<16xi32>
    tpu.vector_store_idx %arg6[%add3A_938], %broadcast_in_dim3A_3 {add = true} : memref<32768xf32, #tpu.memory_space<vmem>>[vector<16xi32>], vector<16xf32>,
    %get3A_939 = arith.constant 608 : index
    %get3A_940 = tpu.vector_load %arg5[%get3A_939] {strides = array<i32>} : memref<768xi32, #tpu.memory_space<vmem>>, vector<16xi32>,
    %add3A_941 = arith.constant 24576 : i32
    %add3A_942 = vector.broadcast %add3A_941 : i32 to vector<16xi32>
    %add3A_943 = arith.addi %add3A_942, %get3A_940 : vector<16xi32>
    tpu.vector_store_idx %arg6[%add3A_943], %broadcast_in_dim3A_3 masked %lt3A_7 {add = true} : memref<32768xf32, #tpu.memory_space<vmem>>[vector<16xi32>], vector<16xf32>, vector<16xi1>
    %get3A_944 = arith.constant 624 : index
    %get3A_945 = tpu.vector_load %arg5[%get3A_944] {strides = array<i32>} : memref<768xi32, #tpu.memory_space<vmem>>, vector<16xi32>,
    %add3A_946 = arith.constant 26624 : i32
    %add3A_947 = vector.broadcast %add3A_946 : i32 to vector<16xi32>
    %add3A_948 = arith.addi %add3A_947, %get3A_945 : vector<16xi32>
    tpu.vector_store_idx %arg6[%add3A_948], %broadcast_in_dim3A_3 {add = true} : memref<32768xf32, #tpu.memory_space<vmem>>[vector<16xi32>], vector<16xf32>,
    %get3A_949 = arith.constant 640 : index
    %get3A_950 = tpu.vector_load %arg5[%get3A_949] {strides = array<i32>} : memref<768xi32, #tpu.memory_space<vmem>>, vector<16xi32>,
    %add3A_951 = arith.constant 26624 : i32
    %add3A_952 = vector.broadcast %add3A_951 : i32 to vector<16xi32>
    %add3A_953 = arith.addi %add3A_952, %get3A_950 : vector<16xi32>
    tpu.vector_store_idx %arg6[%add3A_953], %broadcast_in_dim3A_3 {add = true} : memref<32768xf32, #tpu.memory_space<vmem>>[vector<16xi32>], vector<16xf32>,
    %get3A_954 = arith.constant 656 : index
    %get3A_955 = tpu.vector_load %arg5[%get3A_954] {strides = array<i32>} : memref<768xi32, #tpu.memory_space<vmem>>, vector<16xi32>,
    %add3A_956 = arith.constant 26624 : i32
    %add3A_957 = vector.broadcast %add3A_956 : i32 to vector<16xi32>
    %add3A_958 = arith.addi %add3A_957, %get3A_955 : vector<16xi32>
    tpu.vector_store_idx %arg6[%add3A_958], %broadcast_in_dim3A_3 masked %lt3A_7 {add = true} : memref<32768xf32, #tpu.memory_space<vmem>>[vector<16xi32>], vector<16xf32>, vector<16xi1>
    %get3A_959 = arith.constant 672 : index
    %get3A_960 = tpu.vector_load %arg5[%get3A_959] {strides = array<i32>} : memref<768xi32, #tpu.memory_space<vmem>>, vector<16xi32>,
    %add3A_961 = arith.constant 28672 : i32
    %add3A_962 = vector.broadcast %add3A_961 : i32 to vector<16xi32>
    %add3A_963 = arith.addi %add3A_962, %get3A_960 : vector<16xi32>
    tpu.vector_store_idx %arg6[%add3A_963], %broadcast_in_dim3A_3 {add = true} : memref<32768xf32, #tpu.memory_space<vmem>>[vector<16xi32>], vector<16xf32>,
    %get3A_964 = arith.constant 688 : index
    %get3A_965 = tpu.vector_load %arg5[%get3A_964] {strides = array<i32>} : memref<768xi32, #tpu.memory_space<vmem>>, vector<16xi32>,
    %add3A_966 = arith.constant 28672 : i32
    %add3A_967 = vector.broadcast %add3A_966 : i32 to vector<16xi32>
    %add3A_968 = arith.addi %add3A_967, %get3A_965 : vector<16xi32>
    tpu.vector_store_idx %arg6[%add3A_968], %broadcast_in_dim3A_3 {add = true} : memref<32768xf32, #tpu.memory_space<vmem>>[vector<16xi32>], vector<16xf32>,
    %get3A_969 = arith.constant 704 : index
    %get3A_970 = tpu.vector_load %arg5[%get3A_969] {strides = array<i32>} : memref<768xi32, #tpu.memory_space<vmem>>, vector<16xi32>,
    %add3A_971 = arith.constant 28672 : i32
    %add3A_972 = vector.broadcast %add3A_971 : i32 to vector<16xi32>
    %add3A_973 = arith.addi %add3A_972, %get3A_970 : vector<16xi32>
    tpu.vector_store_idx %arg6[%add3A_973], %broadcast_in_dim3A_3 masked %lt3A_7 {add = true} : memref<32768xf32, #tpu.memory_space<vmem>>[vector<16xi32>], vector<16xf32>, vector<16xi1>
    %get3A_974 = arith.constant 720 : index
    %get3A_975 = tpu.vector_load %arg5[%get3A_974] {strides = array<i32>} : memref<768xi32, #tpu.memory_space<vmem>>, vector<16xi32>,
    %add3A_976 = arith.constant 30720 : i32
    %add3A_977 = vector.broadcast %add3A_976 : i32 to vector<16xi32>
    %add3A_978 = arith.addi %add3A_977, %get3A_975 : vector<16xi32>
    tpu.vector_store_idx %arg6[%add3A_978], %broadcast_in_dim3A_3 {add = true} : memref<32768xf32, #tpu.memory_space<vmem>>[vector<16xi32>], vector<16xf32>,
    %get3A_979 = arith.constant 736 : index
    %get3A_980 = tpu.vector_load %arg5[%get3A_979] {strides = array<i32>} : memref<768xi32, #tpu.memory_space<vmem>>, vector<16xi32>,
    %add3A_981 = arith.constant 30720 : i32
    %add3A_982 = vector.broadcast %add3A_981 : i32 to vector<16xi32>
    %add3A_983 = arith.addi %add3A_982, %get3A_980 : vector<16xi32>
    tpu.vector_store_idx %arg6[%add3A_983], %broadcast_in_dim3A_3 {add = true} : memref<32768xf32, #tpu.memory_space<vmem>>[vector<16xi32>], vector<16xf32>,
    %get3A_984 = arith.constant 752 : index
    %get3A_985 = tpu.vector_load %arg5[%get3A_984] {strides = array<i32>} : memref<768xi32, #tpu.memory_space<vmem>>, vector<16xi32>,
    %add3A_986 = arith.constant 30720 : i32
    %add3A_987 = vector.broadcast %add3A_986 : i32 to vector<16xi32>
    %add3A_988 = arith.addi %add3A_987, %get3A_985 : vector<16xi32>
    tpu.vector_store_idx %arg6[%add3A_988], %broadcast_in_dim3A_3 masked %lt3A_7 {add = true} : memref<32768xf32, #tpu.memory_space<vmem>>[vector<16xi32>], vector<16xf32>, vector<16xi1>
    %mul3A_989 = arith.constant 2048 : i32
    %mul3A_990 = arith.muli %add3A_746, %mul3A_989 : i32
    "tpu.region"() ({
      %run_scoped3A = tpu.sem_alloc : memref<!tpu.dma_semaphore, #tpu.memory_space<semaphore_mem>>
      %dma_start3A = tpu.memref_slice %arg4[%mul3A_990] : memref<4194304xf32, #tpu.memory_space<hbm>> -> memref<32768xf32, #tpu.memory_space<hbm>>
      %dma_start3A_991 = tpu.memref_slice %arg4[%mul3A_990] : memref<4194304xf32, #tpu.memory_space<hbm>> -> memref<32768xf32, #tpu.memory_space<hbm>>
      tpu.enqueue_dma source(%arg6 : memref<32768xf32, #tpu.memory_space<vmem>>) target(%dma_start3A_991 : memref<32768xf32, #tpu.memory_space<hbm>>) target_semaphore(%run_scoped3A : memref<!tpu.dma_semaphore, #tpu.memory_space<semaphore_mem>>)
      %dma_wait3A = tpu.memref_slice %arg4[%mul3A_990] : memref<4194304xf32, #tpu.memory_space<hbm>> -> memref<32768xf32, #tpu.memory_space<hbm>>
      %dma_wait3A_992 = tpu.memref_slice %arg4[%mul3A_990] : memref<4194304xf32, #tpu.memory_space<hbm>> -> memref<32768xf32, #tpu.memory_space<hbm>>
      tpu.wait_dma2 semaphore(%run_scoped3A : memref<!tpu.dma_semaphore, #tpu.memory_space<semaphore_mem>>) src(%arg6 : memref<32768xf32, #tpu.memory_space<vmem>>) dst(%dma_wait3A_992 : memref<32768xf32, #tpu.memory_space<hbm>>)
      tpu.yield
    }) : () -> ()
    return
  }
}

module attributes {stable_mosaic.version = 14 : i64} {
  func.func @_qkv_body(%arg0: i32, %arg1: i32, %arg2: memref<1x2048x768xf32, #tpu.memory_space<vmem>>, %arg3: memref<1x768x64xf32, #tpu.memory_space<vmem>>, %arg4: memref<1x768x64xf32, #tpu.memory_space<vmem>>, %arg5: memref<1x768x64xf32, #tpu.memory_space<vmem>>, %arg6: memref<1x1x64xf32, #tpu.memory_space<vmem>>, %arg7: memref<1x1x64xf32, #tpu.memory_space<vmem>>, %arg8: memref<1x1x64xf32, #tpu.memory_space<vmem>>, %arg9: memref<1x1x2048x64xf32, #tpu.memory_space<vmem>>, %arg10: memref<1x1x2048x64xf32, #tpu.memory_space<vmem>>, %arg11: memref<1x1x2048x64xf32, #tpu.memory_space<vmem>>) attributes {dimension_semantics = [#tpu.dimension_semantics<arbitrary>, #tpu.dimension_semantics<arbitrary>], iteration_bounds = array<i64: 2, 12>, scalar_prefetch = 0 : i64, scratch_operands = 0 : i64, tpu.core_type = #tpu.core_type<tc>, window_params = [{transform_indices = @transform_0, window_bounds = array<i64: 1, 2048, 768>}, {transform_indices = @transform_1, window_bounds = array<i64: 1, 768, 64>}, {transform_indices = @transform_2, window_bounds = array<i64: 1, 768, 64>}, {transform_indices = @transform_3, window_bounds = array<i64: 1, 768, 64>}, {transform_indices = @transform_4, window_bounds = array<i64: 1, 1, 64>}, {transform_indices = @transform_5, window_bounds = array<i64: 1, 1, 64>}, {transform_indices = @transform_6, window_bounds = array<i64: 1, 1, 64>}, {transform_indices = @transform_7, window_bounds = array<i64: 1, 1, 2048, 64>}, {transform_indices = @transform_8, window_bounds = array<i64: 1, 1, 2048, 64>}, {transform_indices = @transform_9, window_bounds = array<i64: 1, 1, 2048, 64>}]} {
    %get3A = arith.constant 0 : index
    %get3A_0 = arith.constant 0 : index
    %get3A_1 = arith.constant 0 : index
    %get3A_2 = vector.load %arg2[%get3A, %get3A_0, %get3A_1] : memref<1x2048x768xf32, #tpu.memory_space<vmem>>, vector<1x2048x768xf32>
    %get3A_3 = vector.shape_cast %get3A_2 : vector<1x2048x768xf32> to vector<2048x768xf32>
    %get3A_4 = arith.constant 0 : index
    %get3A_5 = arith.constant 0 : index
    %get3A_6 = arith.constant 0 : index
    %get3A_7 = vector.load %arg3[%get3A_4, %get3A_5, %get3A_6] : memref<1x768x64xf32, #tpu.memory_space<vmem>>, vector<1x768x64xf32>
    %get3A_8 = vector.shape_cast %get3A_7 : vector<1x768x64xf32> to vector<768x64xf32>
    %dot_general3A = arith.constant dense<0.000000e+00> : vector<2048x64xf32>
    %dot_general3A_9 = tpu.matmul %get3A_3, %get3A_8, %dot_general3A {dimension_numbers = #tpu.dot_dimension_numbers<[1], [0], [0], [1], [0, 0, 1, 1], [], []>, transpose_lhs_hint = false} : vector<2048x768xf32>, vector<768x64xf32>, vector<2048x64xf32> -> vector<2048x64xf32>
    %get3A_10 = arith.constant 0 : index
    %get3A_11 = arith.constant 0 : index
    %get3A_12 = arith.constant 0 : index
    %get3A_13 = vector.load %arg6[%get3A_10, %get3A_11, %get3A_12] : memref<1x1x64xf32, #tpu.memory_space<vmem>>, vector<1x1x64xf32>
    %get3A_14 = vector.shape_cast %get3A_13 : vector<1x1x64xf32> to vector<1x64xf32>
    %add3A = vector.broadcast %get3A_14 : vector<1x64xf32> to vector<2048x64xf32>
    %add3A_15 = arith.addf %dot_general3A_9, %add3A : vector<2048x64xf32>
    %swap3A = arith.constant 0 : index
    %swap3A_16 = arith.constant 0 : index
    %swap3A_17 = arith.constant 0 : index
    %swap3A_18 = arith.constant 0 : index
    %swap3A_19 = vector.load %arg9[%swap3A, %swap3A_16, %swap3A_17, %swap3A_18] : memref<1x1x2048x64xf32, #tpu.memory_space<vmem>>, vector<1x1x2048x64xf32>
    %swap3A_20 = vector.shape_cast %swap3A_19 : vector<1x1x2048x64xf32> to vector<2048x64xf32>
    %swap3A_21 = vector.shape_cast %add3A_15 : vector<2048x64xf32> to vector<1x1x2048x64xf32>
    tpu.vector_store %arg9[%swap3A, %swap3A_16, %swap3A_17, %swap3A_18], %swap3A_21 {strides = array<i32>} : memref<1x1x2048x64xf32, #tpu.memory_space<vmem>>, vector<1x1x2048x64xf32>,
    %get3A_22 = arith.constant 0 : index
    %get3A_23 = arith.constant 0 : index
    %get3A_24 = arith.constant 0 : index
    %get3A_25 = vector.load %arg4[%get3A_22, %get3A_23, %get3A_24] : memref<1x768x64xf32, #tpu.memory_space<vmem>>, vector<1x768x64xf32>
    %get3A_26 = vector.shape_cast %get3A_25 : vector<1x768x64xf32> to vector<768x64xf32>
    %dot_general3A_27 = arith.constant dense<0.000000e+00> : vector<2048x64xf32>
    %dot_general3A_28 = tpu.matmul %get3A_3, %get3A_26, %dot_general3A_27 {dimension_numbers = #tpu.dot_dimension_numbers<[1], [0], [0], [1], [0, 0, 1, 1], [], []>, transpose_lhs_hint = false} : vector<2048x768xf32>, vector<768x64xf32>, vector<2048x64xf32> -> vector<2048x64xf32>
    %get3A_29 = arith.constant 0 : index
    %get3A_30 = arith.constant 0 : index
    %get3A_31 = arith.constant 0 : index
    %get3A_32 = vector.load %arg7[%get3A_29, %get3A_30, %get3A_31] : memref<1x1x64xf32, #tpu.memory_space<vmem>>, vector<1x1x64xf32>
    %get3A_33 = vector.shape_cast %get3A_32 : vector<1x1x64xf32> to vector<1x64xf32>
    %add3A_34 = vector.broadcast %get3A_33 : vector<1x64xf32> to vector<2048x64xf32>
    %add3A_35 = arith.addf %dot_general3A_28, %add3A_34 : vector<2048x64xf32>
    %swap3A_36 = arith.constant 0 : index
    %swap3A_37 = arith.constant 0 : index
    %swap3A_38 = arith.constant 0 : index
    %swap3A_39 = arith.constant 0 : index
    %swap3A_40 = vector.load %arg10[%swap3A_36, %swap3A_37, %swap3A_38, %swap3A_39] : memref<1x1x2048x64xf32, #tpu.memory_space<vmem>>, vector<1x1x2048x64xf32>
    %swap3A_41 = vector.shape_cast %swap3A_40 : vector<1x1x2048x64xf32> to vector<2048x64xf32>
    %swap3A_42 = vector.shape_cast %add3A_35 : vector<2048x64xf32> to vector<1x1x2048x64xf32>
    tpu.vector_store %arg10[%swap3A_36, %swap3A_37, %swap3A_38, %swap3A_39], %swap3A_42 {strides = array<i32>} : memref<1x1x2048x64xf32, #tpu.memory_space<vmem>>, vector<1x1x2048x64xf32>,
    %get3A_43 = arith.constant 0 : index
    %get3A_44 = arith.constant 0 : index
    %get3A_45 = arith.constant 0 : index
    %get3A_46 = vector.load %arg5[%get3A_43, %get3A_44, %get3A_45] : memref<1x768x64xf32, #tpu.memory_space<vmem>>, vector<1x768x64xf32>
    %get3A_47 = vector.shape_cast %get3A_46 : vector<1x768x64xf32> to vector<768x64xf32>
    %dot_general3A_48 = arith.constant dense<0.000000e+00> : vector<2048x64xf32>
    %dot_general3A_49 = tpu.matmul %get3A_3, %get3A_47, %dot_general3A_48 {dimension_numbers = #tpu.dot_dimension_numbers<[1], [0], [0], [1], [0, 0, 1, 1], [], []>, transpose_lhs_hint = false} : vector<2048x768xf32>, vector<768x64xf32>, vector<2048x64xf32> -> vector<2048x64xf32>
    %get3A_50 = arith.constant 0 : index
    %get3A_51 = arith.constant 0 : index
    %get3A_52 = arith.constant 0 : index
    %get3A_53 = vector.load %arg8[%get3A_50, %get3A_51, %get3A_52] : memref<1x1x64xf32, #tpu.memory_space<vmem>>, vector<1x1x64xf32>
    %get3A_54 = vector.shape_cast %get3A_53 : vector<1x1x64xf32> to vector<1x64xf32>
    %add3A_55 = vector.broadcast %get3A_54 : vector<1x64xf32> to vector<2048x64xf32>
    %add3A_56 = arith.addf %dot_general3A_49, %add3A_55 : vector<2048x64xf32>
    %swap3A_57 = arith.constant 0 : index
    %swap3A_58 = arith.constant 0 : index
    %swap3A_59 = arith.constant 0 : index
    %swap3A_60 = arith.constant 0 : index
    %swap3A_61 = vector.load %arg11[%swap3A_57, %swap3A_58, %swap3A_59, %swap3A_60] : memref<1x1x2048x64xf32, #tpu.memory_space<vmem>>, vector<1x1x2048x64xf32>
    %swap3A_62 = vector.shape_cast %swap3A_61 : vector<1x1x2048x64xf32> to vector<2048x64xf32>
    %swap3A_63 = vector.shape_cast %add3A_56 : vector<2048x64xf32> to vector<1x1x2048x64xf32>
    tpu.vector_store %arg11[%swap3A_57, %swap3A_58, %swap3A_59, %swap3A_60], %swap3A_63 {strides = array<i32>} : memref<1x1x2048x64xf32, #tpu.memory_space<vmem>>, vector<1x1x2048x64xf32>,
    return
  }
  func.func @transform_0(%arg0: i32, %arg1: i32) -> (i32, i32, i32) {
    %c0_i32 = arith.constant 0 : i32
    %c0_i32_0 = arith.constant 0 : i32
    %c0_i32_1 = arith.constant 0 : i32
    return %arg0, %c0_i32, %c0_i32_0 : i32, i32, i32
  }
  func.func @transform_1(%arg0: i32, %arg1: i32) -> (i32, i32, i32) {
    %c0_i32 = arith.constant 0 : i32
    %c0_i32_0 = arith.constant 0 : i32
    %c0_i32_1 = arith.constant 0 : i32
    return %arg1, %c0_i32, %c0_i32_0 : i32, i32, i32
  }
  func.func @transform_2(%arg0: i32, %arg1: i32) -> (i32, i32, i32) {
    %c0_i32 = arith.constant 0 : i32
    %c0_i32_0 = arith.constant 0 : i32
    %c0_i32_1 = arith.constant 0 : i32
    return %arg1, %c0_i32, %c0_i32_0 : i32, i32, i32
  }
  func.func @transform_3(%arg0: i32, %arg1: i32) -> (i32, i32, i32) {
    %c0_i32 = arith.constant 0 : i32
    %c0_i32_0 = arith.constant 0 : i32
    %c0_i32_1 = arith.constant 0 : i32
    return %arg1, %c0_i32, %c0_i32_0 : i32, i32, i32
  }
  func.func @transform_4(%arg0: i32, %arg1: i32) -> (i32, i32, i32) {
    %c0_i32 = arith.constant 0 : i32
    %c0_i32_0 = arith.constant 0 : i32
    %c0_i32_1 = arith.constant 0 : i32
    return %arg1, %c0_i32, %c0_i32_0 : i32, i32, i32
  }
  func.func @transform_5(%arg0: i32, %arg1: i32) -> (i32, i32, i32) {
    %c0_i32 = arith.constant 0 : i32
    %c0_i32_0 = arith.constant 0 : i32
    %c0_i32_1 = arith.constant 0 : i32
    return %arg1, %c0_i32, %c0_i32_0 : i32, i32, i32
  }
  func.func @transform_6(%arg0: i32, %arg1: i32) -> (i32, i32, i32) {
    %c0_i32 = arith.constant 0 : i32
    %c0_i32_0 = arith.constant 0 : i32
    %c0_i32_1 = arith.constant 0 : i32
    return %arg1, %c0_i32, %c0_i32_0 : i32, i32, i32
  }
  func.func @transform_7(%arg0: i32, %arg1: i32) -> (i32, i32, i32, i32) {
    %c0_i32 = arith.constant 0 : i32
    %c0_i32_0 = arith.constant 0 : i32
    %c0_i32_1 = arith.constant 0 : i32
    return %arg0, %arg1, %c0_i32, %c0_i32_0 : i32, i32, i32, i32
  }
  func.func @transform_8(%arg0: i32, %arg1: i32) -> (i32, i32, i32, i32) {
    %c0_i32 = arith.constant 0 : i32
    %c0_i32_0 = arith.constant 0 : i32
    %c0_i32_1 = arith.constant 0 : i32
    return %arg0, %arg1, %c0_i32, %c0_i32_0 : i32, i32, i32, i32
  }
  func.func @transform_9(%arg0: i32, %arg1: i32) -> (i32, i32, i32, i32) {
    %c0_i32 = arith.constant 0 : i32
    %c0_i32_0 = arith.constant 0 : i32
    %c0_i32_1 = arith.constant 0 : i32
    return %arg0, %arg1, %c0_i32, %c0_i32_0 : i32, i32, i32, i32
  }
}

module attributes {stable_mosaic.version = 14 : i64} {
  func.func @_m_body(%arg0: i32, %arg1: memref<1x1x2048x64xf32, #tpu.memory_space<vmem>>, %arg2: memref<1x1x2048x64xf32, #tpu.memory_space<vmem>>, %arg3: memref<2048x2048xf32, #tpu.memory_space<vmem>>, %arg4: memref<1x1x2048xf32, #tpu.memory_space<vmem>>) attributes {dimension_semantics = [#tpu.dimension_semantics<arbitrary>], iteration_bounds = array<i64: 24>, scalar_prefetch = 0 : i64, scratch_operands = 0 : i64, tpu.core_type = #tpu.core_type<tc>, window_params = [{transform_indices = @transform_0, window_bounds = array<i64: 1, 1, 2048, 64>}, {transform_indices = @transform_1, window_bounds = array<i64: 1, 1, 2048, 64>}, {pipeline_mode = #tpu.pipeline_mode<synchronous>, transform_indices = @transform_2, window_bounds = array<i64: 2048, 2048>}, {transform_indices = @transform_3, window_bounds = array<i64: 1, 1, 2048>}]} {
    %get3A = arith.constant 0 : index
    %get3A_0 = arith.constant 0 : index
    %get3A_1 = arith.constant 0 : index
    %get3A_2 = arith.constant 0 : index
    %get3A_3 = vector.load %arg2[%get3A, %get3A_0, %get3A_1, %get3A_2] : memref<1x1x2048x64xf32, #tpu.memory_space<vmem>>, vector<1x1x2048x64xf32>
    %get3A_4 = vector.shape_cast %get3A_3 : vector<1x1x2048x64xf32> to vector<2048x64xf32>
    %scan3A = arith.constant 0 : i32
    %scan3A_5 = arith.constant 16 : i32
    %scan3A_6 = arith.addi %scan3A, %scan3A_5 : i32
    %scan3A_7 = arith.constant 1 : i32
    scf.for %scan3A_9 = %scan3A to %scan3A_6 step %scan3A_7  : i32 {
      %mul3A = arith.constant 128 : i32
      %mul3A_10 = arith.muli %scan3A_9, %mul3A : i32
      %get3A_11 = arith.constant 0 : index
      %get3A_12 = arith.constant 0 : index
      %get3A_13 = arith.index_cast %mul3A_10 : i32 to index
      %get3A_14 = arith.constant 0 : index
      %get3A_15 = vector.load %arg1[%get3A_11, %get3A_12, %get3A_13, %get3A_14] : memref<1x1x2048x64xf32, #tpu.memory_space<vmem>>, vector<1x1x128x64xf32>
      %get3A_16 = vector.shape_cast %get3A_15 : vector<1x1x128x64xf32> to vector<128x64xf32>
      %dot_general3A = arith.constant dense<0.000000e+00> : vector<128x2048xf32>
      %dot_general3A_17 = tpu.matmul %get3A_16, %get3A_4, %dot_general3A {dimension_numbers = #tpu.dot_dimension_numbers<[1], [1], [0], [0], [0, 0, 1, 0], [], []>, transpose_lhs_hint = false} : vector<128x64xf32>, vector<2048x64xf32>, vector<128x2048xf32> -> vector<128x2048xf32>
      %mul3A_18 = arith.constant 128 : i32
      %mul3A_19 = arith.muli %scan3A_9, %mul3A_18 : i32
      %get3A_20 = arith.index_cast %mul3A_19 : i32 to index
      %get3A_21 = arith.constant 0 : index
      %get3A_22 = vector.load %arg3[%get3A_20, %get3A_21] : memref<2048x2048xf32, #tpu.memory_space<vmem>>, vector<128x2048xf32>
      %gt3A = arith.constant 0.000000e+00 : f32
      %gt3A_23 = vector.broadcast %gt3A : f32 to vector<128x2048xf32>
      %gt3A_24 = arith.cmpf ogt, %get3A_22, %gt3A_23 : vector<128x2048xf32>
      %jit3A = arith.constant 0xFF800000 : f32
      %broadcast_in_dim3A = vector.broadcast %jit3A : f32 to vector<128x2048xf32>
      %select_n3A = arith.select %gt3A_24, %dot_general3A_17, %broadcast_in_dim3A : vector<128x2048xi1>, vector<128x2048xf32>
      %reduce_max3A = arith.constant dense<0xFF800000> : vector<128xf32>
      %reduce_max3A_25 = vector.multi_reduction <maximumf>, %select_n3A, %reduce_max3A [1] : vector<128x2048xf32> to vector<128xf32>
      %mul3A_26 = arith.mulf %dot_general3A_17, %get3A_22 : vector<128x2048xf32>
      %reduce_sum3A = arith.constant dense<0.000000e+00> : vector<128xf32>
      %reduce_sum3A_27 = vector.multi_reduction <add>, %mul3A_26, %reduce_sum3A [1] : vector<128x2048xf32> to vector<128xf32>
      %mul3A_28 = arith.constant 4.8828125E-4 : f32
      %mul3A_29 = vector.broadcast %mul3A_28 : f32 to vector<128xf32>
      %mul3A_30 = arith.mulf %reduce_sum3A_27, %mul3A_29 : vector<128xf32>
      %sub3A = arith.subf %reduce_max3A_25, %mul3A_30 : vector<128xf32>
      %reshape3A = vector.shape_cast %sub3A : vector<128xf32> to vector<1x128xf32>
      %mul3A_31 = arith.constant 128 : i32
      %mul3A_32 = arith.muli %scan3A_9, %mul3A_31 : i32
      %swap3A = arith.constant 0 : index
      %swap3A_33 = arith.constant 0 : index
      %swap3A_34 = arith.index_cast %mul3A_32 : i32 to index
      %swap3A_35 = vector.load %arg4[%swap3A, %swap3A_33, %swap3A_34] : memref<1x1x2048xf32, #tpu.memory_space<vmem>>, vector<1x1x128xf32>
      %swap3A_36 = vector.shape_cast %swap3A_35 : vector<1x1x128xf32> to vector<1x128xf32>
      %swap3A_37 = vector.shape_cast %reshape3A : vector<1x128xf32> to vector<1x1x128xf32>
      tpu.vector_store %arg4[%swap3A, %swap3A_33, %swap3A_34], %swap3A_37 {strides = array<i32>} : memref<1x1x2048xf32, #tpu.memory_space<vmem>>, vector<1x1x128xf32>,
    }
    %scan3A_8 = arith.constant 16 : i32
    return
  }
  func.func @transform_0(%arg0: i32) -> (i32, i32, i32, i32) {
    %jit3A = arith.constant 12 : i32
    %div3A = arith.divsi %arg0, %jit3A : i32
    %sign3A = arith.constant 0 : i32
    %sign3A_0 = arith.cmpi sgt, %arg0, %sign3A : i32
    %sign3A_1 = arith.extui %sign3A_0 : i1 to i32
    %sign3A_2 = arith.constant 0 : i32
    %sign3A_3 = arith.cmpi slt, %arg0, %sign3A_2 : i32
    %sign3A_4 = arith.extui %sign3A_3 : i1 to i32
    %sign3A_5 = arith.subi %sign3A_1, %sign3A_4 : i32
    %sign3A_6 = arith.constant 0 : i32
    %sign3A_7 = arith.cmpi sgt, %jit3A, %sign3A_6 : i32
    %sign3A_8 = arith.extui %sign3A_7 : i1 to i32
    %sign3A_9 = arith.constant 0 : i32
    %sign3A_10 = arith.cmpi slt, %jit3A, %sign3A_9 : i32
    %sign3A_11 = arith.extui %sign3A_10 : i1 to i32
    %sign3A_12 = arith.subi %sign3A_8, %sign3A_11 : i32
    %ne3A = arith.cmpi ne, %sign3A_5, %sign3A_12 : i32
    %rem3A = arith.remsi %arg0, %jit3A : i32
    %ne3A_13 = arith.constant 0 : i32
    %ne3A_14 = arith.cmpi ne, %rem3A, %ne3A_13 : i32
    %and3A = arith.andi %ne3A, %ne3A_14 : i1
    %sub3A = arith.constant 1 : i32
    %sub3A_15 = arith.subi %div3A, %sub3A : i32
    %select_n3A = arith.select %and3A, %sub3A_15, %div3A : i32
    %jit3A_16 = arith.constant 12 : i32
    %eq3A = arith.constant 0 : i32
    %eq3A_17 = arith.cmpi eq, %jit3A_16, %eq3A : i32
    %jit3A_18 = arith.constant 1 : i32
    %select_n3A_19 = arith.select %eq3A_17, %jit3A_18, %jit3A_16 : i32
    %rem3A_20 = arith.remsi %arg0, %select_n3A_19 : i32
    %ne3A_21 = arith.constant 0 : i32
    %ne3A_22 = arith.cmpi ne, %rem3A_20, %ne3A_21 : i32
    %lt3A = arith.constant 0 : i32
    %lt3A_23 = arith.cmpi slt, %rem3A_20, %lt3A : i32
    %lt3A_24 = arith.constant 0 : i32
    %lt3A_25 = arith.cmpi slt, %select_n3A_19, %lt3A_24 : i32
    %ne3A_26 = arith.xori %lt3A_23, %lt3A_25 : i1
    %and3A_27 = arith.andi %ne3A_26, %ne3A_22 : i1
    %add3A = arith.addi %rem3A_20, %select_n3A_19 : i32
    %select_n3A_28 = arith.select %and3A_27, %add3A, %rem3A_20 : i32
    %c0_i32 = arith.constant 0 : i32
    %c0_i32_29 = arith.constant 0 : i32
    %c0_i32_30 = arith.constant 0 : i32
    return %select_n3A, %select_n3A_28, %c0_i32, %c0_i32_29 : i32, i32, i32, i32
  }
  func.func @transform_1(%arg0: i32) -> (i32, i32, i32, i32) {
    %jit3A = arith.constant 12 : i32
    %div3A = arith.divsi %arg0, %jit3A : i32
    %sign3A = arith.constant 0 : i32
    %sign3A_0 = arith.cmpi sgt, %arg0, %sign3A : i32
    %sign3A_1 = arith.extui %sign3A_0 : i1 to i32
    %sign3A_2 = arith.constant 0 : i32
    %sign3A_3 = arith.cmpi slt, %arg0, %sign3A_2 : i32
    %sign3A_4 = arith.extui %sign3A_3 : i1 to i32
    %sign3A_5 = arith.subi %sign3A_1, %sign3A_4 : i32
    %sign3A_6 = arith.constant 0 : i32
    %sign3A_7 = arith.cmpi sgt, %jit3A, %sign3A_6 : i32
    %sign3A_8 = arith.extui %sign3A_7 : i1 to i32
    %sign3A_9 = arith.constant 0 : i32
    %sign3A_10 = arith.cmpi slt, %jit3A, %sign3A_9 : i32
    %sign3A_11 = arith.extui %sign3A_10 : i1 to i32
    %sign3A_12 = arith.subi %sign3A_8, %sign3A_11 : i32
    %ne3A = arith.cmpi ne, %sign3A_5, %sign3A_12 : i32
    %rem3A = arith.remsi %arg0, %jit3A : i32
    %ne3A_13 = arith.constant 0 : i32
    %ne3A_14 = arith.cmpi ne, %rem3A, %ne3A_13 : i32
    %and3A = arith.andi %ne3A, %ne3A_14 : i1
    %sub3A = arith.constant 1 : i32
    %sub3A_15 = arith.subi %div3A, %sub3A : i32
    %select_n3A = arith.select %and3A, %sub3A_15, %div3A : i32
    %jit3A_16 = arith.constant 12 : i32
    %eq3A = arith.constant 0 : i32
    %eq3A_17 = arith.cmpi eq, %jit3A_16, %eq3A : i32
    %jit3A_18 = arith.constant 1 : i32
    %select_n3A_19 = arith.select %eq3A_17, %jit3A_18, %jit3A_16 : i32
    %rem3A_20 = arith.remsi %arg0, %select_n3A_19 : i32
    %ne3A_21 = arith.constant 0 : i32
    %ne3A_22 = arith.cmpi ne, %rem3A_20, %ne3A_21 : i32
    %lt3A = arith.constant 0 : i32
    %lt3A_23 = arith.cmpi slt, %rem3A_20, %lt3A : i32
    %lt3A_24 = arith.constant 0 : i32
    %lt3A_25 = arith.cmpi slt, %select_n3A_19, %lt3A_24 : i32
    %ne3A_26 = arith.xori %lt3A_23, %lt3A_25 : i1
    %and3A_27 = arith.andi %ne3A_26, %ne3A_22 : i1
    %add3A = arith.addi %rem3A_20, %select_n3A_19 : i32
    %select_n3A_28 = arith.select %and3A_27, %add3A, %rem3A_20 : i32
    %c0_i32 = arith.constant 0 : i32
    %c0_i32_29 = arith.constant 0 : i32
    %c0_i32_30 = arith.constant 0 : i32
    return %select_n3A, %select_n3A_28, %c0_i32, %c0_i32_29 : i32, i32, i32, i32
  }
  func.func @transform_2(%arg0: i32) -> (i32, i32) {
    %c0_i32 = arith.constant 0 : i32
    %c0_i32_0 = arith.constant 0 : i32
    %c0_i32_1 = arith.constant 0 : i32
    return %c0_i32, %c0_i32_0 : i32, i32
  }
  func.func @transform_3(%arg0: i32) -> (i32, i32, i32) {
    %c0_i32 = arith.constant 0 : i32
    %c0_i32_0 = arith.constant 0 : i32
    %c0_i32_1 = arith.constant 0 : i32
    return %arg0, %c0_i32, %c0_i32_0 : i32, i32, i32
  }
}

module attributes {stable_mosaic.version = 14 : i64} {
  func.func @_topk_body(%arg0: memref<24x1x2048xf32, #tpu.memory_space<vmem>>, %arg1: memref<24x1x64xi32, #tpu.memory_space<vmem>>) attributes {dimension_semantics = [], scalar_prefetch = 0 : i64, scratch_operands = 0 : i64, tpu.core_type = #tpu.core_type<tc>} {
    %get3A = arith.constant 0 : index
    %get3A_0 = arith.constant 0 : index
    %get3A_1 = arith.constant 0 : index
    %get3A_2 = vector.load %arg0[%get3A, %get3A_0, %get3A_1] : memref<24x1x2048xf32, #tpu.memory_space<vmem>>, vector<24x1x2048xf32>
    %reshape3A = vector.shape_cast %get3A_2 : vector<24x1x2048xf32> to vector<24x2048xf32>
    %iota3A = tpu.iota {dimensions = array<i32: 1>} : vector<24x2048xi32>
    %iota3A_3 = tpu.iota {dimensions = array<i32: 1>} : vector<24x64xi32>
    %broadcast_in_dim3A = arith.constant 4096 : i32
    %broadcast_in_dim3A_4 = vector.broadcast %broadcast_in_dim3A : i32 to vector<24x64xi32>
    %scan3A = arith.constant 0 : i32
    %scan3A_5 = arith.constant 40 : i32
    %scan3A_6 = arith.addi %scan3A, %scan3A_5 : i32
    %scan3A_7 = arith.constant 1 : i32
    %scan3A_8:2 = scf.for %scan3A_14 = %scan3A to %scan3A_6 step %scan3A_7 iter_args(%scan3A_15 = %reshape3A, %scan3A_16 = %broadcast_in_dim3A_4) -> (vector<24x2048xf32>, vector<24x64xi32>)  : i32 {
      %reduce_max3A = arith.constant dense<0xFF800000> : vector<24xf32>
      %reduce_max3A_17 = vector.multi_reduction <maximumf>, %scan3A_15, %reduce_max3A [1] : vector<24x2048xf32> to vector<24xf32>
      %broadcast_in_dim3A_18 = vector.shape_cast %reduce_max3A_17 : vector<24xf32> to vector<24x1xf32>
      %eq3A = vector.broadcast %broadcast_in_dim3A_18 : vector<24x1xf32> to vector<24x2048xf32>
      %eq3A_19 = arith.cmpf oeq, %scan3A_15, %eq3A : vector<24x2048xf32>
      %jit3A = arith.constant 4096 : i32
      %broadcast_in_dim3A_20 = vector.broadcast %jit3A : i32 to vector<24x2048xi32>
      %select_n3A = arith.select %eq3A_19, %iota3A, %broadcast_in_dim3A_20 : vector<24x2048xi1>, vector<24x2048xi32>
      %reduce_min3A = arith.constant dense<2147483647> : vector<24xi32>
      %reduce_min3A_21 = vector.multi_reduction <minsi>, %select_n3A, %reduce_min3A [1] : vector<24x2048xi32> to vector<24xi32>
      %broadcast_in_dim3A_22 = vector.shape_cast %reduce_min3A_21 : vector<24xi32> to vector<24x1xi32>
      %eq3A_23 = vector.broadcast %scan3A_14 : i32 to vector<24x64xi32>
      %eq3A_24 = arith.cmpi eq, %iota3A_3, %eq3A_23 : vector<24x64xi32>
      %broadcast_in_dim3A_25 = vector.shape_cast %broadcast_in_dim3A_22 : vector<24x1xi32> to vector<24x1xi32>
      %broadcast_in_dim3A_26 = vector.broadcast %broadcast_in_dim3A_25 : vector<24x1xi32> to vector<24x64xi32>
      %select_n3A_27 = arith.select %eq3A_24, %broadcast_in_dim3A_26, %scan3A_16 : vector<24x64xi1>, vector<24x64xi32>
      %eq3A_28 = vector.broadcast %broadcast_in_dim3A_22 : vector<24x1xi32> to vector<24x2048xi32>
      %eq3A_29 = arith.cmpi eq, %iota3A, %eq3A_28 : vector<24x2048xi32>
      %jit3A_30 = arith.constant 0xFF800000 : f32
      %broadcast_in_dim3A_31 = vector.broadcast %jit3A_30 : f32 to vector<24x2048xf32>
      %select_n3A_32 = arith.select %eq3A_29, %broadcast_in_dim3A_31, %scan3A_15 : vector<24x2048xi1>, vector<24x2048xf32>
      scf.yield %select_n3A_32, %select_n3A_27 : vector<24x2048xf32>, vector<24x64xi32>
    }
    %scan3A_9 = arith.constant 40 : i32
    %reshape3A_10 = vector.shape_cast %scan3A_8#1 : vector<24x64xi32> to vector<24x1x64xi32>
    %swap3A = arith.constant 0 : index
    %swap3A_11 = arith.constant 0 : index
    %swap3A_12 = arith.constant 0 : index
    %swap3A_13 = vector.load %arg1[%swap3A, %swap3A_11, %swap3A_12] : memref<24x1x64xi32, #tpu.memory_space<vmem>>, vector<24x1x64xi32>
    tpu.vector_store %arg1[%swap3A, %swap3A_11, %swap3A_12], %reshape3A_10 {strides = array<i32>} : memref<24x1x64xi32, #tpu.memory_space<vmem>>, vector<24x1x64xi32>,
    return
  }
}

module attributes {stable_mosaic.version = 14 : i64} {
  func.func @_finish_body(%arg0: i32, %arg1: i32, %arg2: memref<1x1x2048x64xf32, #tpu.memory_space<vmem>>, %arg3: memref<1x1x2048x64xf32, #tpu.memory_space<vmem>>, %arg4: memref<1x1x2048x64xf32, #tpu.memory_space<vmem>>, %arg5: memref<1x1x64xi32, #tpu.memory_space<vmem>>, %arg6: memref<1x64x768xf32, #tpu.memory_space<vmem>>, %arg7: memref<1x1x768xf32, #tpu.memory_space<vmem>>, %arg8: memref<1x2048x768xf32, #tpu.memory_space<vmem>>) attributes {dimension_semantics = [#tpu.dimension_semantics<arbitrary>, #tpu.dimension_semantics<arbitrary>], iteration_bounds = array<i64: 2, 12>, scalar_prefetch = 0 : i64, scratch_operands = 0 : i64, tpu.core_type = #tpu.core_type<tc>, window_params = [{transform_indices = @transform_0, window_bounds = array<i64: 1, 1, 2048, 64>}, {transform_indices = @transform_1, window_bounds = array<i64: 1, 1, 2048, 64>}, {transform_indices = @transform_2, window_bounds = array<i64: 1, 1, 2048, 64>}, {transform_indices = @transform_3, window_bounds = array<i64: 1, 1, 64>}, {transform_indices = @transform_4, window_bounds = array<i64: 1, 64, 768>}, {pipeline_mode = #tpu.pipeline_mode<synchronous>, transform_indices = @transform_5, window_bounds = array<i64: 1, 1, 768>}, {transform_indices = @transform_6, window_bounds = array<i64: 1, 2048, 768>}]} {
    %get3A = arith.constant 0 : index
    %get3A_0 = arith.constant 0 : index
    %get3A_1 = arith.constant 0 : index
    %get3A_2 = arith.constant 0 : index
    %get3A_3 = vector.load %arg3[%get3A, %get3A_0, %get3A_1, %get3A_2] : memref<1x1x2048x64xf32, #tpu.memory_space<vmem>>, vector<1x1x2048x64xf32>
    %get3A_4 = vector.shape_cast %get3A_3 : vector<1x1x2048x64xf32> to vector<2048x64xf32>
    %get3A_5 = arith.constant 0 : index
    %get3A_6 = arith.constant 0 : index
    %get3A_7 = arith.constant 0 : index
    %get3A_8 = arith.constant 0 : index
    %get3A_9 = vector.load %arg4[%get3A_5, %get3A_6, %get3A_7, %get3A_8] : memref<1x1x2048x64xf32, #tpu.memory_space<vmem>>, vector<1x1x2048x64xf32>
    %get3A_10 = vector.shape_cast %get3A_9 : vector<1x1x2048x64xf32> to vector<2048x64xf32>
    %get3A_11 = arith.constant 0 : index
    %get3A_12 = arith.constant 0 : index
    %get3A_13 = arith.constant 0 : index
    %get3A_14 = vector.load %arg6[%get3A_11, %get3A_12, %get3A_13] : memref<1x64x768xf32, #tpu.memory_space<vmem>>, vector<1x64x768xf32>
    %get3A_15 = vector.shape_cast %get3A_14 : vector<1x64x768xf32> to vector<64x768xf32>
    %get3A_16 = arith.constant 0 : index
    %get3A_17 = arith.constant 0 : index
    %get3A_18 = arith.constant 0 : index
    %get3A_19 = vector.load %arg5[%get3A_16, %get3A_17, %get3A_18] : memref<1x1x64xi32, #tpu.memory_space<vmem>>, vector<1x1x64xi32>
    %get3A_20 = vector.shape_cast %get3A_19 : vector<1x1x64xi32> to vector<1x64xi32>
    %reshape3A = vector.shape_cast %get3A_20 : vector<1x64xi32> to vector<64x1xi32>
    %iota3A = tpu.iota {dimensions = array<i32: 1>} : vector<64x2048xi32>
    %eq3A = vector.broadcast %reshape3A : vector<64x1xi32> to vector<64x2048xi32>
    %eq3A_21 = arith.cmpi eq, %iota3A, %eq3A : vector<64x2048xi32>
    %convert_element_type3A = arith.extui %eq3A_21 : vector<64x2048xi1> to vector<64x2048xi32>
    %convert_element_type3A_22 = arith.sitofp %convert_element_type3A : vector<64x2048xi32> to vector<64x2048xf32>
    %get3A_23 = arith.constant 0 : index
    %get3A_24 = arith.constant 0 : index
    %get3A_25 = arith.constant 0 : index
    %get3A_26 = arith.constant 0 : index
    %get3A_27 = vector.load %arg2[%get3A_23, %get3A_24, %get3A_25, %get3A_26] : memref<1x1x2048x64xf32, #tpu.memory_space<vmem>>, vector<1x1x2048x64xf32>
    %get3A_28 = vector.shape_cast %get3A_27 : vector<1x1x2048x64xf32> to vector<2048x64xf32>
    %dot_general3A = arith.constant dense<0.000000e+00> : vector<64x64xf32>
    %dot_general3A_29 = tpu.matmul %convert_element_type3A_22, %get3A_28, %dot_general3A {dimension_numbers = #tpu.dot_dimension_numbers<[1], [0], [0], [1], [0, 0, 1, 1], [], []>, precision = #tpu.contract_precision<fp32>, transpose_lhs_hint = false} : vector<64x2048xf32>, vector<2048x64xf32>, vector<64x64xf32> -> vector<64x64xf32>
    %dot_general3A_30 = arith.constant dense<0.000000e+00> : vector<64x2048xf32>
    %dot_general3A_31 = tpu.matmul %dot_general3A_29, %get3A_4, %dot_general3A_30 {dimension_numbers = #tpu.dot_dimension_numbers<[1], [1], [0], [0], [0, 0, 1, 0], [], []>, transpose_lhs_hint = false} : vector<64x64xf32>, vector<2048x64xf32>, vector<64x2048xf32> -> vector<64x2048xf32>
    %mul3A = arith.constant 1.250000e-01 : f32
    %mul3A_32 = vector.broadcast %mul3A : f32 to vector<64x2048xf32>
    %mul3A_33 = arith.mulf %dot_general3A_31, %mul3A_32 : vector<64x2048xf32>
    %gt3A = vector.broadcast %reshape3A : vector<64x1xi32> to vector<64x2048xi32>
    %gt3A_34 = arith.cmpi sgt, %iota3A, %gt3A : vector<64x2048xi32>
    %jit3A = arith.constant 0xFF800000 : f32
    %broadcast_in_dim3A = vector.broadcast %jit3A : f32 to vector<64x2048xf32>
    %select_n3A = arith.select %gt3A_34, %broadcast_in_dim3A, %mul3A_33 : vector<64x2048xi1>, vector<64x2048xf32>
    %reduce_max3A = arith.constant dense<0xFF800000> : vector<64xf32>
    %reduce_max3A_35 = vector.multi_reduction <maximumf>, %select_n3A, %reduce_max3A [1] : vector<64x2048xf32> to vector<64xf32>
    %broadcast_in_dim3A_36 = vector.shape_cast %reduce_max3A_35 : vector<64xf32> to vector<64x1xf32>
    %sub3A = vector.broadcast %broadcast_in_dim3A_36 : vector<64x1xf32> to vector<64x2048xf32>
    %sub3A_37 = arith.subf %select_n3A, %sub3A : vector<64x2048xf32>
    %exp3A = math.exp %sub3A_37 : vector<64x2048xf32>
    %reduce_sum3A = arith.constant dense<0.000000e+00> : vector<64xf32>
    %reduce_sum3A_38 = vector.multi_reduction <add>, %exp3A, %reduce_sum3A [1] : vector<64x2048xf32> to vector<64xf32>
    %broadcast_in_dim3A_39 = vector.shape_cast %reduce_sum3A_38 : vector<64xf32> to vector<64x1xf32>
    %div3A = vector.broadcast %broadcast_in_dim3A_39 : vector<64x1xf32> to vector<64x2048xf32>
    %div3A_40 = arith.divf %exp3A, %div3A : vector<64x2048xf32>
    %dot_general3A_41 = arith.constant dense<0.000000e+00> : vector<64x64xf32>
    %dot_general3A_42 = tpu.matmul %div3A_40, %get3A_10, %dot_general3A_41 {dimension_numbers = #tpu.dot_dimension_numbers<[1], [0], [0], [1], [0, 0, 1, 1], [], []>, transpose_lhs_hint = false} : vector<64x2048xf32>, vector<2048x64xf32>, vector<64x64xf32> -> vector<64x64xf32>
    %iota3A_43 = tpu.iota {dimensions = array<i32: 0>} : vector<128x128xi32>
    %iota3A_44 = tpu.iota {dimensions = array<i32: 1>} : vector<128x128xi32>
    %ge3A = arith.cmpi sge, %iota3A_43, %iota3A_44 : vector<128x128xi32>
    %convert_element_type3A_45 = arith.extui %ge3A : vector<128x128xi1> to vector<128x128xi32>
    %convert_element_type3A_46 = arith.sitofp %convert_element_type3A_45 : vector<128x128xi32> to vector<128x128xf32>
    %iota3A_47 = tpu.iota {dimensions = array<i32: 0>} : vector<128x1xi32>
    %broadcast_in_dim3A_48 = arith.constant 0.000000e+00 : f32
    %broadcast_in_dim3A_49 = vector.broadcast %broadcast_in_dim3A_48 : f32 to vector<1x64xf32>
    %scan3A = arith.constant 0 : i32
    %scan3A_50 = arith.constant 16 : i32
    %scan3A_51 = arith.addi %scan3A, %scan3A_50 : i32
    %scan3A_52 = arith.constant 1 : i32
    %scan3A_53 = scf.for %scan3A_55 = %scan3A to %scan3A_51 step %scan3A_52 iter_args(%scan3A_56 = %broadcast_in_dim3A_49) -> (vector<1x64xf32>)  : i32 {
      %mul3A_57 = arith.constant 128 : i32
      %mul3A_58 = arith.muli %scan3A_55, %mul3A_57 : i32
      %get3A_59 = arith.constant 0 : index
      %get3A_60 = arith.constant 0 : index
      %get3A_61 = arith.index_cast %mul3A_58 : i32 to index
      %get3A_62 = arith.constant 0 : index
      %get3A_63 = vector.load %arg4[%get3A_59, %get3A_60, %get3A_61, %get3A_62] : memref<1x1x2048x64xf32, #tpu.memory_space<vmem>>, vector<1x1x128x64xf32>
      %get3A_64 = vector.shape_cast %get3A_63 : vector<1x1x128x64xf32> to vector<128x64xf32>
      %dot_general3A_65 = arith.constant dense<0.000000e+00> : vector<128x64xf32>
      %dot_general3A_66 = tpu.matmul %convert_element_type3A_46, %get3A_64, %dot_general3A_65 {dimension_numbers = #tpu.dot_dimension_numbers<[1], [0], [0], [1], [0, 0, 1, 1], [], []>, precision = #tpu.contract_precision<fp32>, transpose_lhs_hint = false} : vector<128x128xf32>, vector<128x64xf32>, vector<128x64xf32> -> vector<128x64xf32>
      %add3A = vector.broadcast %scan3A_56 : vector<1x64xf32> to vector<128x64xf32>
      %add3A_67 = arith.addf %dot_general3A_66, %add3A : vector<128x64xf32>
      %mul3A_68 = arith.constant 128 : i32
      %mul3A_69 = arith.muli %scan3A_55, %mul3A_68 : i32
      %add3A_70 = vector.broadcast %mul3A_69 : i32 to vector<128x1xi32>
      %add3A_71 = arith.addi %iota3A_47, %add3A_70 : vector<128x1xi32>
      %eq3A_72 = vector.broadcast %add3A_71 : vector<128x1xi32> to vector<128x64xi32>
      %eq3A_73 = vector.broadcast %get3A_20 : vector<1x64xi32> to vector<128x64xi32>
      %eq3A_74 = arith.cmpi eq, %eq3A_72, %eq3A_73 : vector<128x64xi32>
      %convert_element_type3A_75 = arith.extui %eq3A_74 : vector<128x64xi1> to vector<128x64xi32>
      %convert_element_type3A_76 = arith.sitofp %convert_element_type3A_75 : vector<128x64xi32> to vector<128x64xf32>
      %dot_general3A_77 = arith.constant dense<0.000000e+00> : vector<128x64xf32>
      %dot_general3A_78 = tpu.matmul %convert_element_type3A_76, %dot_general3A_42, %dot_general3A_77 {dimension_numbers = #tpu.dot_dimension_numbers<[1], [0], [0], [1], [0, 0, 1, 1], [], []>, precision = #tpu.contract_precision<fp32>, transpose_lhs_hint = false} : vector<128x64xf32>, vector<64x64xf32>, vector<128x64xf32> -> vector<128x64xf32>
      %reduce_sum3A_79 = arith.constant dense<0.000000e+00> : vector<128xf32>
      %reduce_sum3A_80 = vector.multi_reduction <add>, %convert_element_type3A_76, %reduce_sum3A_79 [1] : vector<128x64xf32> to vector<128xf32>
      %broadcast_in_dim3A_81 = vector.shape_cast %reduce_sum3A_80 : vector<128xf32> to vector<128x1xf32>
      %gt3A_82 = arith.constant 0.000000e+00 : f32
      %gt3A_83 = vector.broadcast %gt3A_82 : f32 to vector<128x1xf32>
      %gt3A_84 = arith.cmpf ogt, %broadcast_in_dim3A_81, %gt3A_83 : vector<128x1xf32>
      %broadcast_in_dim3A_85 = vector.shape_cast %gt3A_84 : vector<128x1xi1> to vector<128x1xi1>
      %broadcast_in_dim3A_86 = vector.broadcast %broadcast_in_dim3A_85 : vector<128x1xi1> to vector<128x64xi1>
      %select_n3A_87 = arith.select %broadcast_in_dim3A_86, %dot_general3A_78, %add3A_67 : vector<128x64xi1>, vector<128x64xf32>
      %dot_general3A_88 = arith.constant dense<0.000000e+00> : vector<128x768xf32>
      %dot_general3A_89 = tpu.matmul %select_n3A_87, %get3A_15, %dot_general3A_88 {dimension_numbers = #tpu.dot_dimension_numbers<[1], [0], [0], [1], [0, 0, 1, 1], [], []>, transpose_lhs_hint = false} : vector<128x64xf32>, vector<64x768xf32>, vector<128x768xf32> -> vector<128x768xf32>
      %eq3A_90 = arith.constant 0 : i32
      %eq3A_91 = arith.cmpi eq, %arg1, %eq3A_90 : i32
      %convert_element_type3A_92 = arith.extui %eq3A_91 : i1 to i32
      %cond3A = arith.constant 0 : i32
      %cond3A_93 = arith.cmpi ne, %convert_element_type3A_92, %cond3A : i32
      scf.if %cond3A_93 {
        %get3A_98 = arith.constant 0 : index
        %get3A_99 = arith.constant 0 : index
        %get3A_100 = arith.constant 0 : index
        %get3A_101 = vector.load %arg7[%get3A_98, %get3A_99, %get3A_100] : memref<1x1x768xf32, #tpu.memory_space<vmem>>, vector<1x1x768xf32>
        %get3A_102 = vector.shape_cast %get3A_101 : vector<1x1x768xf32> to vector<1x768xf32>
        %add3A_103 = vector.broadcast %get3A_102 : vector<1x768xf32> to vector<128x768xf32>
        %add3A_104 = arith.addf %dot_general3A_89, %add3A_103 : vector<128x768xf32>
        %mul3A_105 = arith.constant 128 : i32
        %mul3A_106 = arith.muli %scan3A_55, %mul3A_105 : i32
        %swap3A = arith.constant 0 : index
        %swap3A_107 = arith.index_cast %mul3A_106 : i32 to index
        %swap3A_108 = arith.constant 0 : index
        %swap3A_109 = vector.load %arg8[%swap3A, %swap3A_107, %swap3A_108] : memref<1x2048x768xf32, #tpu.memory_space<vmem>>, vector<1x128x768xf32>
        %swap3A_110 = vector.shape_cast %swap3A_109 : vector<1x128x768xf32> to vector<128x768xf32>
        %swap3A_111 = vector.shape_cast %add3A_104 : vector<128x768xf32> to vector<1x128x768xf32>
        tpu.vector_store %arg8[%swap3A, %swap3A_107, %swap3A_108], %swap3A_111 {strides = array<i32>} : memref<1x2048x768xf32, #tpu.memory_space<vmem>>, vector<1x128x768xf32>,
      } else {
      }
      %ne3A = arith.constant 0 : i32
      %ne3A_94 = arith.cmpi ne, %arg1, %ne3A : i32
      %convert_element_type3A_95 = arith.extui %ne3A_94 : i1 to i32
      %cond3A_96 = arith.constant 0 : i32
      %cond3A_97 = arith.cmpi ne, %convert_element_type3A_95, %cond3A_96 : i32
      scf.if %cond3A_97 {
        %mul3A_98 = arith.constant 128 : i32
        %mul3A_99 = arith.muli %scan3A_55, %mul3A_98 : i32
        %get3A_100 = arith.constant 0 : index
        %get3A_101 = arith.index_cast %mul3A_99 : i32 to index
        %get3A_102 = arith.constant 0 : index
        %get3A_103 = vector.load %arg8[%get3A_100, %get3A_101, %get3A_102] : memref<1x2048x768xf32, #tpu.memory_space<vmem>>, vector<1x128x768xf32>
        %get3A_104 = vector.shape_cast %get3A_103 : vector<1x128x768xf32> to vector<128x768xf32>
        %add3A_105 = arith.addf %get3A_104, %dot_general3A_89 : vector<128x768xf32>
        %mul3A_106 = arith.constant 128 : i32
        %mul3A_107 = arith.muli %scan3A_55, %mul3A_106 : i32
        %swap3A = arith.constant 0 : index
        %swap3A_108 = arith.index_cast %mul3A_107 : i32 to index
        %swap3A_109 = arith.constant 0 : index
        %swap3A_110 = vector.load %arg8[%swap3A, %swap3A_108, %swap3A_109] : memref<1x2048x768xf32, #tpu.memory_space<vmem>>, vector<1x128x768xf32>
        %swap3A_111 = vector.shape_cast %swap3A_110 : vector<1x128x768xf32> to vector<128x768xf32>
        %swap3A_112 = vector.shape_cast %add3A_105 : vector<128x768xf32> to vector<1x128x768xf32>
        tpu.vector_store %arg8[%swap3A, %swap3A_108, %swap3A_109], %swap3A_112 {strides = array<i32>} : memref<1x2048x768xf32, #tpu.memory_space<vmem>>, vector<1x128x768xf32>,
      } else {
      }
      %slice3A = vector.extract_strided_slice %add3A_67 {offsets = [127, 0], sizes = [1, 64], strides = [1, 1]} : vector<128x64xf32> to vector<1x64xf32>
      scf.yield %slice3A : vector<1x64xf32>
    }
    %scan3A_54 = arith.constant 16 : i32
    return
  }
  func.func @transform_0(%arg0: i32, %arg1: i32) -> (i32, i32, i32, i32) {
    %c0_i32 = arith.constant 0 : i32
    %c0_i32_0 = arith.constant 0 : i32
    %c0_i32_1 = arith.constant 0 : i32
    return %arg0, %arg1, %c0_i32, %c0_i32_0 : i32, i32, i32, i32
  }
  func.func @transform_1(%arg0: i32, %arg1: i32) -> (i32, i32, i32, i32) {
    %c0_i32 = arith.constant 0 : i32
    %c0_i32_0 = arith.constant 0 : i32
    %c0_i32_1 = arith.constant 0 : i32
    return %arg0, %arg1, %c0_i32, %c0_i32_0 : i32, i32, i32, i32
  }
  func.func @transform_2(%arg0: i32, %arg1: i32) -> (i32, i32, i32, i32) {
    %c0_i32 = arith.constant 0 : i32
    %c0_i32_0 = arith.constant 0 : i32
    %c0_i32_1 = arith.constant 0 : i32
    return %arg0, %arg1, %c0_i32, %c0_i32_0 : i32, i32, i32, i32
  }
  func.func @transform_3(%arg0: i32, %arg1: i32) -> (i32, i32, i32) {
    %mul3A = arith.constant 12 : i32
    %mul3A_0 = arith.muli %arg0, %mul3A : i32
    %add3A = arith.addi %mul3A_0, %arg1 : i32
    %c0_i32 = arith.constant 0 : i32
    %c0_i32_1 = arith.constant 0 : i32
    %c0_i32_2 = arith.constant 0 : i32
    return %add3A, %c0_i32, %c0_i32_1 : i32, i32, i32
  }
  func.func @transform_4(%arg0: i32, %arg1: i32) -> (i32, i32, i32) {
    %c0_i32 = arith.constant 0 : i32
    %c0_i32_0 = arith.constant 0 : i32
    %c0_i32_1 = arith.constant 0 : i32
    return %arg1, %c0_i32, %c0_i32_0 : i32, i32, i32
  }
  func.func @transform_5(%arg0: i32, %arg1: i32) -> (i32, i32, i32) {
    %c0_i32 = arith.constant 0 : i32
    %c0_i32_0 = arith.constant 0 : i32
    %c0_i32_1 = arith.constant 0 : i32
    %c0_i32_2 = arith.constant 0 : i32
    return %c0_i32, %c0_i32_0, %c0_i32_1 : i32, i32, i32
  }
  func.func @transform_6(%arg0: i32, %arg1: i32) -> (i32, i32, i32) {
    %c0_i32 = arith.constant 0 : i32
    %c0_i32_0 = arith.constant 0 : i32
    %c0_i32_1 = arith.constant 0 : i32
    return %arg0, %c0_i32, %c0_i32_0 : i32, i32, i32
  }
}

</mosaic_0001>

<sc_bundles>
// kernel: kernel.7.cloned.1.call-start
scs
__scs_entry_jumppad:
0x0: {  	(pc) =	sbr.rel $0x88, $3  }
0x1: {  	(tag) =	ssettag $0x0;
	lr =	simm.s32 $0x1  }
0x2: {  	[smem:$0x3F97] =	sst lr;
	_ =	strace $0xD0000000  }
0x3: {  	_ = 	snop  }
0x4: {  	_ = 	snop  }
0x5: {  	_ = 	snop  }
0x6: {  	_ = 	snop  }
0x7: {  	_ = 	snop  }
__scs_overlays_trampoline_lowered:
0x8: {  	[smem:$0x3FA6] =	sst s0  }
0x9: {  	[smem:$0x3FA7] =	sst s1  }
0xa: {  	[smem:$0x3FA8] =	sst s2  }
0xb: {  	[smem:$0x3FA9] =	sst s3  }
0xc: {  	[smem:$0x3FAA] =	sst s4  }
0xd: {  	[smem:$0x3FAB] =	sst s5  }
0xe: {  	[smem:$0x3FAC] =	sst s6  }
0xf: {  	[smem:$0x3FAD] =	sst s7  }
0x10: {  	[smem:$0x3FAE] =	sst s8  }
0x11: {  	[smem:$0x3FAF] =	sst s9;
	s0 =	simm.s32 @!p0 $0x0  }
0x12: {  	s1 =	sld [smem:$0x3F95];
	s0 =	simm.s32 @p0 $0x1  }
0x13: {  	[smem:$0x3FB0] =	sst s0;
	s0 =	simm.s32 @!p1 $0x0  }
0x14: {  	s2 =	sld [smem:$0x3F94];
	s0 =	simm.s32 @p1 $0x1  }
0x15: {  	[smem:$0x3FB1] =	sst s0;
	s0 =	simm.s32 @!p2 $0x0  }
0x16: {  	s3 =	sld [smem:$0x3FDB];
	s0 =	simm.s32 @p2 $0x1  }
0x17: {  	s4 =	simm.s32 $0x1BF5;
	[smem:$0x3FB3] =	sst s0  }
0x18: {  	s0 =	sld [smem:$0x3F96];
	_ =	swait.ge [sflag:s4], $0x0  }
0x19: {  	s7 =	sld [smem:$0x3F97]  }
0x1a: {  	s8 =	sadd.s32 $0xFFFFE003, lr  }
0x1b: {  	s9 =	sadd.s32 $0xFFFFFEF7, lr;
	s5 =	simm.s32 $0xFFFFFFFF;
	p2 =	slt.u32 s8, $0xFFFFF086  }
0x1c: {  	p1 =	slt.u32 s9, $0xF7A;
	s5 =	simm.s32 @!p2 $0x0  }
0x1d: {  	s5 =	simm.s32 @p1 $0x1;
	p0 =	seq.s32 s7, s2  }
0x1e: {  	s7 =	smul.u32 @!p0 $0xF7A, s2;
	p2 =	seq.s32 @!p0 s5, $0x0  }
0x1f: {  	s9 =	smul.u32 $0xF7A, s1;
	s8 =	simm.s32 @!p0 $0x1BF5;
	p2 =	por !p2, p0  }
0x20: {  	[sflag:s8] =	ssyncset.s32 @!p0 $0xFFFFF086;
	s6 =	sadd.s32 @!p0 s3, s7;
	s7 =	simm.s32 @!p0 $0x108  }
0x21: {  	s3 =	sadd.s32 s3, s9;
	s6 =	sadd.s32 @!p0 $0x88, s6;
	s7 =	simm.s32 @p2 $0x1082  }
0x22: {  	[simem:s7], [sflag:s8] =	dma.local @!p0 [hbm:s6], $0xF7A  }
0x23: {  	s9 =	sor.u32 $0xD0000000, s2;
	s6 =	simm.s32 $0x108;
	_ =	swait.ge @!p0 [sflag:s8], $0x0  }
0x24: {  	s3 =	sadd.s32 $0x88, s3;
	s6 =	simm.s32 @!p1 $0x1082;
	[sflag:s4] =	ssyncset.s32 $0xFFFFF086  }
0x25: {  	[simem:s6], [sflag:s4] =	dma.local [hbm:s3], $0xF7A  }
0x26: {  	[smem:$0x3F97] =	sst s1;
	(tag) =	ssettag s2;
	_ =	strace s9  }
0x27: {  	s1 =	sld [smem:$0x3FA7]  }
0x28: {  	s2 =	sld [smem:$0x3FA8]  }
0x29: {  	s4 =	sld [smem:$0x3FAA]  }
0x2a: {  	p0 =	seq.s32 s5, $0x0;
	s5 =	sld [smem:$0x3FAB]  }
0x2b: {  	s6 =	sld [smem:$0x3FAC]  }
0x2c: {  	s7 =	sld [smem:$0x3FAD]  }
0x2d: {  	s3 =	simm.s32 $0x108;
	s8 =	sld [smem:$0x3FAE]  }
0x2e: {  	s3 =	simm.s32 @!p0 $0x1082;
	s9 =	sld [smem:$0x3FAF]  }
0x2f: {  	lr =	sadd.s32 s0, s3;
	s0 =	sld [smem:$0x3FA6]  }
0x30: {  	s3 =	sld [smem:$0x3FA9]  }
0x31: {  	[smem:$0x3FB2] =	sst s10  }
0x32: {  	s10 =	sld [smem:$0x3FB0];
	_ =	sdelay $0x3  }
0x33: {  	p0 =	seq.s32 s10, $0x1;
	s10 =	sld [smem:$0x3FB2];
	_ =	sdelay $0x3  }
0x34: {  	[smem:$0x3FB2] =	sst s10  }
0x35: {  	s10 =	sld [smem:$0x3FB1];
	_ =	sdelay $0x3  }
0x36: {  	p1 =	seq.s32 s10, $0x1;
	s10 =	sld [smem:$0x3FB2];
	_ =	sdelay $0x3  }
0x37: {  	[smem:$0x3FB2] =	sst s10  }
0x38: {  	s10 =	sld [smem:$0x3FB3]  }
0x39: {  	_ = 	snop;
	(pc) =	sbr.ind lr, $3  }
0x3a: {  	_ = 	snop  }
0x3b: {  	_ = 	snop  }
0x3c: {  	p2 =	seq.s32 s10, $0x1;
	s10 =	sld [smem:$0x3FB2]  }
0x3d: {  	_ =	shalt  }
0x3e: {  	_ =	shalt  }
0x3f: {  	_ =	shalt  }
0x40: {  	_ =	shalt  }
0x41: {  	_ =	shalt  }
0x42: {  	_ =	shalt  }
0x43: {  	_ =	shalt  }
0x44: {  	_ =	shalt  }
0x45: {  	_ =	shalt  }
0x46: {  	_ =	shalt  }
0x47: {  	_ =	shalt  }
0x48: {  	_ =	shalt  }
0x49: {  	_ =	shalt  }
0x4a: {  	_ =	shalt  }
0x4b: {  	_ =	shalt  }
0x4c: {  	_ =	shalt  }
0x4d: {  	_ =	shalt  }
0x4e: {  	_ =	shalt  }
0x4f: {  	_ =	shalt  }
0x50: {  	_ =	shalt  }
0x51: {  	_ =	shalt  }
0x52: {  	_ =	shalt  }
0x53: {  	_ =	shalt  }
0x54: {  	_ =	shalt  }
0x55: {  	_ =	shalt  }
0x56: {  	_ =	shalt  }
0x57: {  	_ =	shalt  }
0x58: {  	_ =	shalt  }
0x59: {  	_ =	shalt  }
0x5a: {  	_ =	shalt  }
0x5b: {  	_ =	shalt  }
0x5c: {  	_ =	shalt  }
0x5d: {  	_ =	shalt  }
0x5e: {  	_ =	shalt  }
0x5f: {  	_ =	shalt  }
0x60: {  	_ =	shalt  }
0x61: {  	_ =	shalt  }
0x62: {  	_ =	shalt  }
0x63: {  	_ =	shalt  }
0x64: {  	_ =	shalt  }
0x65: {  	_ =	shalt  }
0x66: {  	_ =	shalt  }
0x67: {  	_ =	shalt  }
0x68: {  	_ =	shalt  }
0x69: {  	_ =	shalt  }
0x6a: {  	_ =	shalt  }
0x6b: {  	_ =	shalt  }
0x6c: {  	_ =	shalt  }
0x6d: {  	_ =	shalt  }
0x6e: {  	_ =	shalt  }
0x6f: {  	_ =	shalt  }
0x70: {  	_ =	shalt  }
0x71: {  	_ =	shalt  }
0x72: {  	_ =	shalt  }
0x73: {  	_ =	shalt  }
0x74: {  	_ =	shalt  }
0x75: {  	_ =	shalt  }
0x76: {  	_ =	shalt  }
0x77: {  	_ =	shalt  }
0x78: {  	_ =	shalt  }
0x79: {  	_ =	shalt  }
0x7a: {  	_ =	shalt  }
0x7b: {  	_ =	shalt  }
0x7c: {  	_ =	shalt  }
0x7d: {  	_ =	shalt  }
0x7e: {  	_ =	shalt  }
0x7f: {  	_ =	shalt  }
0x80: {  	_ =	shalt  }
0x81: {  	_ =	shalt  }
0x82: {  	_ =	shalt  }
0x83: {  	_ =	shalt  }
0x84: {  	_ =	shalt  }
0x85: {  	_ =	shalt  }
0x86: {  	_ =	shalt  }
0x87: {  	_ =	shalt  }
.Lfunc_end0:
.L_simem_size_0:
called_computation_lowered:
.L_overlay_start_0:
0x88: {  	s2 =	sld [smem:$0x3FD9]  }
0x89: {  	s3 =	sld [smem:$0x3FFE];
	_ =	sdelay $0x1  }
0x8a: {  	s1 =	srdreg.scid  }
0x8b: {  	s0 =	sand.u32 $0x1, s1  }
0x8c: {  	s17 =	sshll.u32 s0, $0xA;
	s2 =	sadd.s32 s3, s2  }
0x8d: {  	s2 =	sadd.s32 s2, s17  }
0x8e: {  	[smem:$0x3FBE] =	sst s2  }
0x8f: {  	_ = 	snop  }
0x90: {  	s2 =	sld [smem:$0x3FD0];
	(tm) =	ssettm $0x1  }
0x91: {  	s18 =	sld [smem:$0x3FFB];
	_ =	sdelay $0x3  }
0x92: {  	_ =	strace s18  }
0x93: {  	s3 =	sld [smem:$0x3FFC];
	_ =	sdelay $0x3  }
0x94: {  	_ =	strace s3  }
0x95: {  	s3 =	sld [smem:$0x3FFD];
	_ =	sdelay $0x3  }
0x96: {  	_ =	strace s3  }
0x97: {  	_ =	strace $0x8FFFFFFF  }
0x98: {  	s19 =	sld [smem:$0x3FDB];
	_ =	sdelay $0x1  }
0x99: {  	s4 =	simm.s32 $_scs_section_size  }
0x9a: {  	s5 =	simm.s32 $_size__tile_overlayer_lowered;
	s6 =	simm.s32 $_tile_overlayer_lowered  }
0x9b: {  	s22 =	simm.s32 $0x1BFF;
	s21 =	sshll.u32 s6, $0x1;
	s3 =	sadd.s32 s4, s19  }
0x9c: {  	s7 =	simm.s32 $0x0;
	s20 =	sshll.u32 s5, $0x1;
	s5 =	sadd.s32 s21, s3  }
0x9d: {  	[timem:s7], [sflag:s22] =	dma.local [hbm:s5], s20  }
0x9e: {  	_ =	swait.ge [sflag:s22], s20  }
0x9f: {  	s4 =	ssub.s32 $0x0, s20;
	[sflag:s22] =	ssyncset.done $0x0  }
0xa0: {  	[sflag:s22] =	ssyncadd.s32 s4;
	_ =	sdelay $0x1  }
0xa1: {  	s23 =	simm.s32 $0x1B8B  }
0xa2: {  	_ =	swait.ge [sflag:s23], $0x1  }
0xa3: {  	[sflag:s23] =	ssyncset.done $0x0  }
0xa4: {  	s25 =	simm.s32 $0x1B8E;
	s24 =	sld [smem:$0x3FFE];
	[sflag:s23] =	ssyncadd.s32 $0xFFFFFFFF  }
0xa5: {  	s26 =	simm.s32 $execute0_lowered;
	[smem:$0x3FD2] =	sst s25  }
0xa6: {  	s5 =	sshll.u32 s26, $0x1;
	_ =	strace $0x80000046;
	[dreg:$0x1] =	wrdreg $0xFFFFFFFF  }
0xa7: {  	s28 =	simm.s32 $_size_execute0_lowered;
	s3 =	sadd.s32 s3, s5;
	[dreg:$0x0] =	wrdreg $0x0  }
0xa8: {  	s5 =	sshll.u32 s28, $0x1;
	[dreg:$0x2] =	wrdreg s3  }
0xa9: {  	[dreg:$0x3] =	wrdreg s5  }
0xaa: {  	[dreg:$0x4] =	wrdreg $0xC0  }
0xab: {  	_ =	task [dreg:s7], $0x5FFFF  }
0xac: {  	[dreg:$0x1] =	wrdreg $0xFFFFFFFF  }
0xad: {  	[dreg:$0x0] =	wrdreg $0x60  }
0xae: {  	[dreg:$0x2] =	wrdreg s2  }
0xaf: {  	[dreg:$0x3] =	wrdreg s24  }
0xb0: {  	[dreg:$0x4] =	wrdreg $0x9  }
0xb1: {  	_ =	task.clear_ibuf [dreg:s7], $0x5FFFF;
	_ =	strace $0x90000046  }
0xb2: {  	s29 =	simm.s32 $0x9;
	_ =	strace $0x80000048  }
0xb3: {  	_ =	swait.ge [sflag:s29], $0x1  }
0xb4: {  	[sflag:s29] =	ssyncadd.s32 $0xFFFFFFFF  }
0xb5: {  	_ =	strace $0x90000048  }
0xb6: {  	_ =	sfence  }
0xb7: {  	s30 =	sld [smem:$0x0];
	_ =	sdelay $0x2  }
0xb8: {  	s31 =	sshll.u32 s1, $0xD;
	s1 =	sshrl.u32 s1, $0x2  }
0xb9: {  	s3 =	sand.u32 $0x4000, s31;
	s1 =	sadd.s32 s1, s30  }
0xba: {  	s0 =	sor.u32 s3, s0;
	s1 =	sshll.u32 s1, $0x11  }
0xbb: {  	s0 =	sor.u32 s1, s0  }
0xbc: {  	s0 =	sadd.s32 $0x8F2B, s0  }
0xbd: {  	[sflag:s0] =	ssyncadd.remote.s32 $0x1  }
0xbe: {  	_ =	sfence.sel $0xFFFF  }
0xbf: {  	[dreg:$0x0] =	wrdreg $0xFFFFFFFF;
	(pc) =	sbr.abs _section_cstart, $3  }
0xc0: {  	[dreg:$0x1] =	wrdreg $0xFFFFFFFF  }
0xc1: {  	_ =	task.clear_ibuf [dreg:s7], $0x2FFFF;
	_ =	strace $0x9FFFFFFF  }
0xc2: {  	(tm) =	ssettm $0x7FFFFFFF  }
0xc3: {  	_ =	shalt  }
tec
execute0_lowered:
.L_overlay_start_1:
0x0: {  	(tag) =	ssettag $0x1  }
0x1: {  	s10 =	rddreg [dreg:$0x0]  }
0x2: {  	s4 =	rddreg [dreg:$0x1]  }
0x3: {  	s0 =	rddreg [dreg:$0x2]  }
0x4: {  	s2 =	simm.s32 $0x0;
	s3 =	srdreg.scid;
	s1 =	stileid.u32  }
0x5: {  	[smem:$0x7FF] =	sst s2;
	s3 =	sand.u32 $0x1, s3;
	s5 =	sshll.u32 s1, $0x1  }
0x6: {  	s11 =	sadd.s32 $0x2600, s4;
	_ =	strace $0x80000047;
	s6 =	ssub.s32 $0x2, s3  }
0x7: {  	s5 =	sor.u32 s3, s5;
	s3 =	sadd.s32 $0x1600, s4;
	s7 =	sshrl.u32 s6, $0x1  }
0x8: {  	s8 =	smul.u32 $0x180, s5;
	s28 =	sshll.u32 s5, $0x6;
	s5 =	sshll.u32 s5, $0xE  }
0x9: {  	s12 =	ssub.s32 s6, s7;
	s29 =	sor.u32 $0x10, s28;
	s5 =	sadd.s32 s11, s5  }
0xa: {  	s9 =	sor.u32 $0x20, s28;
	s14 =	sor.u32 $0x30, s28;
	s30 =	smul.u32 $0x6, s29  }
0xb: {  	s4 =	sadd.s32 s10, s8;
	s7 =	sshll.u32 s29, $0x8;
	s13 =	smul.u32 $0x6, s9  }
0xc: {  	s15 =	smul.u32 $0x6, s14;
	s9 =	sshll.u32 s9, $0x8;
	s31 =	sshll.u32 s14, $0x8  }
0xd: {  	s12 =	smax.u32 s12, $0x1;
	s14 =	simm.s32 $0x300;
	s7 =	sadd.s32 s11, s7  }
0xe: {  	s9 =	sadd.s32 s11, s9;
	s11 =	sadd.s32 s11, s31;
	s6 =	sadd.s32 s10, s30  }
0xf: {  	v0 =	vimm.f32 $1.000000000e+00;
	s8 =	sadd.s32 s10, s13;
	s10 =	sadd.s32 s10, s15;
	s13 =	simm.s32 $0x1  }
.LBB2_1:
0x10: {  	[tilespmem:s2], [sflag:$0x1] =	stream.linear.gather [hbm4b:s4+s2], $0x300, $0x38;
	[tilespmem:$0x8300] =	vst v63  }
0x11: {  	_ =	swait.ge [sflag:s13], $0x300  }
0x12: {  	[sflag:s13] =	ssyncset.done $0x0  }
0x13: {  	[sflag:s13] =	ssyncadd.s32 $0xFFFFFD00  }
0x14: {  	[tilespmem:s14], [sflag:$0x1] =	stream.linear.gather [hbm4b:s3+s2], $0x8000, $0x38;
	[tilespmem:$0x8300] =	vst v63  }
0x15: {  	_ =	swait.ge [sflag:s13], $0x8000  }
0x16: {  	[sflag:s13] =	ssyncset.done $0x0  }
0x17: {  	[sflag:s13] =	ssyncadd.s32 $0xFFFF8000  }
0x18: {  	v1 =	vld [tilespmem:$0x0];
	_ =	sdelay $0x7  }
0x19: {  	[tilespmem:v1+s14+$0x0] =	vst.idx.add.f32.msk $0xffff, v0  }
0x1a: {  	v1 =	vld [tilespmem:$0x10];
	_ =	sdelay $0x7  }
0x1b: {  	[tilespmem:v1+s14+$0x0] =	vst.idx.add.f32.msk $0xffff, v0  }
0x1c: {  	v1 =	vld [tilespmem:$0x20];
	_ =	sdelay $0x7  }
0x1d: {  	[tilespmem:v1+s14+$0x0] =	vst.idx.add.f32.msk $0xff, v0  }
0x1e: {  	v1 =	vld [tilespmem:$0x30];
	_ =	sdelay $0x4  }
0x1f: {  	v1 =	vadd.s32 $0x800, v1;
	_ =	sdelay $0x4  }
0x20: {  	[tilespmem:v1+s14+$0x0] =	vst.idx.add.f32.msk $0xffff, v0  }
0x21: {  	v1 =	vld [tilespmem:$0x40];
	_ =	sdelay $0x4  }
0x22: {  	v1 =	vadd.s32 $0x800, v1;
	_ =	sdelay $0x4  }
0x23: {  	[tilespmem:v1+s14+$0x0] =	vst.idx.add.f32.msk $0xffff, v0  }
0x24: {  	v1 =	vld [tilespmem:$0x50];
	_ =	sdelay $0x4  }
0x25: {  	v1 =	vadd.s32 $0x800, v1;
	_ =	sdelay $0x4  }
0x26: {  	[tilespmem:v1+s14+$0x0] =	vst.idx.add.f32.msk $0xff, v0  }
0x27: {  	v1 =	vld [tilespmem:$0x60];
	_ =	sdelay $0x4  }
0x28: {  	v1 =	vadd.s32 $0x1000, v1;
	_ =	sdelay $0x4  }
0x29: {  	[tilespmem:v1+s14+$0x0] =	vst.idx.add.f32.msk $0xffff, v0  }
0x2a: {  	v1 =	vld [tilespmem:$0x70];
	_ =	sdelay $0x4  }
0x2b: {  	v1 =	vadd.s32 $0x1000, v1;
	_ =	sdelay $0x4  }
0x2c: {  	[tilespmem:v1+s14+$0x0] =	vst.idx.add.f32.msk $0xffff, v0  }
0x2d: {  	v1 =	vld [tilespmem:$0x80];
	_ =	sdelay $0x4  }
0x2e: {  	v1 =	vadd.s32 $0x1000, v1;
	_ =	sdelay $0x4  }
0x2f: {  	[tilespmem:v1+s14+$0x0] =	vst.idx.add.f32.msk $0xff, v0  }
0x30: {  	v1 =	vld [tilespmem:$0x90];
	_ =	sdelay $0x4  }
0x31: {  	v1 =	vadd.s32 $0x1800, v1;
	_ =	sdelay $0x4  }
0x32: {  	[tilespmem:v1+s14+$0x0] =	vst.idx.add.f32.msk $0xffff, v0  }
0x33: {  	v1 =	vld [tilespmem:$0xA0];
	_ =	sdelay $0x4  }
0x34: {  	v1 =	vadd.s32 $0x1800, v1;
	_ =	sdelay $0x4  }
0x35: {  	[tilespmem:v1+s14+$0x0] =	vst.idx.add.f32.msk $0xffff, v0  }
0x36: {  	v1 =	vld [tilespmem:$0xB0];
	_ =	sdelay $0x4  }
0x37: {  	v1 =	vadd.s32 $0x1800, v1;
	_ =	sdelay $0x4  }
0x38: {  	[tilespmem:v1+s14+$0x0] =	vst.idx.add.f32.msk $0xff, v0  }
0x39: {  	v1 =	vld [tilespmem:$0xC0];
	_ =	sdelay $0x4  }
0x3a: {  	v1 =	vadd.s32 $0x2000, v1;
	_ =	sdelay $0x4  }
0x3b: {  	[tilespmem:v1+s14+$0x0] =	vst.idx.add.f32.msk $0xffff, v0  }
0x3c: {  	v1 =	vld [tilespmem:$0xD0];
	_ =	sdelay $0x4  }
0x3d: {  	v1 =	vadd.s32 $0x2000, v1;
	_ =	sdelay $0x4  }
0x3e: {  	[tilespmem:v1+s14+$0x0] =	vst.idx.add.f32.msk $0xffff, v0  }
0x3f: {  	v1 =	vld [tilespmem:$0xE0];
	_ =	sdelay $0x4  }
0x40: {  	v1 =	vadd.s32 $0x2000, v1;
	_ =	sdelay $0x4  }
0x41: {  	[tilespmem:v1+s14+$0x0] =	vst.idx.add.f32.msk $0xff, v0  }
0x42: {  	v1 =	vld [tilespmem:$0xF0];
	_ =	sdelay $0x4  }
0x43: {  	v1 =	vadd.s32 $0x2800, v1;
	_ =	sdelay $0x4  }
0x44: {  	[tilespmem:v1+s14+$0x0] =	vst.idx.add.f32.msk $0xffff, v0  }
0x45: {  	v1 =	vld [tilespmem:$0x100];
	_ =	sdelay $0x4  }
0x46: {  	v1 =	vadd.s32 $0x2800, v1;
	_ =	sdelay $0x4  }
0x47: {  	[tilespmem:v1+s14+$0x0] =	vst.idx.add.f32.msk $0xffff, v0  }
0x48: {  	v1 =	vld [tilespmem:$0x110];
	_ =	sdelay $0x4  }
0x49: {  	v1 =	vadd.s32 $0x2800, v1;
	_ =	sdelay $0x4  }
0x4a: {  	[tilespmem:v1+s14+$0x0] =	vst.idx.add.f32.msk $0xff, v0  }
0x4b: {  	v1 =	vld [tilespmem:$0x120];
	_ =	sdelay $0x4  }
0x4c: {  	v1 =	vadd.s32 $0x3000, v1;
	_ =	sdelay $0x4  }
0x4d: {  	[tilespmem:v1+s14+$0x0] =	vst.idx.add.f32.msk $0xffff, v0  }
0x4e: {  	v1 =	vld [tilespmem:$0x130];
	_ =	sdelay $0x4  }
0x4f: {  	v1 =	vadd.s32 $0x3000, v1;
	_ =	sdelay $0x4  }
0x50: {  	[tilespmem:v1+s14+$0x0] =	vst.idx.add.f32.msk $0xffff, v0  }
0x51: {  	v1 =	vld [tilespmem:$0x140];
	_ =	sdelay $0x4  }
0x52: {  	v1 =	vadd.s32 $0x3000, v1;
	_ =	sdelay $0x4  }
0x53: {  	[tilespmem:v1+s14+$0x0] =	vst.idx.add.f32.msk $0xff, v0  }
0x54: {  	v1 =	vld [tilespmem:$0x150];
	_ =	sdelay $0x4  }
0x55: {  	v1 =	vadd.s32 $0x3800, v1;
	_ =	sdelay $0x4  }
0x56: {  	[tilespmem:v1+s14+$0x0] =	vst.idx.add.f32.msk $0xffff, v0  }
0x57: {  	v1 =	vld [tilespmem:$0x160];
	_ =	sdelay $0x4  }
0x58: {  	v1 =	vadd.s32 $0x3800, v1;
	_ =	sdelay $0x4  }
0x59: {  	[tilespmem:v1+s14+$0x0] =	vst.idx.add.f32.msk $0xffff, v0  }
0x5a: {  	v1 =	vld [tilespmem:$0x170];
	_ =	sdelay $0x4  }
0x5b: {  	v1 =	vadd.s32 $0x3800, v1;
	_ =	sdelay $0x4  }
0x5c: {  	[tilespmem:v1+s14+$0x0] =	vst.idx.add.f32.msk $0xff, v0  }
0x5d: {  	v1 =	vld [tilespmem:$0x180];
	_ =	sdelay $0x4  }
0x5e: {  	v1 =	vadd.s32 $0x4000, v1;
	_ =	sdelay $0x4  }
0x5f: {  	[tilespmem:v1+s14+$0x0] =	vst.idx.add.f32.msk $0xffff, v0  }
0x60: {  	v1 =	vld [tilespmem:$0x190];
	_ =	sdelay $0x4  }
0x61: {  	v1 =	vadd.s32 $0x4000, v1;
	_ =	sdelay $0x4  }
0x62: {  	[tilespmem:v1+s14+$0x0] =	vst.idx.add.f32.msk $0xffff, v0  }
0x63: {  	v1 =	vld [tilespmem:$0x1A0];
	_ =	sdelay $0x4  }
0x64: {  	v1 =	vadd.s32 $0x4000, v1;
	_ =	sdelay $0x4  }
0x65: {  	[tilespmem:v1+s14+$0x0] =	vst.idx.add.f32.msk $0xff, v0  }
0x66: {  	v1 =	vld [tilespmem:$0x1B0];
	_ =	sdelay $0x4  }
0x67: {  	v1 =	vadd.s32 $0x4800, v1;
	_ =	sdelay $0x4  }
0x68: {  	[tilespmem:v1+s14+$0x0] =	vst.idx.add.f32.msk $0xffff, v0  }
0x69: {  	v1 =	vld [tilespmem:$0x1C0];
	_ =	sdelay $0x4  }
0x6a: {  	v1 =	vadd.s32 $0x4800, v1;
	_ =	sdelay $0x4  }
0x6b: {  	[tilespmem:v1+s14+$0x0] =	vst.idx.add.f32.msk $0xffff, v0  }
0x6c: {  	v1 =	vld [tilespmem:$0x1D0];
	_ =	sdelay $0x4  }
0x6d: {  	v1 =	vadd.s32 $0x4800, v1;
	_ =	sdelay $0x4  }
0x6e: {  	[tilespmem:v1+s14+$0x0] =	vst.idx.add.f32.msk $0xff, v0  }
0x6f: {  	v1 =	vld [tilespmem:$0x1E0];
	_ =	sdelay $0x4  }
0x70: {  	v1 =	vadd.s32 $0x5000, v1;
	_ =	sdelay $0x4  }
0x71: {  	[tilespmem:v1+s14+$0x0] =	vst.idx.add.f32.msk $0xffff, v0  }
0x72: {  	v1 =	vld [tilespmem:$0x1F0];
	_ =	sdelay $0x4  }
0x73: {  	v1 =	vadd.s32 $0x5000, v1;
	_ =	sdelay $0x4  }
0x74: {  	[tilespmem:v1+s14+$0x0] =	vst.idx.add.f32.msk $0xffff, v0  }
0x75: {  	v1 =	vld [tilespmem:$0x200];
	_ =	sdelay $0x4  }
0x76: {  	v1 =	vadd.s32 $0x5000, v1;
	_ =	sdelay $0x4  }
0x77: {  	[tilespmem:v1+s14+$0x0] =	vst.idx.add.f32.msk $0xff, v0  }
0x78: {  	v1 =	vld [tilespmem:$0x210];
	_ =	sdelay $0x4  }
0x79: {  	v1 =	vadd.s32 $0x5800, v1;
	_ =	sdelay $0x4  }
0x7a: {  	[tilespmem:v1+s14+$0x0] =	vst.idx.add.f32.msk $0xffff, v0  }
0x7b: {  	v1 =	vld [tilespmem:$0x220];
	_ =	sdelay $0x4  }
0x7c: {  	v1 =	vadd.s32 $0x5800, v1;
	_ =	sdelay $0x4  }
0x7d: {  	[tilespmem:v1+s14+$0x0] =	vst.idx.add.f32.msk $0xffff, v0  }
0x7e: {  	v1 =	vld [tilespmem:$0x230];
	_ =	sdelay $0x4  }
0x7f: {  	v1 =	vadd.s32 $0x5800, v1;
	_ =	sdelay $0x4  }
0x80: {  	[tilespmem:v1+s14+$0x0] =	vst.idx.add.f32.msk $0xff, v0  }
0x81: {  	v1 =	vld [tilespmem:$0x240];
	_ =	sdelay $0x4  }
0x82: {  	v1 =	vadd.s32 $0x6000, v1;
	_ =	sdelay $0x4  }
0x83: {  	[tilespmem:v1+s14+$0x0] =	vst.idx.add.f32.msk $0xffff, v0  }
0x84: {  	v1 =	vld [tilespmem:$0x250];
	_ =	sdelay $0x4  }
0x85: {  	v1 =	vadd.s32 $0x6000, v1;
	_ =	sdelay $0x4  }
0x86: {  	[tilespmem:v1+s14+$0x0] =	vst.idx.add.f32.msk $0xffff, v0  }
0x87: {  	v1 =	vld [tilespmem:$0x260];
	_ =	sdelay $0x4  }
0x88: {  	v1 =	vadd.s32 $0x6000, v1;
	_ =	sdelay $0x4  }
0x89: {  	[tilespmem:v1+s14+$0x0] =	vst.idx.add.f32.msk $0xff, v0  }
0x8a: {  	v1 =	vld [tilespmem:$0x270];
	_ =	sdelay $0x4  }
0x8b: {  	v1 =	vadd.s32 $0x6800, v1;
	_ =	sdelay $0x4  }
0x8c: {  	[tilespmem:v1+s14+$0x0] =	vst.idx.add.f32.msk $0xffff, v0  }
0x8d: {  	v1 =	vld [tilespmem:$0x280];
	_ =	sdelay $0x4  }
0x8e: {  	v1 =	vadd.s32 $0x6800, v1;
	_ =	sdelay $0x4  }
0x8f: {  	[tilespmem:v1+s14+$0x0] =	vst.idx.add.f32.msk $0xffff, v0  }
0x90: {  	v1 =	vld [tilespmem:$0x290];
	_ =	sdelay $0x4  }
0x91: {  	v1 =	vadd.s32 $0x6800, v1;
	_ =	sdelay $0x4  }
0x92: {  	[tilespmem:v1+s14+$0x0] =	vst.idx.add.f32.msk $0xff, v0  }
0x93: {  	v1 =	vld [tilespmem:$0x2A0];
	_ =	sdelay $0x4  }
0x94: {  	v1 =	vadd.s32 $0x7000, v1;
	_ =	sdelay $0x4  }
0x95: {  	[tilespmem:v1+s14+$0x0] =	vst.idx.add.f32.msk $0xffff, v0  }
0x96: {  	v1 =	vld [tilespmem:$0x2B0];
	_ =	sdelay $0x4  }
0x97: {  	v1 =	vadd.s32 $0x7000, v1;
	_ =	sdelay $0x4  }
0x98: {  	[tilespmem:v1+s14+$0x0] =	vst.idx.add.f32.msk $0xffff, v0  }
0x99: {  	v1 =	vld [tilespmem:$0x2C0];
	_ =	sdelay $0x4  }
0x9a: {  	v1 =	vadd.s32 $0x7000, v1;
	_ =	sdelay $0x4  }
0x9b: {  	[tilespmem:v1+s14+$0x0] =	vst.idx.add.f32.msk $0xff, v0  }
0x9c: {  	v1 =	vld [tilespmem:$0x2D0];
	_ =	sdelay $0x4  }
0x9d: {  	v1 =	vadd.s32 $0x7800, v1;
	_ =	sdelay $0x4  }
0x9e: {  	[tilespmem:v1+s14+$0x0] =	vst.idx.add.f32.msk $0xffff, v0  }
0x9f: {  	v1 =	vld [tilespmem:$0x2E0];
	_ =	sdelay $0x4  }
0xa0: {  	v1 =	vadd.s32 $0x7800, v1;
	_ =	sdelay $0x4  }
0xa1: {  	[tilespmem:v1+s14+$0x0] =	vst.idx.add.f32.msk $0xffff, v0  }
0xa2: {  	v1 =	vld [tilespmem:$0x2F0];
	_ =	sdelay $0x4  }
0xa3: {  	v1 =	vadd.s32 $0x7800, v1;
	_ =	sdelay $0x4  }
0xa4: {  	[tilespmem:v1+s14+$0x0] =	vst.idx.add.f32.msk $0xff, v0  }
0xa5: {  	[hbm4b:s5+s2] =	stream.linear.scatter [tilespmem:s14], [sflag:$0x1], $0x8000, $0x38;
	[tilespmem:$0x8300] =	vst v63  }
0xa6: {  	_ =	swait.ge [sflag:s13], $0x8000  }
0xa7: {  	[sflag:s13] =	ssyncset.done $0x0  }
0xa8: {  	[sflag:s13] =	ssyncadd.s32 $0xFFFF8000  }
0xa9: {  	[tilespmem:s2], [sflag:$0x1] =	stream.linear.gather [hbm4b:s6+s2], $0x300, $0x38;
	[tilespmem:$0x8300] =	vst v63  }
0xaa: {  	_ =	swait.ge [sflag:s13], $0x300  }
0xab: {  	[sflag:s13] =	ssyncset.done $0x0  }
0xac: {  	[sflag:s13] =	ssyncadd.s32 $0xFFFFFD00  }
0xad: {  	[tilespmem:s14], [sflag:$0x1] =	stream.linear.gather [hbm4b:s3+s2], $0x8000, $0x38;
	[tilespmem:$0x8300] =	vst v63  }
0xae: {  	_ =	swait.ge [sflag:s13], $0x8000  }
0xaf: {  	[sflag:s13] =	ssyncset.done $0x0  }
0xb0: {  	[sflag:s13] =	ssyncadd.s32 $0xFFFF8000  }
0xb1: {  	v1 =	vld [tilespmem:$0x0];
	_ =	sdelay $0x7  }
0xb2: {  	[tilespmem:v1+s14+$0x0] =	vst.idx.add.f32.msk $0xffff, v0  }
0xb3: {  	v1 =	vld [tilespmem:$0x10];
	_ =	sdelay $0x7  }
0xb4: {  	[tilespmem:v1+s14+$0x0] =	vst.idx.add.f32.msk $0xffff, v0  }
0xb5: {  	v1 =	vld [tilespmem:$0x20];
	_ =	sdelay $0x7  }
0xb6: {  	[tilespmem:v1+s14+$0x0] =	vst.idx.add.f32.msk $0xff, v0  }
0xb7: {  	v1 =	vld [tilespmem:$0x30];
	_ =	sdelay $0x4  }
0xb8: {  	v1 =	vadd.s32 $0x800, v1;
	_ =	sdelay $0x4  }
0xb9: {  	[tilespmem:v1+s14+$0x0] =	vst.idx.add.f32.msk $0xffff, v0  }
0xba: {  	v1 =	vld [tilespmem:$0x40];
	_ =	sdelay $0x4  }
0xbb: {  	v1 =	vadd.s32 $0x800, v1;
	_ =	sdelay $0x4  }
0xbc: {  	[tilespmem:v1+s14+$0x0] =	vst.idx.add.f32.msk $0xffff, v0  }
0xbd: {  	v1 =	vld [tilespmem:$0x50];
	_ =	sdelay $0x4  }
0xbe: {  	v1 =	vadd.s32 $0x800, v1;
	_ =	sdelay $0x4  }
0xbf: {  	[tilespmem:v1+s14+$0x0] =	vst.idx.add.f32.msk $0xff, v0  }
0xc0: {  	v1 =	vld [tilespmem:$0x60];
	_ =	sdelay $0x4  }
0xc1: {  	v1 =	vadd.s32 $0x1000, v1;
	_ =	sdelay $0x4  }
0xc2: {  	[tilespmem:v1+s14+$0x0] =	vst.idx.add.f32.msk $0xffff, v0  }
0xc3: {  	v1 =	vld [tilespmem:$0x70];
	_ =	sdelay $0x4  }
0xc4: {  	v1 =	vadd.s32 $0x1000, v1;
	_ =	sdelay $0x4  }
0xc5: {  	[tilespmem:v1+s14+$0x0] =	vst.idx.add.f32.msk $0xffff, v0  }
0xc6: {  	v1 =	vld [tilespmem:$0x80];
	_ =	sdelay $0x4  }
0xc7: {  	v1 =	vadd.s32 $0x1000, v1;
	_ =	sdelay $0x4  }
0xc8: {  	[tilespmem:v1+s14+$0x0] =	vst.idx.add.f32.msk $0xff, v0  }
0xc9: {  	v1 =	vld [tilespmem:$0x90];
	_ =	sdelay $0x4  }
0xca: {  	v1 =	vadd.s32 $0x1800, v1;
	_ =	sdelay $0x4  }
0xcb: {  	[tilespmem:v1+s14+$0x0] =	vst.idx.add.f32.msk $0xffff, v0  }
0xcc: {  	v1 =	vld [tilespmem:$0xA0];
	_ =	sdelay $0x4  }
0xcd: {  	v1 =	vadd.s32 $0x1800, v1;
	_ =	sdelay $0x4  }
0xce: {  	[tilespmem:v1+s14+$0x0] =	vst.idx.add.f32.msk $0xffff, v0  }
0xcf: {  	v1 =	vld [tilespmem:$0xB0];
	_ =	sdelay $0x4  }
0xd0: {  	v1 =	vadd.s32 $0x1800, v1;
	_ =	sdelay $0x4  }
0xd1: {  	[tilespmem:v1+s14+$0x0] =	vst.idx.add.f32.msk $0xff, v0  }
0xd2: {  	v1 =	vld [tilespmem:$0xC0];
	_ =	sdelay $0x4  }
0xd3: {  	v1 =	vadd.s32 $0x2000, v1;
	_ =	sdelay $0x4  }
0xd4: {  	[tilespmem:v1+s14+$0x0] =	vst.idx.add.f32.msk $0xffff, v0  }
0xd5: {  	v1 =	vld [tilespmem:$0xD0];
	_ =	sdelay $0x4  }
0xd6: {  	v1 =	vadd.s32 $0x2000, v1;
	_ =	sdelay $0x4  }
0xd7: {  	[tilespmem:v1+s14+$0x0] =	vst.idx.add.f32.msk $0xffff, v0  }
0xd8: {  	v1 =	vld [tilespmem:$0xE0];
	_ =	sdelay $0x4  }
0xd9: {  	v1 =	vadd.s32 $0x2000, v1;
	_ =	sdelay $0x4  }
0xda: {  	[tilespmem:v1+s14+$0x0] =	vst.idx.add.f32.msk $0xff, v0  }
0xdb: {  	v1 =	vld [tilespmem:$0xF0];
	_ =	sdelay $0x4  }
0xdc: {  	v1 =	vadd.s32 $0x2800, v1;
	_ =	sdelay $0x4  }
0xdd: {  	[tilespmem:v1+s14+$0x0] =	vst.idx.add.f32.msk $0xffff, v0  }
0xde: {  	v1 =	vld [tilespmem:$0x100];
	_ =	sdelay $0x4  }
0xdf: {  	v1 =	vadd.s32 $0x2800, v1;
	_ =	sdelay $0x4  }
0xe0: {  	[tilespmem:v1+s14+$0x0] =	vst.idx.add.f32.msk $0xffff, v0  }
0xe1: {  	v1 =	vld [tilespmem:$0x110];
	_ =	sdelay $0x4  }
0xe2: {  	v1 =	vadd.s32 $0x2800, v1;
	_ =	sdelay $0x4  }
0xe3: {  	[tilespmem:v1+s14+$0x0] =	vst.idx.add.f32.msk $0xff, v0  }
0xe4: {  	v1 =	vld [tilespmem:$0x120];
	_ =	sdelay $0x4  }
0xe5: {  	v1 =	vadd.s32 $0x3000, v1;
	_ =	sdelay $0x4  }
0xe6: {  	[tilespmem:v1+s14+$0x0] =	vst.idx.add.f32.msk $0xffff, v0  }
0xe7: {  	v1 =	vld [tilespmem:$0x130];
	_ =	sdelay $0x4  }
0xe8: {  	v1 =	vadd.s32 $0x3000, v1;
	_ =	sdelay $0x4  }
0xe9: {  	[tilespmem:v1+s14+$0x0] =	vst.idx.add.f32.msk $0xffff, v0  }
0xea: {  	v1 =	vld [tilespmem:$0x140];
	_ =	sdelay $0x4  }
0xeb: {  	v1 =	vadd.s32 $0x3000, v1;
	_ =	sdelay $0x4  }
0xec: {  	[tilespmem:v1+s14+$0x0] =	vst.idx.add.f32.msk $0xff, v0  }
0xed: {  	v1 =	vld [tilespmem:$0x150];
	_ =	sdelay $0x4  }
0xee: {  	v1 =	vadd.s32 $0x3800, v1;
	_ =	sdelay $0x4  }
0xef: {  	[tilespmem:v1+s14+$0x0] =	vst.idx.add.f32.msk $0xffff, v0  }
0xf0: {  	v1 =	vld [tilespmem:$0x160];
	_ =	sdelay $0x4  }
0xf1: {  	v1 =	vadd.s32 $0x3800, v1;
	_ =	sdelay $0x4  }
0xf2: {  	[tilespmem:v1+s14+$0x0] =	vst.idx.add.f32.msk $0xffff, v0  }
0xf3: {  	v1 =	vld [tilespmem:$0x170];
	_ =	sdelay $0x4  }
0xf4: {  	v1 =	vadd.s32 $0x3800, v1;
	_ =	sdelay $0x4  }
0xf5: {  	[tilespmem:v1+s14+$0x0] =	vst.idx.add.f32.msk $0xff, v0  }
0xf6: {  	v1 =	vld [tilespmem:$0x180];
	_ =	sdelay $0x4  }
0xf7: {  	v1 =	vadd.s32 $0x4000, v1;
	_ =	sdelay $0x4  }
0xf8: {  	[tilespmem:v1+s14+$0x0] =	vst.idx.add.f32.msk $0xffff, v0  }
0xf9: {  	v1 =	vld [tilespmem:$0x190];
	_ =	sdelay $0x4  }
0xfa: {  	v1 =	vadd.s32 $0x4000, v1;
	_ =	sdelay $0x4  }
0xfb: {  	[tilespmem:v1+s14+$0x0] =	vst.idx.add.f32.msk $0xffff, v0  }
0xfc: {  	v1 =	vld [tilespmem:$0x1A0];
	_ =	sdelay $0x4  }
0xfd: {  	v1 =	vadd.s32 $0x4000, v1;
	_ =	sdelay $0x4  }
0xfe: {  	[tilespmem:v1+s14+$0x0] =	vst.idx.add.f32.msk $0xff, v0  }
0xff: {  	v1 =	vld [tilespmem:$0x1B0];
	_ =	sdelay $0x4  }
0x100: {  	v1 =	vadd.s32 $0x4800, v1;
	_ =	sdelay $0x4  }
0x101: {  	[tilespmem:v1+s14+$0x0] =	vst.idx.add.f32.msk $0xffff, v0  }
0x102: {  	v1 =	vld [tilespmem:$0x1C0];
	_ =	sdelay $0x4  }
0x103: {  	v1 =	vadd.s32 $0x4800, v1;
	_ =	sdelay $0x4  }
0x104: {  	[tilespmem:v1+s14+$0x0] =	vst.idx.add.f32.msk $0xffff, v0  }
0x105: {  	v1 =	vld [tilespmem:$0x1D0];
	_ =	sdelay $0x4  }
0x106: {  	v1 =	vadd.s32 $0x4800, v1;
	_ =	sdelay $0x4  }
0x107: {  	[tilespmem:v1+s14+$0x0] =	vst.idx.add.f32.msk $0xff, v0  }
0x108: {  	v1 =	vld [tilespmem:$0x1E0];
	_ =	sdelay $0x4  }
0x109: {  	v1 =	vadd.s32 $0x5000, v1;
	_ =	sdelay $0x4  }
0x10a: {  	[tilespmem:v1+s14+$0x0] =	vst.idx.add.f32.msk $0xffff, v0  }
0x10b: {  	v1 =	vld [tilespmem:$0x1F0];
	_ =	sdelay $0x4  }
0x10c: {  	v1 =	vadd.s32 $0x5000, v1;
	_ =	sdelay $0x4  }
0x10d: {  	[tilespmem:v1+s14+$0x0] =	vst.idx.add.f32.msk $0xffff, v0  }
0x10e: {  	v1 =	vld [tilespmem:$0x200];
	_ =	sdelay $0x4  }
0x10f: {  	v1 =	vadd.s32 $0x5000, v1;
	_ =	sdelay $0x4  }
0x110: {  	[tilespmem:v1+s14+$0x0] =	vst.idx.add.f32.msk $0xff, v0  }
0x111: {  	v1 =	vld [tilespmem:$0x210];
	_ =	sdelay $0x4  }
0x112: {  	v1 =	vadd.s32 $0x5800, v1;
	_ =	sdelay $0x4  }
0x113: {  	[tilespmem:v1+s14+$0x0] =	vst.idx.add.f32.msk $0xffff, v0  }
0x114: {  	v1 =	vld [tilespmem:$0x220];
	_ =	sdelay $0x4  }
0x115: {  	v1 =	vadd.s32 $0x5800, v1;
	_ =	sdelay $0x4  }
0x116: {  	[tilespmem:v1+s14+$0x0] =	vst.idx.add.f32.msk $0xffff, v0  }
0x117: {  	v1 =	vld [tilespmem:$0x230];
	_ =	sdelay $0x4  }
0x118: {  	v1 =	vadd.s32 $0x5800, v1;
	_ =	sdelay $0x4  }
0x119: {  	[tilespmem:v1+s14+$0x0] =	vst.idx.add.f32.msk $0xff, v0  }
0x11a: {  	v1 =	vld [tilespmem:$0x240];
	_ =	sdelay $0x4  }
0x11b: {  	v1 =	vadd.s32 $0x6000, v1;
	_ =	sdelay $0x4  }
0x11c: {  	[tilespmem:v1+s14+$0x0] =	vst.idx.add.f32.msk $0xffff, v0  }
0x11d: {  	v1 =	vld [tilespmem:$0x250];
	_ =	sdelay $0x4  }
0x11e: {  	v1 =	vadd.s32 $0x6000, v1;
	_ =	sdelay $0x4  }
0x11f: {  	[tilespmem:v1+s14+$0x0] =	vst.idx.add.f32.msk $0xffff, v0  }
0x120: {  	v1 =	vld [tilespmem:$0x260];
	_ =	sdelay $0x4  }
0x121: {  	v1 =	vadd.s32 $0x6000, v1;
	_ =	sdelay $0x4  }
0x122: {  	[tilespmem:v1+s14+$0x0] =	vst.idx.add.f32.msk $0xff, v0  }
0x123: {  	v1 =	vld [tilespmem:$0x270];
	_ =	sdelay $0x4  }
0x124: {  	v1 =	vadd.s32 $0x6800, v1;
	_ =	sdelay $0x4  }
0x125: {  	[tilespmem:v1+s14+$0x0] =	vst.idx.add.f32.msk $0xffff, v0  }
0x126: {  	v1 =	vld [tilespmem:$0x280];
	_ =	sdelay $0x4  }
0x127: {  	v1 =	vadd.s32 $0x6800, v1;
	_ =	sdelay $0x4  }
0x128: {  	[tilespmem:v1+s14+$0x0] =	vst.idx.add.f32.msk $0xffff, v0  }
0x129: {  	v1 =	vld [tilespmem:$0x290];
	_ =	sdelay $0x4  }
0x12a: {  	v1 =	vadd.s32 $0x6800, v1;
	_ =	sdelay $0x4  }
0x12b: {  	[tilespmem:v1+s14+$0x0] =	vst.idx.add.f32.msk $0xff, v0  }
0x12c: {  	v1 =	vld [tilespmem:$0x2A0];
	_ =	sdelay $0x4  }
0x12d: {  	v1 =	vadd.s32 $0x7000, v1;
	_ =	sdelay $0x4  }
0x12e: {  	[tilespmem:v1+s14+$0x0] =	vst.idx.add.f32.msk $0xffff, v0  }
0x12f: {  	v1 =	vld [tilespmem:$0x2B0];
	_ =	sdelay $0x4  }
0x130: {  	v1 =	vadd.s32 $0x7000, v1;
	_ =	sdelay $0x4  }
0x131: {  	[tilespmem:v1+s14+$0x0] =	vst.idx.add.f32.msk $0xffff, v0  }
0x132: {  	v1 =	vld [tilespmem:$0x2C0];
	_ =	sdelay $0x4  }
0x133: {  	v1 =	vadd.s32 $0x7000, v1;
	_ =	sdelay $0x4  }
0x134: {  	[tilespmem:v1+s14+$0x0] =	vst.idx.add.f32.msk $0xff, v0  }
0x135: {  	v1 =	vld [tilespmem:$0x2D0];
	_ =	sdelay $0x4  }
0x136: {  	v1 =	vadd.s32 $0x7800, v1;
	_ =	sdelay $0x4  }
0x137: {  	[tilespmem:v1+s14+$0x0] =	vst.idx.add.f32.msk $0xffff, v0  }
0x138: {  	v1 =	vld [tilespmem:$0x2E0];
	_ =	sdelay $0x4  }
0x139: {  	v1 =	vadd.s32 $0x7800, v1;
	_ =	sdelay $0x4  }
0x13a: {  	[tilespmem:v1+s14+$0x0] =	vst.idx.add.f32.msk $0xffff, v0  }
0x13b: {  	v1 =	vld [tilespmem:$0x2F0];
	_ =	sdelay $0x4  }
0x13c: {  	v1 =	vadd.s32 $0x7800, v1;
	_ =	sdelay $0x4  }
0x13d: {  	[tilespmem:v1+s14+$0x0] =	vst.idx.add.f32.msk $0xff, v0  }
0x13e: {  	[hbm4b:s7+s2] =	stream.linear.scatter [tilespmem:s14], [sflag:$0x1], $0x8000, $0x38;
	[tilespmem:$0x8300] =	vst v63  }
0x13f: {  	_ =	swait.ge [sflag:s13], $0x8000  }
0x140: {  	[sflag:s13] =	ssyncset.done $0x0  }
0x141: {  	[sflag:s13] =	ssyncadd.s32 $0xFFFF8000  }
0x142: {  	[tilespmem:s2], [sflag:$0x1] =	stream.linear.gather [hbm4b:s8+s2], $0x300, $0x38;
	[tilespmem:$0x8300] =	vst v63  }
0x143: {  	_ =	swait.ge [sflag:s13], $0x300  }
0x144: {  	[sflag:s13] =	ssyncset.done $0x0  }
0x145: {  	[sflag:s13] =	ssyncadd.s32 $0xFFFFFD00  }
0x146: {  	[tilespmem:s14], [sflag:$0x1] =	stream.linear.gather [hbm4b:s3+s2], $0x8000, $0x38;
	[tilespmem:$0x8300] =	vst v63  }
0x147: {  	_ =	swait.ge [sflag:s13], $0x8000  }
0x148: {  	[sflag:s13] =	ssyncset.done $0x0  }
0x149: {  	[sflag:s13] =	ssyncadd.s32 $0xFFFF8000  }
0x14a: {  	v1 =	vld [tilespmem:$0x0];
	_ =	sdelay $0x7  }
0x14b: {  	[tilespmem:v1+s14+$0x0] =	vst.idx.add.f32.msk $0xffff, v0  }
0x14c: {  	v1 =	vld [tilespmem:$0x10];
	_ =	sdelay $0x7  }
0x14d: {  	[tilespmem:v1+s14+$0x0] =	vst.idx.add.f32.msk $0xffff, v0  }
0x14e: {  	v1 =	vld [tilespmem:$0x20];
	_ =	sdelay $0x7  }
0x14f: {  	[tilespmem:v1+s14+$0x0] =	vst.idx.add.f32.msk $0xff, v0  }
0x150: {  	v1 =	vld [tilespmem:$0x30];
	_ =	sdelay $0x4  }
0x151: {  	v1 =	vadd.s32 $0x800, v1;
	_ =	sdelay $0x4  }
0x152: {  	[tilespmem:v1+s14+$0x0] =	vst.idx.add.f32.msk $0xffff, v0  }
0x153: {  	v1 =	vld [tilespmem:$0x40];
	_ =	sdelay $0x4  }
0x154: {  	v1 =	vadd.s32 $0x800, v1;
	_ =	sdelay $0x4  }
0x155: {  	[tilespmem:v1+s14+$0x0] =	vst.idx.add.f32.msk $0xffff, v0  }
0x156: {  	v1 =	vld [tilespmem:$0x50];
	_ =	sdelay $0x4  }
0x157: {  	v1 =	vadd.s32 $0x800, v1;
	_ =	sdelay $0x4  }
0x158: {  	[tilespmem:v1+s14+$0x0] =	vst.idx.add.f32.msk $0xff, v0  }
0x159: {  	v1 =	vld [tilespmem:$0x60];
	_ =	sdelay $0x4  }
0x15a: {  	v1 =	vadd.s32 $0x1000, v1;
	_ =	sdelay $0x4  }
0x15b: {  	[tilespmem:v1+s14+$0x0] =	vst.idx.add.f32.msk $0xffff, v0  }
0x15c: {  	v1 =	vld [tilespmem:$0x70];
	_ =	sdelay $0x4  }
0x15d: {  	v1 =	vadd.s32 $0x1000, v1;
	_ =	sdelay $0x4  }
0x15e: {  	[tilespmem:v1+s14+$0x0] =	vst.idx.add.f32.msk $0xffff, v0  }
0x15f: {  	v1 =	vld [tilespmem:$0x80];
	_ =	sdelay $0x4  }
0x160: {  	v1 =	vadd.s32 $0x1000, v1;
	_ =	sdelay $0x4  }
0x161: {  	[tilespmem:v1+s14+$0x0] =	vst.idx.add.f32.msk $0xff, v0  }
0x162: {  	v1 =	vld [tilespmem:$0x90];
	_ =	sdelay $0x4  }
0x163: {  	v1 =	vadd.s32 $0x1800, v1;
	_ =	sdelay $0x4  }
0x164: {  	[tilespmem:v1+s14+$0x0] =	vst.idx.add.f32.msk $0xffff, v0  }
0x165: {  	v1 =	vld [tilespmem:$0xA0];
	_ =	sdelay $0x4  }
0x166: {  	v1 =	vadd.s32 $0x1800, v1;
	_ =	sdelay $0x4  }
0x167: {  	[tilespmem:v1+s14+$0x0] =	vst.idx.add.f32.msk $0xffff, v0  }
0x168: {  	v1 =	vld [tilespmem:$0xB0];
	_ =	sdelay $0x4  }
0x169: {  	v1 =	vadd.s32 $0x1800, v1;
	_ =	sdelay $0x4  }
0x16a: {  	[tilespmem:v1+s14+$0x0] =	vst.idx.add.f32.msk $0xff, v0  }
0x16b: {  	v1 =	vld [tilespmem:$0xC0];
	_ =	sdelay $0x4  }
0x16c: {  	v1 =	vadd.s32 $0x2000, v1;
	_ =	sdelay $0x4  }
0x16d: {  	[tilespmem:v1+s14+$0x0] =	vst.idx.add.f32.msk $0xffff, v0  }
0x16e: {  	v1 =	vld [tilespmem:$0xD0];
	_ =	sdelay $0x4  }
0x16f: {  	v1 =	vadd.s32 $0x2000, v1;
	_ =	sdelay $0x4  }
0x170: {  	[tilespmem:v1+s14+$0x0] =	vst.idx.add.f32.msk $0xffff, v0  }
0x171: {  	v1 =	vld [tilespmem:$0xE0];
	_ =	sdelay $0x4  }
0x172: {  	v1 =	vadd.s32 $0x2000, v1;
	_ =	sdelay $0x4  }
0x173: {  	[tilespmem:v1+s14+$0x0] =	vst.idx.add.f32.msk $0xff, v0  }
0x174: {  	v1 =	vld [tilespmem:$0xF0];
	_ =	sdelay $0x4  }
0x175: {  	v1 =	vadd.s32 $0x2800, v1;
	_ =	sdelay $0x4  }
0x176: {  	[tilespmem:v1+s14+$0x0] =	vst.idx.add.f32.msk $0xffff, v0  }
0x177: {  	v1 =	vld [tilespmem:$0x100];
	_ =	sdelay $0x4  }
0x178: {  	v1 =	vadd.s32 $0x2800, v1;
	_ =	sdelay $0x4  }
0x179: {  	[tilespmem:v1+s14+$0x0] =	vst.idx.add.f32.msk $0xffff, v0  }
0x17a: {  	v1 =	vld [tilespmem:$0x110];
	_ =	sdelay $0x4  }
0x17b: {  	v1 =	vadd.s32 $0x2800, v1;
	_ =	sdelay $0x4  }
0x17c: {  	[tilespmem:v1+s14+$0x0] =	vst.idx.add.f32.msk $0xff, v0  }
0x17d: {  	v1 =	vld [tilespmem:$0x120];
	_ =	sdelay $0x4  }
0x17e: {  	v1 =	vadd.s32 $0x3000, v1;
	_ =	sdelay $0x4  }
0x17f: {  	[tilespmem:v1+s14+$0x0] =	vst.idx.add.f32.msk $0xffff, v0  }
0x180: {  	v1 =	vld [tilespmem:$0x130];
	_ =	sdelay $0x4  }
0x181: {  	v1 =	vadd.s32 $0x3000, v1;
	_ =	sdelay $0x4  }
0x182: {  	[tilespmem:v1+s14+$0x0] =	vst.idx.add.f32.msk $0xffff, v0  }
0x183: {  	v1 =	vld [tilespmem:$0x140];
	_ =	sdelay $0x4  }
0x184: {  	v1 =	vadd.s32 $0x3000, v1;
	_ =	sdelay $0x4  }
0x185: {  	[tilespmem:v1+s14+$0x0] =	vst.idx.add.f32.msk $0xff, v0  }
0x186: {  	v1 =	vld [tilespmem:$0x150];
	_ =	sdelay $0x4  }
0x187: {  	v1 =	vadd.s32 $0x3800, v1;
	_ =	sdelay $0x4  }
0x188: {  	[tilespmem:v1+s14+$0x0] =	vst.idx.add.f32.msk $0xffff, v0  }
0x189: {  	v1 =	vld [tilespmem:$0x160];
	_ =	sdelay $0x4  }
0x18a: {  	v1 =	vadd.s32 $0x3800, v1;
	_ =	sdelay $0x4  }
0x18b: {  	[tilespmem:v1+s14+$0x0] =	vst.idx.add.f32.msk $0xffff, v0  }
0x18c: {  	v1 =	vld [tilespmem:$0x170];
	_ =	sdelay $0x4  }
0x18d: {  	v1 =	vadd.s32 $0x3800, v1;
	_ =	sdelay $0x4  }
0x18e: {  	[tilespmem:v1+s14+$0x0] =	vst.idx.add.f32.msk $0xff, v0  }
0x18f: {  	v1 =	vld [tilespmem:$0x180];
	_ =	sdelay $0x4  }
0x190: {  	v1 =	vadd.s32 $0x4000, v1;
	_ =	sdelay $0x4  }
0x191: {  	[tilespmem:v1+s14+$0x0] =	vst.idx.add.f32.msk $0xffff, v0  }
0x192: {  	v1 =	vld [tilespmem:$0x190];
	_ =	sdelay $0x4  }
0x193: {  	v1 =	vadd.s32 $0x4000, v1;
	_ =	sdelay $0x4  }
0x194: {  	[tilespmem:v1+s14+$0x0] =	vst.idx.add.f32.msk $0xffff, v0  }
0x195: {  	v1 =	vld [tilespmem:$0x1A0];
	_ =	sdelay $0x4  }
0x196: {  	v1 =	vadd.s32 $0x4000, v1;
	_ =	sdelay $0x4  }
0x197: {  	[tilespmem:v1+s14+$0x0] =	vst.idx.add.f32.msk $0xff, v0  }
0x198: {  	v1 =	vld [tilespmem:$0x1B0];
	_ =	sdelay $0x4  }
0x199: {  	v1 =	vadd.s32 $0x4800, v1;
	_ =	sdelay $0x4  }
0x19a: {  	[tilespmem:v1+s14+$0x0] =	vst.idx.add.f32.msk $0xffff, v0  }
0x19b: {  	v1 =	vld [tilespmem:$0x1C0];
	_ =	sdelay $0x4  }
0x19c: {  	v1 =	vadd.s32 $0x4800, v1;
	_ =	sdelay $0x4  }
0x19d: {  	[tilespmem:v1+s14+$0x0] =	vst.idx.add.f32.msk $0xffff, v0  }
0x19e: {  	v1 =	vld [tilespmem:$0x1D0];
	_ =	sdelay $0x4  }
0x19f: {  	v1 =	vadd.s32 $0x4800, v1;
	_ =	sdelay $0x4  }
0x1a0: {  	[tilespmem:v1+s14+$0x0] =	vst.idx.add.f32.msk $0xff, v0  }
0x1a1: {  	v1 =	vld [tilespmem:$0x1E0];
	_ =	sdelay $0x4  }
0x1a2: {  	v1 =	vadd.s32 $0x5000, v1;
	_ =	sdelay $0x4  }
0x1a3: {  	[tilespmem:v1+s14+$0x0] =	vst.idx.add.f32.msk $0xffff, v0  }
0x1a4: {  	v1 =	vld [tilespmem:$0x1F0];
	_ =	sdelay $0x4  }
0x1a5: {  	v1 =	vadd.s32 $0x5000, v1;
	_ =	sdelay $0x4  }
0x1a6: {  	[tilespmem:v1+s14+$0x0] =	vst.idx.add.f32.msk $0xffff, v0  }
0x1a7: {  	v1 =	vld [tilespmem:$0x200];
	_ =	sdelay $0x4  }
0x1a8: {  	v1 =	vadd.s32 $0x5000, v1;
	_ =	sdelay $0x4  }
0x1a9: {  	[tilespmem:v1+s14+$0x0] =	vst.idx.add.f32.msk $0xff, v0  }
0x1aa: {  	v1 =	vld [tilespmem:$0x210];
	_ =	sdelay $0x4  }
0x1ab: {  	v1 =	vadd.s32 $0x5800, v1;
	_ =	sdelay $0x4  }
0x1ac: {  	[tilespmem:v1+s14+$0x0] =	vst.idx.add.f32.msk $0xffff, v0  }
0x1ad: {  	v1 =	vld [tilespmem:$0x220];
	_ =	sdelay $0x4  }
0x1ae: {  	v1 =	vadd.s32 $0x5800, v1;
	_ =	sdelay $0x4  }
0x1af: {  	[tilespmem:v1+s14+$0x0] =	vst.idx.add.f32.msk $0xffff, v0  }
0x1b0: {  	v1 =	vld [tilespmem:$0x230];
	_ =	sdelay $0x4  }
0x1b1: {  	v1 =	vadd.s32 $0x5800, v1;
	_ =	sdelay $0x4  }
0x1b2: {  	[tilespmem:v1+s14+$0x0] =	vst.idx.add.f32.msk $0xff, v0  }
0x1b3: {  	v1 =	vld [tilespmem:$0x240];
	_ =	sdelay $0x4  }
0x1b4: {  	v1 =	vadd.s32 $0x6000, v1;
	_ =	sdelay $0x4  }
0x1b5: {  	[tilespmem:v1+s14+$0x0] =	vst.idx.add.f32.msk $0xffff, v0  }
0x1b6: {  	v1 =	vld [tilespmem:$0x250];
	_ =	sdelay $0x4  }
0x1b7: {  	v1 =	vadd.s32 $0x6000, v1;
	_ =	sdelay $0x4  }
0x1b8: {  	[tilespmem:v1+s14+$0x0] =	vst.idx.add.f32.msk $0xffff, v0  }
0x1b9: {  	v1 =	vld [tilespmem:$0x260];
	_ =	sdelay $0x4  }
0x1ba: {  	v1 =	vadd.s32 $0x6000, v1;
	_ =	sdelay $0x4  }
0x1bb: {  	[tilespmem:v1+s14+$0x0] =	vst.idx.add.f32.msk $0xff, v0  }
0x1bc: {  	v1 =	vld [tilespmem:$0x270];
	_ =	sdelay $0x4  }
0x1bd: {  	v1 =	vadd.s32 $0x6800, v1;
	_ =	sdelay $0x4  }
0x1be: {  	[tilespmem:v1+s14+$0x0] =	vst.idx.add.f32.msk $0xffff, v0  }
0x1bf: {  	v1 =	vld [tilespmem:$0x280];
	_ =	sdelay $0x4  }
0x1c0: {  	v1 =	vadd.s32 $0x6800, v1;
	_ =	sdelay $0x4  }
0x1c1: {  	[tilespmem:v1+s14+$0x0] =	vst.idx.add.f32.msk $0xffff, v0  }
0x1c2: {  	v1 =	vld [tilespmem:$0x290];
	_ =	sdelay $0x4  }
0x1c3: {  	v1 =	vadd.s32 $0x6800, v1;
	_ =	sdelay $0x4  }
0x1c4: {  	[tilespmem:v1+s14+$0x0] =	vst.idx.add.f32.msk $0xff, v0  }
0x1c5: {  	v1 =	vld [tilespmem:$0x2A0];
	_ =	sdelay $0x4  }
0x1c6: {  	v1 =	vadd.s32 $0x7000, v1;
	_ =	sdelay $0x4  }
0x1c7: {  	[tilespmem:v1+s14+$0x0] =	vst.idx.add.f32.msk $0xffff, v0  }
0x1c8: {  	v1 =	vld [tilespmem:$0x2B0];
	_ =	sdelay $0x4  }
0x1c9: {  	v1 =	vadd.s32 $0x7000, v1;
	_ =	sdelay $0x4  }
0x1ca: {  	[tilespmem:v1+s14+$0x0] =	vst.idx.add.f32.msk $0xffff, v0  }
0x1cb: {  	v1 =	vld [tilespmem:$0x2C0];
	_ =	sdelay $0x4  }
0x1cc: {  	v1 =	vadd.s32 $0x7000, v1;
	_ =	sdelay $0x4  }
0x1cd: {  	[tilespmem:v1+s14+$0x0] =	vst.idx.add.f32.msk $0xff, v0  }
0x1ce: {  	v1 =	vld [tilespmem:$0x2D0];
	_ =	sdelay $0x4  }
0x1cf: {  	v1 =	vadd.s32 $0x7800, v1;
	_ =	sdelay $0x4  }
0x1d0: {  	[tilespmem:v1+s14+$0x0] =	vst.idx.add.f32.msk $0xffff, v0  }
0x1d1: {  	v1 =	vld [tilespmem:$0x2E0];
	_ =	sdelay $0x4  }
0x1d2: {  	v1 =	vadd.s32 $0x7800, v1;
	_ =	sdelay $0x4  }
0x1d3: {  	[tilespmem:v1+s14+$0x0] =	vst.idx.add.f32.msk $0xffff, v0  }
0x1d4: {  	v1 =	vld [tilespmem:$0x2F0];
	_ =	sdelay $0x4  }
0x1d5: {  	v1 =	vadd.s32 $0x7800, v1;
	_ =	sdelay $0x4  }
0x1d6: {  	[tilespmem:v1+s14+$0x0] =	vst.idx.add.f32.msk $0xff, v0  }
0x1d7: {  	[hbm4b:s9+s2] =	stream.linear.scatter [tilespmem:s14], [sflag:$0x1], $0x8000, $0x38;
	[tilespmem:$0x8300] =	vst v63  }
0x1d8: {  	_ =	swait.ge [sflag:s13], $0x8000  }
0x1d9: {  	[sflag:s13] =	ssyncset.done $0x0  }
0x1da: {  	[sflag:s13] =	ssyncadd.s32 $0xFFFF8000  }
0x1db: {  	[tilespmem:s2], [sflag:$0x1] =	stream.linear.gather [hbm4b:s10+s2], $0x300, $0x38;
	[tilespmem:$0x8300] =	vst v63  }
0x1dc: {  	_ =	swait.ge [sflag:s13], $0x300  }
0x1dd: {  	[sflag:s13] =	ssyncset.done $0x0  }
0x1de: {  	[sflag:s13] =	ssyncadd.s32 $0xFFFFFD00  }
0x1df: {  	[tilespmem:s14], [sflag:$0x1] =	stream.linear.gather [hbm4b:s3+s2], $0x8000, $0x38;
	[tilespmem:$0x8300] =	vst v63  }
0x1e0: {  	_ =	swait.ge [sflag:s13], $0x8000  }
0x1e1: {  	[sflag:s13] =	ssyncset.done $0x0  }
0x1e2: {  	[sflag:s13] =	ssyncadd.s32 $0xFFFF8000  }
0x1e3: {  	v1 =	vld [tilespmem:$0x0];
	_ =	sdelay $0x7  }
0x1e4: {  	[tilespmem:v1+s14+$0x0] =	vst.idx.add.f32.msk $0xffff, v0  }
0x1e5: {  	v1 =	vld [tilespmem:$0x10];
	_ =	sdelay $0x7  }
0x1e6: {  	[tilespmem:v1+s14+$0x0] =	vst.idx.add.f32.msk $0xffff, v0  }
0x1e7: {  	v1 =	vld [tilespmem:$0x20];
	_ =	sdelay $0x7  }
0x1e8: {  	[tilespmem:v1+s14+$0x0] =	vst.idx.add.f32.msk $0xff, v0  }
0x1e9: {  	v1 =	vld [tilespmem:$0x30];
	_ =	sdelay $0x4  }
0x1ea: {  	v1 =	vadd.s32 $0x800, v1;
	_ =	sdelay $0x4  }
0x1eb: {  	[tilespmem:v1+s14+$0x0] =	vst.idx.add.f32.msk $0xffff, v0  }
0x1ec: {  	v1 =	vld [tilespmem:$0x40];
	_ =	sdelay $0x4  }
0x1ed: {  	v1 =	vadd.s32 $0x800, v1;
	_ =	sdelay $0x4  }
0x1ee: {  	[tilespmem:v1+s14+$0x0] =	vst.idx.add.f32.msk $0xffff, v0  }
0x1ef: {  	v1 =	vld [tilespmem:$0x50];
	_ =	sdelay $0x4  }
0x1f0: {  	v1 =	vadd.s32 $0x800, v1;
	_ =	sdelay $0x4  }
0x1f1: {  	[tilespmem:v1+s14+$0x0] =	vst.idx.add.f32.msk $0xff, v0  }
0x1f2: {  	v1 =	vld [tilespmem:$0x60];
	_ =	sdelay $0x4  }
0x1f3: {  	v1 =	vadd.s32 $0x1000, v1;
	_ =	sdelay $0x4  }
0x1f4: {  	[tilespmem:v1+s14+$0x0] =	vst.idx.add.f32.msk $0xffff, v0  }
0x1f5: {  	v1 =	vld [tilespmem:$0x70];
	_ =	sdelay $0x4  }
0x1f6: {  	v1 =	vadd.s32 $0x1000, v1;
	_ =	sdelay $0x4  }
0x1f7: {  	[tilespmem:v1+s14+$0x0] =	vst.idx.add.f32.msk $0xffff, v0  }
0x1f8: {  	v1 =	vld [tilespmem:$0x80];
	_ =	sdelay $0x4  }
0x1f9: {  	v1 =	vadd.s32 $0x1000, v1;
	_ =	sdelay $0x4  }
0x1fa: {  	[tilespmem:v1+s14+$0x0] =	vst.idx.add.f32.msk $0xff, v0  }
0x1fb: {  	v1 =	vld [tilespmem:$0x90];
	_ =	sdelay $0x4  }
0x1fc: {  	v1 =	vadd.s32 $0x1800, v1;
	_ =	sdelay $0x4  }
0x1fd: {  	[tilespmem:v1+s14+$0x0] =	vst.idx.add.f32.msk $0xffff, v0  }
0x1fe: {  	v1 =	vld [tilespmem:$0xA0];
	_ =	sdelay $0x4  }
0x1ff: {  	v1 =	vadd.s32 $0x1800, v1;
	_ =	sdelay $0x4  }
0x200: {  	[tilespmem:v1+s14+$0x0] =	vst.idx.add.f32.msk $0xffff, v0  }
0x201: {  	v1 =	vld [tilespmem:$0xB0];
	_ =	sdelay $0x4  }
0x202: {  	v1 =	vadd.s32 $0x1800, v1;
	_ =	sdelay $0x4  }
0x203: {  	[tilespmem:v1+s14+$0x0] =	vst.idx.add.f32.msk $0xff, v0  }
0x204: {  	v1 =	vld [tilespmem:$0xC0];
	_ =	sdelay $0x4  }
0x205: {  	v1 =	vadd.s32 $0x2000, v1;
	_ =	sdelay $0x4  }
0x206: {  	[tilespmem:v1+s14+$0x0] =	vst.idx.add.f32.msk $0xffff, v0  }
0x207: {  	v1 =	vld [tilespmem:$0xD0];
	_ =	sdelay $0x4  }
0x208: {  	v1 =	vadd.s32 $0x2000, v1;
	_ =	sdelay $0x4  }
0x209: {  	[tilespmem:v1+s14+$0x0] =	vst.idx.add.f32.msk $0xffff, v0  }
0x20a: {  	v1 =	vld [tilespmem:$0xE0];
	_ =	sdelay $0x4  }
0x20b: {  	v1 =	vadd.s32 $0x2000, v1;
	_ =	sdelay $0x4  }
0x20c: {  	[tilespmem:v1+s14+$0x0] =	vst.idx.add.f32.msk $0xff, v0  }
0x20d: {  	v1 =	vld [tilespmem:$0xF0];
	_ =	sdelay $0x4  }
0x20e: {  	v1 =	vadd.s32 $0x2800, v1;
	_ =	sdelay $0x4  }
0x20f: {  	[tilespmem:v1+s14+$0x0] =	vst.idx.add.f32.msk $0xffff, v0  }
0x210: {  	v1 =	vld [tilespmem:$0x100];
	_ =	sdelay $0x4  }
0x211: {  	v1 =	vadd.s32 $0x2800, v1;
	_ =	sdelay $0x4  }
0x212: {  	[tilespmem:v1+s14+$0x0] =	vst.idx.add.f32.msk $0xffff, v0  }
0x213: {  	v1 =	vld [tilespmem:$0x110];
	_ =	sdelay $0x4  }
0x214: {  	v1 =	vadd.s32 $0x2800, v1;
	_ =	sdelay $0x4  }
0x215: {  	[tilespmem:v1+s14+$0x0] =	vst.idx.add.f32.msk $0xff, v0  }
0x216: {  	v1 =	vld [tilespmem:$0x120];
	_ =	sdelay $0x4  }
0x217: {  	v1 =	vadd.s32 $0x3000, v1;
	_ =	sdelay $0x4  }
0x218: {  	[tilespmem:v1+s14+$0x0] =	vst.idx.add.f32.msk $0xffff, v0  }
0x219: {  	v1 =	vld [tilespmem:$0x130];
	_ =	sdelay $0x4  }
0x21a: {  	v1 =	vadd.s32 $0x3000, v1;
	_ =	sdelay $0x4  }
0x21b: {  	[tilespmem:v1+s14+$0x0] =	vst.idx.add.f32.msk $0xffff, v0  }
0x21c: {  	v1 =	vld [tilespmem:$0x140];
	_ =	sdelay $0x4  }
0x21d: {  	v1 =	vadd.s32 $0x3000, v1;
	_ =	sdelay $0x4  }
0x21e: {  	[tilespmem:v1+s14+$0x0] =	vst.idx.add.f32.msk $0xff, v0  }
0x21f: {  	v1 =	vld [tilespmem:$0x150];
	_ =	sdelay $0x4  }
0x220: {  	v1 =	vadd.s32 $0x3800, v1;
	_ =	sdelay $0x4  }
0x221: {  	[tilespmem:v1+s14+$0x0] =	vst.idx.add.f32.msk $0xffff, v0  }
0x222: {  	v1 =	vld [tilespmem:$0x160];
	_ =	sdelay $0x4  }
0x223: {  	v1 =	vadd.s32 $0x3800, v1;
	_ =	sdelay $0x4  }
0x224: {  	[tilespmem:v1+s14+$0x0] =	vst.idx.add.f32.msk $0xffff, v0  }
0x225: {  	v1 =	vld [tilespmem:$0x170];
	_ =	sdelay $0x4  }
0x226: {  	v1 =	vadd.s32 $0x3800, v1;
	_ =	sdelay $0x4  }
0x227: {  	[tilespmem:v1+s14+$0x0] =	vst.idx.add.f32.msk $0xff, v0  }
0x228: {  	v1 =	vld [tilespmem:$0x180];
	_ =	sdelay $0x4  }
0x229: {  	v1 =	vadd.s32 $0x4000, v1;
	_ =	sdelay $0x4  }
0x22a: {  	[tilespmem:v1+s14+$0x0] =	vst.idx.add.f32.msk $0xffff, v0  }
0x22b: {  	v1 =	vld [tilespmem:$0x190];
	_ =	sdelay $0x4  }
0x22c: {  	v1 =	vadd.s32 $0x4000, v1;
	_ =	sdelay $0x4  }
0x22d: {  	[tilespmem:v1+s14+$0x0] =	vst.idx.add.f32.msk $0xffff, v0  }
0x22e: {  	v1 =	vld [tilespmem:$0x1A0];
	_ =	sdelay $0x4  }
0x22f: {  	v1 =	vadd.s32 $0x4000, v1;
	_ =	sdelay $0x4  }
0x230: {  	[tilespmem:v1+s14+$0x0] =	vst.idx.add.f32.msk $0xff, v0  }
0x231: {  	v1 =	vld [tilespmem:$0x1B0];
	_ =	sdelay $0x4  }
0x232: {  	v1 =	vadd.s32 $0x4800, v1;
	_ =	sdelay $0x4  }
0x233: {  	[tilespmem:v1+s14+$0x0] =	vst.idx.add.f32.msk $0xffff, v0  }
0x234: {  	v1 =	vld [tilespmem:$0x1C0];
	_ =	sdelay $0x4  }
0x235: {  	v1 =	vadd.s32 $0x4800, v1;
	_ =	sdelay $0x4  }
0x236: {  	[tilespmem:v1+s14+$0x0] =	vst.idx.add.f32.msk $0xffff, v0  }
0x237: {  	v1 =	vld [tilespmem:$0x1D0];
	_ =	sdelay $0x4  }
0x238: {  	v1 =	vadd.s32 $0x4800, v1;
	_ =	sdelay $0x4  }
0x239: {  	[tilespmem:v1+s14+$0x0] =	vst.idx.add.f32.msk $0xff, v0  }
0x23a: {  	v1 =	vld [tilespmem:$0x1E0];
	_ =	sdelay $0x4  }
0x23b: {  	v1 =	vadd.s32 $0x5000, v1;
	_ =	sdelay $0x4  }
0x23c: {  	[tilespmem:v1+s14+$0x0] =	vst.idx.add.f32.msk $0xffff, v0  }
0x23d: {  	v1 =	vld [tilespmem:$0x1F0];
	_ =	sdelay $0x4  }
0x23e: {  	v1 =	vadd.s32 $0x5000, v1;
	_ =	sdelay $0x4  }
0x23f: {  	[tilespmem:v1+s14+$0x0] =	vst.idx.add.f32.msk $0xffff, v0  }
0x240: {  	v1 =	vld [tilespmem:$0x200];
	_ =	sdelay $0x4  }
0x241: {  	v1 =	vadd.s32 $0x5000, v1;
	_ =	sdelay $0x4  }
0x242: {  	[tilespmem:v1+s14+$0x0] =	vst.idx.add.f32.msk $0xff, v0  }
0x243: {  	v1 =	vld [tilespmem:$0x210];
	_ =	sdelay $0x4  }
0x244: {  	v1 =	vadd.s32 $0x5800, v1;
	_ =	sdelay $0x4  }
0x245: {  	[tilespmem:v1+s14+$0x0] =	vst.idx.add.f32.msk $0xffff, v0  }
0x246: {  	v1 =	vld [tilespmem:$0x220];
	_ =	sdelay $0x4  }
0x247: {  	v1 =	vadd.s32 $0x5800, v1;
	_ =	sdelay $0x4  }
0x248: {  	[tilespmem:v1+s14+$0x0] =	vst.idx.add.f32.msk $0xffff, v0  }
0x249: {  	v1 =	vld [tilespmem:$0x230];
	_ =	sdelay $0x4  }
0x24a: {  	v1 =	vadd.s32 $0x5800, v1;
	_ =	sdelay $0x4  }
0x24b: {  	[tilespmem:v1+s14+$0x0] =	vst.idx.add.f32.msk $0xff, v0  }
0x24c: {  	v1 =	vld [tilespmem:$0x240];
	_ =	sdelay $0x4  }
0x24d: {  	v1 =	vadd.s32 $0x6000, v1;
	_ =	sdelay $0x4  }
0x24e: {  	[tilespmem:v1+s14+$0x0] =	vst.idx.add.f32.msk $0xffff, v0  }
0x24f: {  	v1 =	vld [tilespmem:$0x250];
	_ =	sdelay $0x4  }
0x250: {  	v1 =	vadd.s32 $0x6000, v1;
	_ =	sdelay $0x4  }
0x251: {  	[tilespmem:v1+s14+$0x0] =	vst.idx.add.f32.msk $0xffff, v0  }
0x252: {  	v1 =	vld [tilespmem:$0x260];
	_ =	sdelay $0x4  }
0x253: {  	v1 =	vadd.s32 $0x6000, v1;
	_ =	sdelay $0x4  }
0x254: {  	[tilespmem:v1+s14+$0x0] =	vst.idx.add.f32.msk $0xff, v0  }
0x255: {  	v1 =	vld [tilespmem:$0x270];
	_ =	sdelay $0x4  }
0x256: {  	v1 =	vadd.s32 $0x6800, v1;
	_ =	sdelay $0x4  }
0x257: {  	[tilespmem:v1+s14+$0x0] =	vst.idx.add.f32.msk $0xffff, v0  }
0x258: {  	v1 =	vld [tilespmem:$0x280];
	_ =	sdelay $0x4  }
0x259: {  	v1 =	vadd.s32 $0x6800, v1;
	_ =	sdelay $0x4  }
0x25a: {  	[tilespmem:v1+s14+$0x0] =	vst.idx.add.f32.msk $0xffff, v0  }
0x25b: {  	v1 =	vld [tilespmem:$0x290];
	_ =	sdelay $0x4  }
0x25c: {  	v1 =	vadd.s32 $0x6800, v1;
	_ =	sdelay $0x4  }
0x25d: {  	[tilespmem:v1+s14+$0x0] =	vst.idx.add.f32.msk $0xff, v0  }
0x25e: {  	v1 =	vld [tilespmem:$0x2A0];
	_ =	sdelay $0x4  }
0x25f: {  	v1 =	vadd.s32 $0x7000, v1;
	_ =	sdelay $0x4  }
0x260: {  	[tilespmem:v1+s14+$0x0] =	vst.idx.add.f32.msk $0xffff, v0  }
0x261: {  	v1 =	vld [tilespmem:$0x2B0];
	_ =	sdelay $0x4  }
0x262: {  	v1 =	vadd.s32 $0x7000, v1;
	_ =	sdelay $0x4  }
0x263: {  	[tilespmem:v1+s14+$0x0] =	vst.idx.add.f32.msk $0xffff, v0  }
0x264: {  	v1 =	vld [tilespmem:$0x2C0];
	_ =	sdelay $0x4  }
0x265: {  	v1 =	vadd.s32 $0x7000, v1;
	_ =	sdelay $0x4  }
0x266: {  	[tilespmem:v1+s14+$0x0] =	vst.idx.add.f32.msk $0xff, v0  }
0x267: {  	v1 =	vld [tilespmem:$0x2D0];
	_ =	sdelay $0x4  }
0x268: {  	v1 =	vadd.s32 $0x7800, v1;
	_ =	sdelay $0x4  }
0x269: {  	[tilespmem:v1+s14+$0x0] =	vst.idx.add.f32.msk $0xffff, v0  }
0x26a: {  	v1 =	vld [tilespmem:$0x2E0];
	_ =	sdelay $0x4  }
0x26b: {  	v1 =	vadd.s32 $0x7800, v1;
	_ =	sdelay $0x4  }
0x26c: {  	[tilespmem:v1+s14+$0x0] =	vst.idx.add.f32.msk $0xffff, v0  }
0x26d: {  	v1 =	vld [tilespmem:$0x2F0];
	_ =	sdelay $0x4  }
0x26e: {  	v1 =	vadd.s32 $0x7800, v1;
	_ =	sdelay $0x3  }
0x26f: {  	p0 =	sne.s32 s12, $0x1  }
.Ltmp0:
0x270: {  	[tilespmem:v1+s14+$0x0] =	vst.idx.add.f32.msk $0xff, v0;
	(pc) =	sbr.rel @p0 .LBB2_1-.Ltmp0, $4  }
0x271: {  	[hbm4b:s11+s2] =	stream.linear.scatter [tilespmem:s14], [sflag:$0x1], $0x8000, $0x38;
	[tilespmem:$0x8300] =	vst v63  }
0x272: {  	_ =	swait.ge [sflag:s13], $0x8000  }
0x273: {  	[sflag:s13] =	ssyncset.done $0x0  }
0x274: {  	s12 =	sadd.s32 $0xFFFFFFFF, s12;
	[sflag:s13] =	ssyncadd.s32 $0xFFFF8000  }
0x275: {  	_ =	sfence.sel $0x180000  }
0x276: {  	[bflag:$0x0] =	sbarrier.arrive $0xFFFF  }
0x277: {  	p0 =	sne.s32 s1, $0x0;
	_ =	strace $0x90000047  }
0x278: {  	s0 =	sadd.s32 @!p0 $0x100000, s0;
	[bflag:$0x2] =	sbarrier.arrive $0xFFFF  }
0x279: {  	[sflag:s0] =	ssyncadd.tile.s32 @!p0 $0x1;
	_ =	shalt  }
.Lfunc_end2:
_tile_overlayer_lowered:
.L_overlay_start_2:
0x27a: {  	(tag) =	ssettag $0x2  }
0x27b: {  	s0 =	rddreg [dreg:$0x0];
	s2 =	stileid.u32  }
0x27c: {  	s1 =	rddreg [dreg:$0x1];
	p0 =	sne.s32 s2, $0x0  }
0x27d: {  	s3 =	rddreg [dreg:$0x2];
	[bflag:$0x3] =	sbarrier.arrive $0xFFFF;
	s2 =	simm.s32 @!p0 $0x1C01  }
0x27e: {  	[timem:s3], [sflag:s2] =	dma.local @!p0 [hbm:s0], s1  }
0x27f: {  	s0 =	simm.s32 @!p0 $0x1  }
0x280: {  	_ =	swait.ge @!p0 [sflag:s0], s1  }
0x281: {  	s1 =	ssub.s32 @!p0 $0x0, s1;
	[sflag:s0] =	ssyncset.done @!p0 $0x0  }
0x282: {  	[sflag:s0] =	ssyncadd.s32 @!p0 s1  }
0x283: {  	[bflag:$0x3] =	sbarrier.arrive $0xFFFF  }
0x284: {  	_ =	shalt  }

</sc_bundles>
